<compile_context>
chip_gen: v7x
topology: tpu7x:2x2x1
jax: 0.10.2.dev20260603
libtpu: 0.0.44.dev20260713+nightly
codegen_flags: <defaults>
</compile_context>

<pallas_src>
import functools

import jax
import jax.numpy as jnp
from jax import lax
from jax.experimental import pallas as pl
from jax.experimental.pallas import tpu as pltpu
from jax.experimental.pallas import tpu_sc as plsc

NC, NS, L = 2, 16, 16
BASE = 1 << 26
MASK = BASE - 1
ROUNDS = 5


@functools.lru_cache(maxsize=None)
def _build(N, M, HP, B):
    NM = N * M
    RCH = B // NS
    GCH = B // (NC * NS)
    GROWS = GCH // 128
    STRIPE = NM // NS
    mesh = plsc.VectorSubcoreMesh(core_axis_name="c", subcore_axis_name="s")

    def body(gx_hbm, gy_hbm, upd_hbm, out_hbm,
             table, gxf, gyf, keys, gbuf, vbuf, act, widx, rowbuf,
             sem0, sem1):
        cid = lax.axis_index("c")
        sid = lax.axis_index("s")
        rbase = sid * RCH
        iota = lax.broadcasted_iota(jnp.int32, (L,), 0)

        dgx = pltpu.async_copy(gx_hbm.at[pl.ds(rbase, RCH)], gxf, sem0)
        dgy = pltpu.async_copy(gy_hbm.at[pl.ds(rbase, RCH)], gyf, sem1)

        zero = jnp.zeros((L,), jnp.int32)

        def zfill(k, carry):
            act[pl.ds(k * L, L)] = zero
            return carry

        lax.fori_loop(0, RCH // L, zfill, 0)
        zds = [pltpu.async_copy(act,
                                table.at[pl.ds(sid * STRIPE + t * RCH, RCH)],
                                sem0)
               for t in range(STRIPE // RCH)]
        dgx.wait()
        dgy.wait()
        for d in zds:
            d.wait()

        one = jnp.ones((L,), jnp.int32)

        def kfill(k, carry):
            sl = pl.ds(k * L, L)
            keys[sl] = gxf[sl] * M + gyf[sl]
            vbuf[sl] = (BASE + rbase + k * L) + iota
            act[sl] = one
            return carry

        lax.fori_loop(0, RCH // L, kfill, 0)
        plsc.subcore_barrier()

        pltpu.sync_copy(vbuf, table.at[keys], add=True)
        plsc.subcore_barrier()

        for _ in range(ROUNDS):
            pltpu.sync_copy(table.at[keys], gbuf)

            def rbody(k, carry):
                sl = pl.ds(k * L, L)
                v = gbuf[sl]
                a = act[sl]
                cnt = lax.shift_right_logical(v, 26)
                ssum = v & MASK
                i_vec = (rbase + k * L) + iota
                elim = (a != 0) & (cnt * i_vec < ssum)
                vbuf[sl] = jnp.where(elim, -BASE - i_vec, 0)
                act[sl] = jnp.where(elim, 0, a)
                return carry

            lax.fori_loop(0, RCH // L, rbody, 0)
            plsc.subcore_barrier()
            pltpu.sync_copy(vbuf, table.at[keys], add=True)
            plsc.subcore_barrier()

        wid = sid * NC + cid
        pltpu.sync_copy(table.at[keys.at[pl.ds(cid * GCH, GCH)]], widx)

        def wbody(k, carry):
            sl = pl.ds(k * L, L)
            widx[sl] = widx[sl] & MASK
            return carry

        lax.fori_loop(0, GCH // L, wbody, 0)

        obase = wid * GCH
        sems = (sem0, sem1)
        desc = pltpu.async_copy(upd_hbm.at[widx.at[pl.ds(0, 128)]],
                                rowbuf.at[0], sems[0])
        for w in range(GROWS):
            nxt = None
            if w + 1 < GROWS:
                nxt = pltpu.async_copy(
                    upd_hbm.at[widx.at[pl.ds((w + 1) * 128, 128)]],
                    rowbuf.at[(w + 1) % 2], sems[(w + 1) % 2])
            desc.wait()
            pltpu.sync_copy(rowbuf.at[w % 2],
                            out_hbm.at[pl.ds(obase + w * 128, 128)])
            desc = nxt

    return pl.kernel(
        body,
        out_type=jax.ShapeDtypeStruct((B, HP), jnp.float32),
        mesh=mesh,
        scratch_types=[
            pltpu.VMEM_SHARED((NM,), jnp.int32),
            pltpu.VMEM((RCH,), jnp.int32),
            pltpu.VMEM((RCH,), jnp.int32),
            pltpu.VMEM((RCH,), jnp.int32),
            pltpu.VMEM((RCH,), jnp.int32),
            pltpu.VMEM((RCH,), jnp.int32),
            pltpu.VMEM((RCH,), jnp.int32),
            pltpu.VMEM((GCH,), jnp.int32),
            pltpu.VMEM((2, 128, HP), jnp.float32),
            pltpu.SemaphoreType.DMA,
            pltpu.SemaphoreType.DMA,
        ],
    )


def kernel(mem, grid_x, grid_y, updates):
    N, M, H = mem.shape
    B = grid_x.shape[0]
    del mem
    HP = 128
    updp = jnp.pad(updates, ((0, 0), (0, HP - H)))
    outp = _build(N, M, HP, B)(grid_x, grid_y, updp)
    return outp[:, :H]

# --- scband reference (transcript-rebuilt; emitter-appended) ---
"""Pipeline reference for scband-spatial-external-memory-403726926418 (READ-ONLY COPY).

The authoritative reference and input builder live on the scoring server;
editing this copy changes nothing except your own understanding.
"""

import jax, jax.numpy as jnp
import numpy as np

N, M, H, B = 1024, 1024, 64, 65536

def setup_inputs(seed: int = 0) -> dict:
    key = jax.random.key(seed)
    k1, k2, k3 = jax.random.split(key, 3)
    mem = jnp.zeros((N, M, H), dtype=jnp.float32)  # buffer init'd to 0.0 per nn.init.constant
    grid_x = jax.random.randint(k1, (B,), 0, N, dtype=jnp.int32)
    grid_y = jax.random.randint(k2, (B,), 0, M, dtype=jnp.int32)
    updates = jax.random.normal(k3, (B, H), dtype=jnp.float32)
    return {"mem": mem, "grid_x": grid_x, "grid_y": grid_y, "updates": updates}

def reference(mem, grid_x, grid_y, updates):
    # update(): scatter-overwrite  memory[grid_x, grid_y, :] = updates
    mem2 = mem.at[grid_x, grid_y].set(updates)
    # read(): gather  memory[grid_x, grid_y, :]
    out = mem2[grid_x, grid_y]
    return out

if __name__ == "__main__":
    import jax
    _d = setup_inputs()
    print(jax.jit(kernel)(*tuple(_d.values())))

</pallas_src>

<mosaic_0001>
#map = affine_map<(d0, d1) -> (0)>
#map1 = affine_map<(d0, d1) -> (0, 0)>
module attributes {stable_mosaic.version = 14 : i64} {
  func.func @body(%arg0: i32, %arg1: i32, %arg2: memref<65536xi32, #tpu.memory_space<hbm>>, %arg3: memref<65536xi32, #tpu.memory_space<hbm>>, %arg4: memref<65536x128xf32, #tpu.memory_space<hbm>>, %arg5: memref<65536x128xf32, #tpu.memory_space<hbm>>, %arg6: memref<1048576xi32, #tpu.memory_space<vmem_shared>>, %arg7: memref<4096xi32, #tpu.memory_space<vmem>>, %arg8: memref<4096xi32, #tpu.memory_space<vmem>>, %arg9: memref<4096xi32, #tpu.memory_space<vmem>>, %arg10: memref<4096xi32, #tpu.memory_space<vmem>>, %arg11: memref<4096xi32, #tpu.memory_space<vmem>>, %arg12: memref<4096xi32, #tpu.memory_space<vmem>>, %arg13: memref<2048xi32, #tpu.memory_space<vmem>>, %arg14: memref<2x128x128xf32, #tpu.memory_space<vmem>>, %arg15: memref<!tpu.dma_semaphore, #tpu.memory_space<semaphore_mem>>, %arg16: memref<!tpu.dma_semaphore, #tpu.memory_space<semaphore_mem>>) attributes {dimension_semantics = [#tpu.dimension_semantics<core_parallel>, #tpu.dimension_semantics<subcore_parallel>], iteration_bounds = array<i64: 2, 16>, scalar_prefetch = 0 : i64, scratch_operands = 11 : i64, tpu.core_type = #tpu.core_type<sc_vector_subcore>, window_params = [{transform_indices = #map}, {transform_indices = #map}, {transform_indices = #map1}, {transform_indices = #map1}]} {
    %mul3A = arith.constant 4096 : i32
    %mul3A_0 = arith.muli %arg1, %mul3A : i32
    %iota3A = tpu.iota {dimensions = array<i32: 0>} : vector<16xi32>
    %dma_start3A = tpu.memref_slice %arg2[%mul3A_0] : memref<65536xi32, #tpu.memory_space<hbm>> -> memref<4096xi32, #tpu.memory_space<hbm>>
    %dma_start3A_1 = tpu.memref_slice %arg2[%mul3A_0] : memref<65536xi32, #tpu.memory_space<hbm>> -> memref<4096xi32, #tpu.memory_space<hbm>>
    tpu.enqueue_dma source(%dma_start3A_1 : memref<4096xi32, #tpu.memory_space<hbm>>) target(%arg7 : memref<4096xi32, #tpu.memory_space<vmem>>) target_semaphore(%arg15 : memref<!tpu.dma_semaphore, #tpu.memory_space<semaphore_mem>>)
    %dma_start3A_2 = tpu.memref_slice %arg3[%mul3A_0] : memref<65536xi32, #tpu.memory_space<hbm>> -> memref<4096xi32, #tpu.memory_space<hbm>>
    %dma_start3A_3 = tpu.memref_slice %arg3[%mul3A_0] : memref<65536xi32, #tpu.memory_space<hbm>> -> memref<4096xi32, #tpu.memory_space<hbm>>
    tpu.enqueue_dma source(%dma_start3A_3 : memref<4096xi32, #tpu.memory_space<hbm>>) target(%arg8 : memref<4096xi32, #tpu.memory_space<vmem>>) target_semaphore(%arg16 : memref<!tpu.dma_semaphore, #tpu.memory_space<semaphore_mem>>)
    %broadcast_in_dim3A = arith.constant 0 : i32
    %broadcast_in_dim3A_4 = vector.broadcast %broadcast_in_dim3A : i32 to vector<16xi32>
    %scan3A = arith.constant 0 : i32
    %scan3A_5 = arith.constant 0 : i32
    %scan3A_6 = arith.constant 256 : i32
    %scan3A_7 = arith.addi %scan3A_5, %scan3A_6 : i32
    %scan3A_8 = arith.constant 1 : i32
    scf.for %scan3A_569 = %scan3A_5 to %scan3A_7 step %scan3A_8  : i32 {
      %mul3A_570 = arith.constant 16 : i32
      %mul3A_571 = arith.muli %scan3A_569, %mul3A_570 : i32
      %swap3A = arith.index_cast %mul3A_571 : i32 to index
      %swap3A_572 = tpu.vector_load %arg12[%swap3A] {strides = array<i32>} : memref<4096xi32, #tpu.memory_space<vmem>>, vector<16xi32>,
      %swap3A_573 = vector.shape_cast %swap3A_572 : vector<16xi32> to vector<16xi32>
      %swap3A_574 = vector.shape_cast %broadcast_in_dim3A_4 : vector<16xi32> to vector<16xi32>
      tpu.vector_store %arg12[%swap3A], %swap3A_574 {strides = array<i32>} : memref<4096xi32, #tpu.memory_space<vmem>>, vector<16xi32>,
    }
    %scan3A_9 = arith.constant 256 : i32
    %mul3A_10 = arith.constant 65536 : i32
    %mul3A_11 = arith.muli %arg1, %mul3A_10 : i32
    %add3A = arith.constant 0 : i32
    %add3A_12 = arith.addi %mul3A_11, %add3A : i32
    %dma_start3A_13 = tpu.memref_slice %arg6[%add3A_12] : memref<1048576xi32, #tpu.memory_space<vmem_shared>> -> memref<4096xi32, #tpu.memory_space<vmem_shared>>
    %dma_start3A_14 = tpu.memref_slice %arg6[%add3A_12] : memref<1048576xi32, #tpu.memory_space<vmem_shared>> -> memref<4096xi32, #tpu.memory_space<vmem_shared>>
    tpu.enqueue_dma source(%arg12 : memref<4096xi32, #tpu.memory_space<vmem>>) target(%dma_start3A_14 : memref<4096xi32, #tpu.memory_space<vmem_shared>>) target_semaphore(%arg15 : memref<!tpu.dma_semaphore, #tpu.memory_space<semaphore_mem>>)
    %mul3A_15 = arith.constant 65536 : i32
    %mul3A_16 = arith.muli %arg1, %mul3A_15 : i32
    %add3A_17 = arith.constant 4096 : i32
    %add3A_18 = arith.addi %mul3A_16, %add3A_17 : i32
    %dma_start3A_19 = tpu.memref_slice %arg6[%add3A_18] : memref<1048576xi32, #tpu.memory_space<vmem_shared>> -> memref<4096xi32, #tpu.memory_space<vmem_shared>>
    %dma_start3A_20 = tpu.memref_slice %arg6[%add3A_18] : memref<1048576xi32, #tpu.memory_space<vmem_shared>> -> memref<4096xi32, #tpu.memory_space<vmem_shared>>
    tpu.enqueue_dma source(%arg12 : memref<4096xi32, #tpu.memory_space<vmem>>) target(%dma_start3A_20 : memref<4096xi32, #tpu.memory_space<vmem_shared>>) target_semaphore(%arg15 : memref<!tpu.dma_semaphore, #tpu.memory_space<semaphore_mem>>)
    %mul3A_21 = arith.constant 65536 : i32
    %mul3A_22 = arith.muli %arg1, %mul3A_21 : i32
    %add3A_23 = arith.constant 8192 : i32
    %add3A_24 = arith.addi %mul3A_22, %add3A_23 : i32
    %dma_start3A_25 = tpu.memref_slice %arg6[%add3A_24] : memref<1048576xi32, #tpu.memory_space<vmem_shared>> -> memref<4096xi32, #tpu.memory_space<vmem_shared>>
    %dma_start3A_26 = tpu.memref_slice %arg6[%add3A_24] : memref<1048576xi32, #tpu.memory_space<vmem_shared>> -> memref<4096xi32, #tpu.memory_space<vmem_shared>>
    tpu.enqueue_dma source(%arg12 : memref<4096xi32, #tpu.memory_space<vmem>>) target(%dma_start3A_26 : memref<4096xi32, #tpu.memory_space<vmem_shared>>) target_semaphore(%arg15 : memref<!tpu.dma_semaphore, #tpu.memory_space<semaphore_mem>>)
    %mul3A_27 = arith.constant 65536 : i32
    %mul3A_28 = arith.muli %arg1, %mul3A_27 : i32
    %add3A_29 = arith.constant 12288 : i32
    %add3A_30 = arith.addi %mul3A_28, %add3A_29 : i32
    %dma_start3A_31 = tpu.memref_slice %arg6[%add3A_30] : memref<1048576xi32, #tpu.memory_space<vmem_shared>> -> memref<4096xi32, #tpu.memory_space<vmem_shared>>
    %dma_start3A_32 = tpu.memref_slice %arg6[%add3A_30] : memref<1048576xi32, #tpu.memory_space<vmem_shared>> -> memref<4096xi32, #tpu.memory_space<vmem_shared>>
    tpu.enqueue_dma source(%arg12 : memref<4096xi32, #tpu.memory_space<vmem>>) target(%dma_start3A_32 : memref<4096xi32, #tpu.memory_space<vmem_shared>>) target_semaphore(%arg15 : memref<!tpu.dma_semaphore, #tpu.memory_space<semaphore_mem>>)
    %mul3A_33 = arith.constant 65536 : i32
    %mul3A_34 = arith.muli %arg1, %mul3A_33 : i32
    %add3A_35 = arith.constant 16384 : i32
    %add3A_36 = arith.addi %mul3A_34, %add3A_35 : i32
    %dma_start3A_37 = tpu.memref_slice %arg6[%add3A_36] : memref<1048576xi32, #tpu.memory_space<vmem_shared>> -> memref<4096xi32, #tpu.memory_space<vmem_shared>>
    %dma_start3A_38 = tpu.memref_slice %arg6[%add3A_36] : memref<1048576xi32, #tpu.memory_space<vmem_shared>> -> memref<4096xi32, #tpu.memory_space<vmem_shared>>
    tpu.enqueue_dma source(%arg12 : memref<4096xi32, #tpu.memory_space<vmem>>) target(%dma_start3A_38 : memref<4096xi32, #tpu.memory_space<vmem_shared>>) target_semaphore(%arg15 : memref<!tpu.dma_semaphore, #tpu.memory_space<semaphore_mem>>)
    %mul3A_39 = arith.constant 65536 : i32
    %mul3A_40 = arith.muli %arg1, %mul3A_39 : i32
    %add3A_41 = arith.constant 20480 : i32
    %add3A_42 = arith.addi %mul3A_40, %add3A_41 : i32
    %dma_start3A_43 = tpu.memref_slice %arg6[%add3A_42] : memref<1048576xi32, #tpu.memory_space<vmem_shared>> -> memref<4096xi32, #tpu.memory_space<vmem_shared>>
    %dma_start3A_44 = tpu.memref_slice %arg6[%add3A_42] : memref<1048576xi32, #tpu.memory_space<vmem_shared>> -> memref<4096xi32, #tpu.memory_space<vmem_shared>>
    tpu.enqueue_dma source(%arg12 : memref<4096xi32, #tpu.memory_space<vmem>>) target(%dma_start3A_44 : memref<4096xi32, #tpu.memory_space<vmem_shared>>) target_semaphore(%arg15 : memref<!tpu.dma_semaphore, #tpu.memory_space<semaphore_mem>>)
    %mul3A_45 = arith.constant 65536 : i32
    %mul3A_46 = arith.muli %arg1, %mul3A_45 : i32
    %add3A_47 = arith.constant 24576 : i32
    %add3A_48 = arith.addi %mul3A_46, %add3A_47 : i32
    %dma_start3A_49 = tpu.memref_slice %arg6[%add3A_48] : memref<1048576xi32, #tpu.memory_space<vmem_shared>> -> memref<4096xi32, #tpu.memory_space<vmem_shared>>
    %dma_start3A_50 = tpu.memref_slice %arg6[%add3A_48] : memref<1048576xi32, #tpu.memory_space<vmem_shared>> -> memref<4096xi32, #tpu.memory_space<vmem_shared>>
    tpu.enqueue_dma source(%arg12 : memref<4096xi32, #tpu.memory_space<vmem>>) target(%dma_start3A_50 : memref<4096xi32, #tpu.memory_space<vmem_shared>>) target_semaphore(%arg15 : memref<!tpu.dma_semaphore, #tpu.memory_space<semaphore_mem>>)
    %mul3A_51 = arith.constant 65536 : i32
    %mul3A_52 = arith.muli %arg1, %mul3A_51 : i32
    %add3A_53 = arith.constant 28672 : i32
    %add3A_54 = arith.addi %mul3A_52, %add3A_53 : i32
    %dma_start3A_55 = tpu.memref_slice %arg6[%add3A_54] : memref<1048576xi32, #tpu.memory_space<vmem_shared>> -> memref<4096xi32, #tpu.memory_space<vmem_shared>>
    %dma_start3A_56 = tpu.memref_slice %arg6[%add3A_54] : memref<1048576xi32, #tpu.memory_space<vmem_shared>> -> memref<4096xi32, #tpu.memory_space<vmem_shared>>
    tpu.enqueue_dma source(%arg12 : memref<4096xi32, #tpu.memory_space<vmem>>) target(%dma_start3A_56 : memref<4096xi32, #tpu.memory_space<vmem_shared>>) target_semaphore(%arg15 : memref<!tpu.dma_semaphore, #tpu.memory_space<semaphore_mem>>)
    %mul3A_57 = arith.constant 65536 : i32
    %mul3A_58 = arith.muli %arg1, %mul3A_57 : i32
    %add3A_59 = arith.constant 32768 : i32
    %add3A_60 = arith.addi %mul3A_58, %add3A_59 : i32
    %dma_start3A_61 = tpu.memref_slice %arg6[%add3A_60] : memref<1048576xi32, #tpu.memory_space<vmem_shared>> -> memref<4096xi32, #tpu.memory_space<vmem_shared>>
    %dma_start3A_62 = tpu.memref_slice %arg6[%add3A_60] : memref<1048576xi32, #tpu.memory_space<vmem_shared>> -> memref<4096xi32, #tpu.memory_space<vmem_shared>>
    tpu.enqueue_dma source(%arg12 : memref<4096xi32, #tpu.memory_space<vmem>>) target(%dma_start3A_62 : memref<4096xi32, #tpu.memory_space<vmem_shared>>) target_semaphore(%arg15 : memref<!tpu.dma_semaphore, #tpu.memory_space<semaphore_mem>>)
    %mul3A_63 = arith.constant 65536 : i32
    %mul3A_64 = arith.muli %arg1, %mul3A_63 : i32
    %add3A_65 = arith.constant 36864 : i32
    %add3A_66 = arith.addi %mul3A_64, %add3A_65 : i32
    %dma_start3A_67 = tpu.memref_slice %arg6[%add3A_66] : memref<1048576xi32, #tpu.memory_space<vmem_shared>> -> memref<4096xi32, #tpu.memory_space<vmem_shared>>
    %dma_start3A_68 = tpu.memref_slice %arg6[%add3A_66] : memref<1048576xi32, #tpu.memory_space<vmem_shared>> -> memref<4096xi32, #tpu.memory_space<vmem_shared>>
    tpu.enqueue_dma source(%arg12 : memref<4096xi32, #tpu.memory_space<vmem>>) target(%dma_start3A_68 : memref<4096xi32, #tpu.memory_space<vmem_shared>>) target_semaphore(%arg15 : memref<!tpu.dma_semaphore, #tpu.memory_space<semaphore_mem>>)
    %mul3A_69 = arith.constant 65536 : i32
    %mul3A_70 = arith.muli %arg1, %mul3A_69 : i32
    %add3A_71 = arith.constant 40960 : i32
    %add3A_72 = arith.addi %mul3A_70, %add3A_71 : i32
    %dma_start3A_73 = tpu.memref_slice %arg6[%add3A_72] : memref<1048576xi32, #tpu.memory_space<vmem_shared>> -> memref<4096xi32, #tpu.memory_space<vmem_shared>>
    %dma_start3A_74 = tpu.memref_slice %arg6[%add3A_72] : memref<1048576xi32, #tpu.memory_space<vmem_shared>> -> memref<4096xi32, #tpu.memory_space<vmem_shared>>
    tpu.enqueue_dma source(%arg12 : memref<4096xi32, #tpu.memory_space<vmem>>) target(%dma_start3A_74 : memref<4096xi32, #tpu.memory_space<vmem_shared>>) target_semaphore(%arg15 : memref<!tpu.dma_semaphore, #tpu.memory_space<semaphore_mem>>)
    %mul3A_75 = arith.constant 65536 : i32
    %mul3A_76 = arith.muli %arg1, %mul3A_75 : i32
    %add3A_77 = arith.constant 45056 : i32
    %add3A_78 = arith.addi %mul3A_76, %add3A_77 : i32
    %dma_start3A_79 = tpu.memref_slice %arg6[%add3A_78] : memref<1048576xi32, #tpu.memory_space<vmem_shared>> -> memref<4096xi32, #tpu.memory_space<vmem_shared>>
    %dma_start3A_80 = tpu.memref_slice %arg6[%add3A_78] : memref<1048576xi32, #tpu.memory_space<vmem_shared>> -> memref<4096xi32, #tpu.memory_space<vmem_shared>>
    tpu.enqueue_dma source(%arg12 : memref<4096xi32, #tpu.memory_space<vmem>>) target(%dma_start3A_80 : memref<4096xi32, #tpu.memory_space<vmem_shared>>) target_semaphore(%arg15 : memref<!tpu.dma_semaphore, #tpu.memory_space<semaphore_mem>>)
    %mul3A_81 = arith.constant 65536 : i32
    %mul3A_82 = arith.muli %arg1, %mul3A_81 : i32
    %add3A_83 = arith.constant 49152 : i32
    %add3A_84 = arith.addi %mul3A_82, %add3A_83 : i32
    %dma_start3A_85 = tpu.memref_slice %arg6[%add3A_84] : memref<1048576xi32, #tpu.memory_space<vmem_shared>> -> memref<4096xi32, #tpu.memory_space<vmem_shared>>
    %dma_start3A_86 = tpu.memref_slice %arg6[%add3A_84] : memref<1048576xi32, #tpu.memory_space<vmem_shared>> -> memref<4096xi32, #tpu.memory_space<vmem_shared>>
    tpu.enqueue_dma source(%arg12 : memref<4096xi32, #tpu.memory_space<vmem>>) target(%dma_start3A_86 : memref<4096xi32, #tpu.memory_space<vmem_shared>>) target_semaphore(%arg15 : memref<!tpu.dma_semaphore, #tpu.memory_space<semaphore_mem>>)
    %mul3A_87 = arith.constant 65536 : i32
    %mul3A_88 = arith.muli %arg1, %mul3A_87 : i32
    %add3A_89 = arith.constant 53248 : i32
    %add3A_90 = arith.addi %mul3A_88, %add3A_89 : i32
    %dma_start3A_91 = tpu.memref_slice %arg6[%add3A_90] : memref<1048576xi32, #tpu.memory_space<vmem_shared>> -> memref<4096xi32, #tpu.memory_space<vmem_shared>>
    %dma_start3A_92 = tpu.memref_slice %arg6[%add3A_90] : memref<1048576xi32, #tpu.memory_space<vmem_shared>> -> memref<4096xi32, #tpu.memory_space<vmem_shared>>
    tpu.enqueue_dma source(%arg12 : memref<4096xi32, #tpu.memory_space<vmem>>) target(%dma_start3A_92 : memref<4096xi32, #tpu.memory_space<vmem_shared>>) target_semaphore(%arg15 : memref<!tpu.dma_semaphore, #tpu.memory_space<semaphore_mem>>)
    %mul3A_93 = arith.constant 65536 : i32
    %mul3A_94 = arith.muli %arg1, %mul3A_93 : i32
    %add3A_95 = arith.constant 57344 : i32
    %add3A_96 = arith.addi %mul3A_94, %add3A_95 : i32
    %dma_start3A_97 = tpu.memref_slice %arg6[%add3A_96] : memref<1048576xi32, #tpu.memory_space<vmem_shared>> -> memref<4096xi32, #tpu.memory_space<vmem_shared>>
    %dma_start3A_98 = tpu.memref_slice %arg6[%add3A_96] : memref<1048576xi32, #tpu.memory_space<vmem_shared>> -> memref<4096xi32, #tpu.memory_space<vmem_shared>>
    tpu.enqueue_dma source(%arg12 : memref<4096xi32, #tpu.memory_space<vmem>>) target(%dma_start3A_98 : memref<4096xi32, #tpu.memory_space<vmem_shared>>) target_semaphore(%arg15 : memref<!tpu.dma_semaphore, #tpu.memory_space<semaphore_mem>>)
    %mul3A_99 = arith.constant 65536 : i32
    %mul3A_100 = arith.muli %arg1, %mul3A_99 : i32
    %add3A_101 = arith.constant 61440 : i32
    %add3A_102 = arith.addi %mul3A_100, %add3A_101 : i32
    %dma_start3A_103 = tpu.memref_slice %arg6[%add3A_102] : memref<1048576xi32, #tpu.memory_space<vmem_shared>> -> memref<4096xi32, #tpu.memory_space<vmem_shared>>
    %dma_start3A_104 = tpu.memref_slice %arg6[%add3A_102] : memref<1048576xi32, #tpu.memory_space<vmem_shared>> -> memref<4096xi32, #tpu.memory_space<vmem_shared>>
    tpu.enqueue_dma source(%arg12 : memref<4096xi32, #tpu.memory_space<vmem>>) target(%dma_start3A_104 : memref<4096xi32, #tpu.memory_space<vmem_shared>>) target_semaphore(%arg15 : memref<!tpu.dma_semaphore, #tpu.memory_space<semaphore_mem>>)
    %dma_wait3A = tpu.memref_slice %arg2[%mul3A_0] : memref<65536xi32, #tpu.memory_space<hbm>> -> memref<4096xi32, #tpu.memory_space<hbm>>
    %dma_wait3A_105 = tpu.memref_slice %arg2[%mul3A_0] : memref<65536xi32, #tpu.memory_space<hbm>> -> memref<4096xi32, #tpu.memory_space<hbm>>
    tpu.wait_dma2 semaphore(%arg15 : memref<!tpu.dma_semaphore, #tpu.memory_space<semaphore_mem>>) src(%dma_wait3A_105 : memref<4096xi32, #tpu.memory_space<hbm>>) dst(%arg7 : memref<4096xi32, #tpu.memory_space<vmem>>)
    %dma_wait3A_106 = tpu.memref_slice %arg3[%mul3A_0] : memref<65536xi32, #tpu.memory_space<hbm>> -> memref<4096xi32, #tpu.memory_space<hbm>>
    %dma_wait3A_107 = tpu.memref_slice %arg3[%mul3A_0] : memref<65536xi32, #tpu.memory_space<hbm>> -> memref<4096xi32, #tpu.memory_space<hbm>>
    tpu.wait_dma2 semaphore(%arg16 : memref<!tpu.dma_semaphore, #tpu.memory_space<semaphore_mem>>) src(%dma_wait3A_107 : memref<4096xi32, #tpu.memory_space<hbm>>) dst(%arg8 : memref<4096xi32, #tpu.memory_space<vmem>>)
    %dma_wait3A_108 = tpu.memref_slice %arg6[%add3A_12] : memref<1048576xi32, #tpu.memory_space<vmem_shared>> -> memref<4096xi32, #tpu.memory_space<vmem_shared>>
    %dma_wait3A_109 = tpu.memref_slice %arg6[%add3A_12] : memref<1048576xi32, #tpu.memory_space<vmem_shared>> -> memref<4096xi32, #tpu.memory_space<vmem_shared>>
    tpu.wait_dma2 semaphore(%arg15 : memref<!tpu.dma_semaphore, #tpu.memory_space<semaphore_mem>>) src(%arg12 : memref<4096xi32, #tpu.memory_space<vmem>>) dst(%dma_wait3A_109 : memref<4096xi32, #tpu.memory_space<vmem_shared>>)
    %dma_wait3A_110 = tpu.memref_slice %arg6[%add3A_18] : memref<1048576xi32, #tpu.memory_space<vmem_shared>> -> memref<4096xi32, #tpu.memory_space<vmem_shared>>
    %dma_wait3A_111 = tpu.memref_slice %arg6[%add3A_18] : memref<1048576xi32, #tpu.memory_space<vmem_shared>> -> memref<4096xi32, #tpu.memory_space<vmem_shared>>
    tpu.wait_dma2 semaphore(%arg15 : memref<!tpu.dma_semaphore, #tpu.memory_space<semaphore_mem>>) src(%arg12 : memref<4096xi32, #tpu.memory_space<vmem>>) dst(%dma_wait3A_111 : memref<4096xi32, #tpu.memory_space<vmem_shared>>)
    %dma_wait3A_112 = tpu.memref_slice %arg6[%add3A_24] : memref<1048576xi32, #tpu.memory_space<vmem_shared>> -> memref<4096xi32, #tpu.memory_space<vmem_shared>>
    %dma_wait3A_113 = tpu.memref_slice %arg6[%add3A_24] : memref<1048576xi32, #tpu.memory_space<vmem_shared>> -> memref<4096xi32, #tpu.memory_space<vmem_shared>>
    tpu.wait_dma2 semaphore(%arg15 : memref<!tpu.dma_semaphore, #tpu.memory_space<semaphore_mem>>) src(%arg12 : memref<4096xi32, #tpu.memory_space<vmem>>) dst(%dma_wait3A_113 : memref<4096xi32, #tpu.memory_space<vmem_shared>>)
    %dma_wait3A_114 = tpu.memref_slice %arg6[%add3A_30] : memref<1048576xi32, #tpu.memory_space<vmem_shared>> -> memref<4096xi32, #tpu.memory_space<vmem_shared>>
    %dma_wait3A_115 = tpu.memref_slice %arg6[%add3A_30] : memref<1048576xi32, #tpu.memory_space<vmem_shared>> -> memref<4096xi32, #tpu.memory_space<vmem_shared>>
    tpu.wait_dma2 semaphore(%arg15 : memref<!tpu.dma_semaphore, #tpu.memory_space<semaphore_mem>>) src(%arg12 : memref<4096xi32, #tpu.memory_space<vmem>>) dst(%dma_wait3A_115 : memref<4096xi32, #tpu.memory_space<vmem_shared>>)
    %dma_wait3A_116 = tpu.memref_slice %arg6[%add3A_36] : memref<1048576xi32, #tpu.memory_space<vmem_shared>> -> memref<4096xi32, #tpu.memory_space<vmem_shared>>
    %dma_wait3A_117 = tpu.memref_slice %arg6[%add3A_36] : memref<1048576xi32, #tpu.memory_space<vmem_shared>> -> memref<4096xi32, #tpu.memory_space<vmem_shared>>
    tpu.wait_dma2 semaphore(%arg15 : memref<!tpu.dma_semaphore, #tpu.memory_space<semaphore_mem>>) src(%arg12 : memref<4096xi32, #tpu.memory_space<vmem>>) dst(%dma_wait3A_117 : memref<4096xi32, #tpu.memory_space<vmem_shared>>)
    %dma_wait3A_118 = tpu.memref_slice %arg6[%add3A_42] : memref<1048576xi32, #tpu.memory_space<vmem_shared>> -> memref<4096xi32, #tpu.memory_space<vmem_shared>>
    %dma_wait3A_119 = tpu.memref_slice %arg6[%add3A_42] : memref<1048576xi32, #tpu.memory_space<vmem_shared>> -> memref<4096xi32, #tpu.memory_space<vmem_shared>>
    tpu.wait_dma2 semaphore(%arg15 : memref<!tpu.dma_semaphore, #tpu.memory_space<semaphore_mem>>) src(%arg12 : memref<4096xi32, #tpu.memory_space<vmem>>) dst(%dma_wait3A_119 : memref<4096xi32, #tpu.memory_space<vmem_shared>>)
    %dma_wait3A_120 = tpu.memref_slice %arg6[%add3A_48] : memref<1048576xi32, #tpu.memory_space<vmem_shared>> -> memref<4096xi32, #tpu.memory_space<vmem_shared>>
    %dma_wait3A_121 = tpu.memref_slice %arg6[%add3A_48] : memref<1048576xi32, #tpu.memory_space<vmem_shared>> -> memref<4096xi32, #tpu.memory_space<vmem_shared>>
    tpu.wait_dma2 semaphore(%arg15 : memref<!tpu.dma_semaphore, #tpu.memory_space<semaphore_mem>>) src(%arg12 : memref<4096xi32, #tpu.memory_space<vmem>>) dst(%dma_wait3A_121 : memref<4096xi32, #tpu.memory_space<vmem_shared>>)
    %dma_wait3A_122 = tpu.memref_slice %arg6[%add3A_54] : memref<1048576xi32, #tpu.memory_space<vmem_shared>> -> memref<4096xi32, #tpu.memory_space<vmem_shared>>
    %dma_wait3A_123 = tpu.memref_slice %arg6[%add3A_54] : memref<1048576xi32, #tpu.memory_space<vmem_shared>> -> memref<4096xi32, #tpu.memory_space<vmem_shared>>
    tpu.wait_dma2 semaphore(%arg15 : memref<!tpu.dma_semaphore, #tpu.memory_space<semaphore_mem>>) src(%arg12 : memref<4096xi32, #tpu.memory_space<vmem>>) dst(%dma_wait3A_123 : memref<4096xi32, #tpu.memory_space<vmem_shared>>)
    %dma_wait3A_124 = tpu.memref_slice %arg6[%add3A_60] : memref<1048576xi32, #tpu.memory_space<vmem_shared>> -> memref<4096xi32, #tpu.memory_space<vmem_shared>>
    %dma_wait3A_125 = tpu.memref_slice %arg6[%add3A_60] : memref<1048576xi32, #tpu.memory_space<vmem_shared>> -> memref<4096xi32, #tpu.memory_space<vmem_shared>>
    tpu.wait_dma2 semaphore(%arg15 : memref<!tpu.dma_semaphore, #tpu.memory_space<semaphore_mem>>) src(%arg12 : memref<4096xi32, #tpu.memory_space<vmem>>) dst(%dma_wait3A_125 : memref<4096xi32, #tpu.memory_space<vmem_shared>>)
    %dma_wait3A_126 = tpu.memref_slice %arg6[%add3A_66] : memref<1048576xi32, #tpu.memory_space<vmem_shared>> -> memref<4096xi32, #tpu.memory_space<vmem_shared>>
    %dma_wait3A_127 = tpu.memref_slice %arg6[%add3A_66] : memref<1048576xi32, #tpu.memory_space<vmem_shared>> -> memref<4096xi32, #tpu.memory_space<vmem_shared>>
    tpu.wait_dma2 semaphore(%arg15 : memref<!tpu.dma_semaphore, #tpu.memory_space<semaphore_mem>>) src(%arg12 : memref<4096xi32, #tpu.memory_space<vmem>>) dst(%dma_wait3A_127 : memref<4096xi32, #tpu.memory_space<vmem_shared>>)
    %dma_wait3A_128 = tpu.memref_slice %arg6[%add3A_72] : memref<1048576xi32, #tpu.memory_space<vmem_shared>> -> memref<4096xi32, #tpu.memory_space<vmem_shared>>
    %dma_wait3A_129 = tpu.memref_slice %arg6[%add3A_72] : memref<1048576xi32, #tpu.memory_space<vmem_shared>> -> memref<4096xi32, #tpu.memory_space<vmem_shared>>
    tpu.wait_dma2 semaphore(%arg15 : memref<!tpu.dma_semaphore, #tpu.memory_space<semaphore_mem>>) src(%arg12 : memref<4096xi32, #tpu.memory_space<vmem>>) dst(%dma_wait3A_129 : memref<4096xi32, #tpu.memory_space<vmem_shared>>)
    %dma_wait3A_130 = tpu.memref_slice %arg6[%add3A_78] : memref<1048576xi32, #tpu.memory_space<vmem_shared>> -> memref<4096xi32, #tpu.memory_space<vmem_shared>>
    %dma_wait3A_131 = tpu.memref_slice %arg6[%add3A_78] : memref<1048576xi32, #tpu.memory_space<vmem_shared>> -> memref<4096xi32, #tpu.memory_space<vmem_shared>>
    tpu.wait_dma2 semaphore(%arg15 : memref<!tpu.dma_semaphore, #tpu.memory_space<semaphore_mem>>) src(%arg12 : memref<4096xi32, #tpu.memory_space<vmem>>) dst(%dma_wait3A_131 : memref<4096xi32, #tpu.memory_space<vmem_shared>>)
    %dma_wait3A_132 = tpu.memref_slice %arg6[%add3A_84] : memref<1048576xi32, #tpu.memory_space<vmem_shared>> -> memref<4096xi32, #tpu.memory_space<vmem_shared>>
    %dma_wait3A_133 = tpu.memref_slice %arg6[%add3A_84] : memref<1048576xi32, #tpu.memory_space<vmem_shared>> -> memref<4096xi32, #tpu.memory_space<vmem_shared>>
    tpu.wait_dma2 semaphore(%arg15 : memref<!tpu.dma_semaphore, #tpu.memory_space<semaphore_mem>>) src(%arg12 : memref<4096xi32, #tpu.memory_space<vmem>>) dst(%dma_wait3A_133 : memref<4096xi32, #tpu.memory_space<vmem_shared>>)
    %dma_wait3A_134 = tpu.memref_slice %arg6[%add3A_90] : memref<1048576xi32, #tpu.memory_space<vmem_shared>> -> memref<4096xi32, #tpu.memory_space<vmem_shared>>
    %dma_wait3A_135 = tpu.memref_slice %arg6[%add3A_90] : memref<1048576xi32, #tpu.memory_space<vmem_shared>> -> memref<4096xi32, #tpu.memory_space<vmem_shared>>
    tpu.wait_dma2 semaphore(%arg15 : memref<!tpu.dma_semaphore, #tpu.memory_space<semaphore_mem>>) src(%arg12 : memref<4096xi32, #tpu.memory_space<vmem>>) dst(%dma_wait3A_135 : memref<4096xi32, #tpu.memory_space<vmem_shared>>)
    %dma_wait3A_136 = tpu.memref_slice %arg6[%add3A_96] : memref<1048576xi32, #tpu.memory_space<vmem_shared>> -> memref<4096xi32, #tpu.memory_space<vmem_shared>>
    %dma_wait3A_137 = tpu.memref_slice %arg6[%add3A_96] : memref<1048576xi32, #tpu.memory_space<vmem_shared>> -> memref<4096xi32, #tpu.memory_space<vmem_shared>>
    tpu.wait_dma2 semaphore(%arg15 : memref<!tpu.dma_semaphore, #tpu.memory_space<semaphore_mem>>) src(%arg12 : memref<4096xi32, #tpu.memory_space<vmem>>) dst(%dma_wait3A_137 : memref<4096xi32, #tpu.memory_space<vmem_shared>>)
    %dma_wait3A_138 = tpu.memref_slice %arg6[%add3A_102] : memref<1048576xi32, #tpu.memory_space<vmem_shared>> -> memref<4096xi32, #tpu.memory_space<vmem_shared>>
    %dma_wait3A_139 = tpu.memref_slice %arg6[%add3A_102] : memref<1048576xi32, #tpu.memory_space<vmem_shared>> -> memref<4096xi32, #tpu.memory_space<vmem_shared>>
    tpu.wait_dma2 semaphore(%arg15 : memref<!tpu.dma_semaphore, #tpu.memory_space<semaphore_mem>>) src(%arg12 : memref<4096xi32, #tpu.memory_space<vmem>>) dst(%dma_wait3A_139 : memref<4096xi32, #tpu.memory_space<vmem_shared>>)
    %broadcast_in_dim3A_140 = arith.constant 1 : i32
    %broadcast_in_dim3A_141 = vector.broadcast %broadcast_in_dim3A_140 : i32 to vector<16xi32>
    %scan3A_142 = arith.constant 0 : i32
    %scan3A_143 = arith.constant 0 : i32
    %scan3A_144 = arith.constant 256 : i32
    %scan3A_145 = arith.addi %scan3A_143, %scan3A_144 : i32
    %scan3A_146 = arith.constant 1 : i32
    scf.for %scan3A_569 = %scan3A_143 to %scan3A_145 step %scan3A_146  : i32 {
      %mul3A_570 = arith.constant 16 : i32
      %mul3A_571 = arith.muli %scan3A_569, %mul3A_570 : i32
      %get3A = arith.index_cast %mul3A_571 : i32 to index
      %get3A_572 = tpu.vector_load %arg7[%get3A] {strides = array<i32>} : memref<4096xi32, #tpu.memory_space<vmem>>, vector<16xi32>,
      %get3A_573 = vector.shape_cast %get3A_572 : vector<16xi32> to vector<16xi32>
      %mul3A_574 = arith.constant 1024 : i32
      %mul3A_575 = vector.broadcast %mul3A_574 : i32 to vector<16xi32>
      %mul3A_576 = arith.muli %get3A_573, %mul3A_575 : vector<16xi32>
      %get3A_577 = arith.index_cast %mul3A_571 : i32 to index
      %get3A_578 = tpu.vector_load %arg8[%get3A_577] {strides = array<i32>} : memref<4096xi32, #tpu.memory_space<vmem>>, vector<16xi32>,
      %get3A_579 = vector.shape_cast %get3A_578 : vector<16xi32> to vector<16xi32>
      %add3A_580 = arith.addi %mul3A_576, %get3A_579 : vector<16xi32>
      %swap3A = arith.index_cast %mul3A_571 : i32 to index
      %swap3A_581 = tpu.vector_load %arg9[%swap3A] {strides = array<i32>} : memref<4096xi32, #tpu.memory_space<vmem>>, vector<16xi32>,
      %swap3A_582 = vector.shape_cast %swap3A_581 : vector<16xi32> to vector<16xi32>
      %swap3A_583 = vector.shape_cast %add3A_580 : vector<16xi32> to vector<16xi32>
      tpu.vector_store %arg9[%swap3A], %swap3A_583 {strides = array<i32>} : memref<4096xi32, #tpu.memory_space<vmem>>, vector<16xi32>,
      %add3A_584 = arith.constant 67108864 : i32
      %add3A_585 = arith.addi %add3A_584, %mul3A_0 : i32
      %mul3A_586 = arith.constant 16 : i32
      %mul3A_587 = arith.muli %scan3A_569, %mul3A_586 : i32
      %add3A_588 = arith.addi %add3A_585, %mul3A_587 : i32
      %add3A_589 = vector.broadcast %add3A_588 : i32 to vector<16xi32>
      %add3A_590 = arith.addi %add3A_589, %iota3A : vector<16xi32>
      %swap3A_591 = arith.index_cast %mul3A_571 : i32 to index
      %swap3A_592 = tpu.vector_load %arg11[%swap3A_591] {strides = array<i32>} : memref<4096xi32, #tpu.memory_space<vmem>>, vector<16xi32>,
      %swap3A_593 = vector.shape_cast %swap3A_592 : vector<16xi32> to vector<16xi32>
      %swap3A_594 = vector.shape_cast %add3A_590 : vector<16xi32> to vector<16xi32>
      tpu.vector_store %arg11[%swap3A_591], %swap3A_594 {strides = array<i32>} : memref<4096xi32, #tpu.memory_space<vmem>>, vector<16xi32>,
      %swap3A_595 = arith.index_cast %mul3A_571 : i32 to index
      %swap3A_596 = tpu.vector_load %arg12[%swap3A_595] {strides = array<i32>} : memref<4096xi32, #tpu.memory_space<vmem>>, vector<16xi32>,
      %swap3A_597 = vector.shape_cast %swap3A_596 : vector<16xi32> to vector<16xi32>
      %swap3A_598 = vector.shape_cast %broadcast_in_dim3A_141 : vector<16xi32> to vector<16xi32>
      tpu.vector_store %arg12[%swap3A_595], %swap3A_598 {strides = array<i32>} : memref<4096xi32, #tpu.memory_space<vmem>>, vector<16xi32>,
    }
    %scan3A_147 = arith.constant 256 : i32
    %barrier3A = arith.constant 0 : index
    tpu.barrier barrier_id(%barrier3A)
    "tpu.region"() ({
      %run_scoped3A_569 = tpu.sem_alloc : memref<!tpu.dma_semaphore, #tpu.memory_space<semaphore_mem>>
      %dma_start3A_570 = arith.constant 0 : i32
      %dma_start3A_571 = tpu.memref_slice %arg6[%dma_start3A_570] : memref<1048576xi32, #tpu.memory_space<vmem_shared>> -> memref<1048576xi32, #tpu.memory_space<vmem_shared>>
      tpu.enqueue_indirect_dma source(%arg11 : memref<4096xi32, #tpu.memory_space<vmem>>) target(%dma_start3A_571 : memref<1048576xi32, #tpu.memory_space<vmem_shared>>) offsets(%arg9 : memref<4096xi32, #tpu.memory_space<vmem>>) semaphore(%run_scoped3A_569 : memref<!tpu.dma_semaphore, #tpu.memory_space<semaphore_mem>>) {add = true}
      %dma_wait3A_572 = arith.constant 0 : i32
      %dma_wait3A_573 = tpu.memref_slice %arg6[%dma_wait3A_572] : memref<1048576xi32, #tpu.memory_space<vmem_shared>> -> memref<1048576xi32, #tpu.memory_space<vmem_shared>>
      tpu.wait_indirect_dma semaphore(%run_scoped3A_569 : memref<!tpu.dma_semaphore, #tpu.memory_space<semaphore_mem>>) src(%arg11 : memref<4096xi32, #tpu.memory_space<vmem>>) dst(%dma_wait3A_573 : memref<1048576xi32, #tpu.memory_space<vmem_shared>>)
      tpu.yield
    }) : () -> ()
    %barrier3A_148 = arith.constant 0 : index
    tpu.barrier barrier_id(%barrier3A_148)
    "tpu.region"() ({
      %run_scoped3A_569 = tpu.sem_alloc : memref<!tpu.dma_semaphore, #tpu.memory_space<semaphore_mem>>
      %dma_start3A_570 = arith.constant 0 : i32
      %dma_start3A_571 = tpu.memref_slice %arg6[%dma_start3A_570] : memref<1048576xi32, #tpu.memory_space<vmem_shared>> -> memref<1048576xi32, #tpu.memory_space<vmem_shared>>
      tpu.enqueue_indirect_dma source(%dma_start3A_571 : memref<1048576xi32, #tpu.memory_space<vmem_shared>>) target(%arg10 : memref<4096xi32, #tpu.memory_space<vmem>>) offsets(%arg9 : memref<4096xi32, #tpu.memory_space<vmem>>) semaphore(%run_scoped3A_569 : memref<!tpu.dma_semaphore, #tpu.memory_space<semaphore_mem>>)
      %dma_wait3A_572 = arith.constant 0 : i32
      %dma_wait3A_573 = tpu.memref_slice %arg6[%dma_wait3A_572] : memref<1048576xi32, #tpu.memory_space<vmem_shared>> -> memref<1048576xi32, #tpu.memory_space<vmem_shared>>
      tpu.wait_indirect_dma semaphore(%run_scoped3A_569 : memref<!tpu.dma_semaphore, #tpu.memory_space<semaphore_mem>>) src(%dma_wait3A_573 : memref<1048576xi32, #tpu.memory_space<vmem_shared>>) dst(%arg10 : memref<4096xi32, #tpu.memory_space<vmem>>)
      tpu.yield
    }) : () -> ()
    %scan3A_149 = arith.constant 0 : i32
    %scan3A_150 = arith.constant 0 : i32
    %scan3A_151 = arith.constant 256 : i32
    %scan3A_152 = arith.addi %scan3A_150, %scan3A_151 : i32
    %scan3A_153 = arith.constant 1 : i32
    scf.for %scan3A_569 = %scan3A_150 to %scan3A_152 step %scan3A_153  : i32 {
      %mul3A_570 = arith.constant 16 : i32
      %mul3A_571 = arith.muli %scan3A_569, %mul3A_570 : i32
      %get3A = arith.index_cast %mul3A_571 : i32 to index
      %get3A_572 = tpu.vector_load %arg10[%get3A] {strides = array<i32>} : memref<4096xi32, #tpu.memory_space<vmem>>, vector<16xi32>,
      %get3A_573 = vector.shape_cast %get3A_572 : vector<16xi32> to vector<16xi32>
      %get3A_574 = arith.index_cast %mul3A_571 : i32 to index
      %get3A_575 = tpu.vector_load %arg12[%get3A_574] {strides = array<i32>} : memref<4096xi32, #tpu.memory_space<vmem>>, vector<16xi32>,
      %get3A_576 = vector.shape_cast %get3A_575 : vector<16xi32> to vector<16xi32>
      %shift_right_logical3A = arith.constant 26 : i32
      %shift_right_logical3A_577 = vector.broadcast %shift_right_logical3A : i32 to vector<16xi32>
      %shift_right_logical3A_578 = arith.shrui %get3A_573, %shift_right_logical3A_577 : vector<16xi32>
      %and3A = arith.constant 67108863 : i32
      %and3A_579 = vector.broadcast %and3A : i32 to vector<16xi32>
      %and3A_580 = arith.andi %get3A_573, %and3A_579 : vector<16xi32>
      %mul3A_581 = arith.constant 16 : i32
      %mul3A_582 = arith.muli %scan3A_569, %mul3A_581 : i32
      %add3A_583 = arith.addi %mul3A_0, %mul3A_582 : i32
      %add3A_584 = vector.broadcast %add3A_583 : i32 to vector<16xi32>
      %add3A_585 = arith.addi %add3A_584, %iota3A : vector<16xi32>
      %ne3A = arith.constant 0 : i32
      %ne3A_586 = vector.broadcast %ne3A : i32 to vector<16xi32>
      %ne3A_587 = arith.cmpi ne, %get3A_576, %ne3A_586 : vector<16xi32>
      %mul3A_588 = arith.muli %shift_right_logical3A_578, %add3A_585 : vector<16xi32>
      %lt3A = arith.cmpi slt, %mul3A_588, %and3A_580 : vector<16xi32>
      %and3A_589 = arith.andi %ne3A_587, %lt3A : vector<16xi1>
      %sub3A = arith.constant -67108864 : i32
      %sub3A_590 = vector.broadcast %sub3A : i32 to vector<16xi32>
      %sub3A_591 = arith.subi %sub3A_590, %add3A_585 : vector<16xi32>
      %jit3A = arith.constant 0 : i32
      %broadcast_in_dim3A_592 = vector.broadcast %jit3A : i32 to vector<16xi32>
      %select_n3A = arith.select %and3A_589, %sub3A_591, %broadcast_in_dim3A_592 : vector<16xi1>, vector<16xi32>
      %swap3A = arith.index_cast %mul3A_571 : i32 to index
      %swap3A_593 = tpu.vector_load %arg11[%swap3A] {strides = array<i32>} : memref<4096xi32, #tpu.memory_space<vmem>>, vector<16xi32>,
      %swap3A_594 = vector.shape_cast %swap3A_593 : vector<16xi32> to vector<16xi32>
      %swap3A_595 = vector.shape_cast %select_n3A : vector<16xi32> to vector<16xi32>
      tpu.vector_store %arg11[%swap3A], %swap3A_595 {strides = array<i32>} : memref<4096xi32, #tpu.memory_space<vmem>>, vector<16xi32>,
      %jit3A_596 = arith.constant 0 : i32
      %broadcast_in_dim3A_597 = vector.broadcast %jit3A_596 : i32 to vector<16xi32>
      %select_n3A_598 = arith.select %and3A_589, %broadcast_in_dim3A_597, %get3A_576 : vector<16xi1>, vector<16xi32>
      %swap3A_599 = arith.index_cast %mul3A_571 : i32 to index
      %swap3A_600 = tpu.vector_load %arg12[%swap3A_599] {strides = array<i32>} : memref<4096xi32, #tpu.memory_space<vmem>>, vector<16xi32>,
      %swap3A_601 = vector.shape_cast %swap3A_600 : vector<16xi32> to vector<16xi32>
      %swap3A_602 = vector.shape_cast %select_n3A_598 : vector<16xi32> to vector<16xi32>
      tpu.vector_store %arg12[%swap3A_599], %swap3A_602 {strides = array<i32>} : memref<4096xi32, #tpu.memory_space<vmem>>, vector<16xi32>,
    }
    %scan3A_154 = arith.constant 256 : i32
    %barrier3A_155 = arith.constant 0 : index
    tpu.barrier barrier_id(%barrier3A_155)
    "tpu.region"() ({
      %run_scoped3A_569 = tpu.sem_alloc : memref<!tpu.dma_semaphore, #tpu.memory_space<semaphore_mem>>
      %dma_start3A_570 = arith.constant 0 : i32
      %dma_start3A_571 = tpu.memref_slice %arg6[%dma_start3A_570] : memref<1048576xi32, #tpu.memory_space<vmem_shared>> -> memref<1048576xi32, #tpu.memory_space<vmem_shared>>
      tpu.enqueue_indirect_dma source(%arg11 : memref<4096xi32, #tpu.memory_space<vmem>>) target(%dma_start3A_571 : memref<1048576xi32, #tpu.memory_space<vmem_shared>>) offsets(%arg9 : memref<4096xi32, #tpu.memory_space<vmem>>) semaphore(%run_scoped3A_569 : memref<!tpu.dma_semaphore, #tpu.memory_space<semaphore_mem>>) {add = true}
      %dma_wait3A_572 = arith.constant 0 : i32
      %dma_wait3A_573 = tpu.memref_slice %arg6[%dma_wait3A_572] : memref<1048576xi32, #tpu.memory_space<vmem_shared>> -> memref<1048576xi32, #tpu.memory_space<vmem_shared>>
      tpu.wait_indirect_dma semaphore(%run_scoped3A_569 : memref<!tpu.dma_semaphore, #tpu.memory_space<semaphore_mem>>) src(%arg11 : memref<4096xi32, #tpu.memory_space<vmem>>) dst(%dma_wait3A_573 : memref<1048576xi32, #tpu.memory_space<vmem_shared>>)
      tpu.yield
    }) : () -> ()
    %barrier3A_156 = arith.constant 0 : index
    tpu.barrier barrier_id(%barrier3A_156)
    "tpu.region"() ({
      %run_scoped3A_569 = tpu.sem_alloc : memref<!tpu.dma_semaphore, #tpu.memory_space<semaphore_mem>>
      %dma_start3A_570 = arith.constant 0 : i32
      %dma_start3A_571 = tpu.memref_slice %arg6[%dma_start3A_570] : memref<1048576xi32, #tpu.memory_space<vmem_shared>> -> memref<1048576xi32, #tpu.memory_space<vmem_shared>>
      tpu.enqueue_indirect_dma source(%dma_start3A_571 : memref<1048576xi32, #tpu.memory_space<vmem_shared>>) target(%arg10 : memref<4096xi32, #tpu.memory_space<vmem>>) offsets(%arg9 : memref<4096xi32, #tpu.memory_space<vmem>>) semaphore(%run_scoped3A_569 : memref<!tpu.dma_semaphore, #tpu.memory_space<semaphore_mem>>)
      %dma_wait3A_572 = arith.constant 0 : i32
      %dma_wait3A_573 = tpu.memref_slice %arg6[%dma_wait3A_572] : memref<1048576xi32, #tpu.memory_space<vmem_shared>> -> memref<1048576xi32, #tpu.memory_space<vmem_shared>>
      tpu.wait_indirect_dma semaphore(%run_scoped3A_569 : memref<!tpu.dma_semaphore, #tpu.memory_space<semaphore_mem>>) src(%dma_wait3A_573 : memref<1048576xi32, #tpu.memory_space<vmem_shared>>) dst(%arg10 : memref<4096xi32, #tpu.memory_space<vmem>>)
      tpu.yield
    }) : () -> ()
    %scan3A_157 = arith.constant 0 : i32
    %scan3A_158 = arith.constant 0 : i32
    %scan3A_159 = arith.constant 256 : i32
    %scan3A_160 = arith.addi %scan3A_158, %scan3A_159 : i32
    %scan3A_161 = arith.constant 1 : i32
    scf.for %scan3A_569 = %scan3A_158 to %scan3A_160 step %scan3A_161  : i32 {
      %mul3A_570 = arith.constant 16 : i32
      %mul3A_571 = arith.muli %scan3A_569, %mul3A_570 : i32
      %get3A = arith.index_cast %mul3A_571 : i32 to index
      %get3A_572 = tpu.vector_load %arg10[%get3A] {strides = array<i32>} : memref<4096xi32, #tpu.memory_space<vmem>>, vector<16xi32>,
      %get3A_573 = vector.shape_cast %get3A_572 : vector<16xi32> to vector<16xi32>
      %get3A_574 = arith.index_cast %mul3A_571 : i32 to index
      %get3A_575 = tpu.vector_load %arg12[%get3A_574] {strides = array<i32>} : memref<4096xi32, #tpu.memory_space<vmem>>, vector<16xi32>,
      %get3A_576 = vector.shape_cast %get3A_575 : vector<16xi32> to vector<16xi32>
      %shift_right_logical3A = arith.constant 26 : i32
      %shift_right_logical3A_577 = vector.broadcast %shift_right_logical3A : i32 to vector<16xi32>
      %shift_right_logical3A_578 = arith.shrui %get3A_573, %shift_right_logical3A_577 : vector<16xi32>
      %and3A = arith.constant 67108863 : i32
      %and3A_579 = vector.broadcast %and3A : i32 to vector<16xi32>
      %and3A_580 = arith.andi %get3A_573, %and3A_579 : vector<16xi32>
      %mul3A_581 = arith.constant 16 : i32
      %mul3A_582 = arith.muli %scan3A_569, %mul3A_581 : i32
      %add3A_583 = arith.addi %mul3A_0, %mul3A_582 : i32
      %add3A_584 = vector.broadcast %add3A_583 : i32 to vector<16xi32>
      %add3A_585 = arith.addi %add3A_584, %iota3A : vector<16xi32>
      %ne3A = arith.constant 0 : i32
      %ne3A_586 = vector.broadcast %ne3A : i32 to vector<16xi32>
      %ne3A_587 = arith.cmpi ne, %get3A_576, %ne3A_586 : vector<16xi32>
      %mul3A_588 = arith.muli %shift_right_logical3A_578, %add3A_585 : vector<16xi32>
      %lt3A = arith.cmpi slt, %mul3A_588, %and3A_580 : vector<16xi32>
      %and3A_589 = arith.andi %ne3A_587, %lt3A : vector<16xi1>
      %sub3A = arith.constant -67108864 : i32
      %sub3A_590 = vector.broadcast %sub3A : i32 to vector<16xi32>
      %sub3A_591 = arith.subi %sub3A_590, %add3A_585 : vector<16xi32>
      %jit3A = arith.constant 0 : i32
      %broadcast_in_dim3A_592 = vector.broadcast %jit3A : i32 to vector<16xi32>
      %select_n3A = arith.select %and3A_589, %sub3A_591, %broadcast_in_dim3A_592 : vector<16xi1>, vector<16xi32>
      %swap3A = arith.index_cast %mul3A_571 : i32 to index
      %swap3A_593 = tpu.vector_load %arg11[%swap3A] {strides = array<i32>} : memref<4096xi32, #tpu.memory_space<vmem>>, vector<16xi32>,
      %swap3A_594 = vector.shape_cast %swap3A_593 : vector<16xi32> to vector<16xi32>
      %swap3A_595 = vector.shape_cast %select_n3A : vector<16xi32> to vector<16xi32>
      tpu.vector_store %arg11[%swap3A], %swap3A_595 {strides = array<i32>} : memref<4096xi32, #tpu.memory_space<vmem>>, vector<16xi32>,
      %jit3A_596 = arith.constant 0 : i32
      %broadcast_in_dim3A_597 = vector.broadcast %jit3A_596 : i32 to vector<16xi32>
      %select_n3A_598 = arith.select %and3A_589, %broadcast_in_dim3A_597, %get3A_576 : vector<16xi1>, vector<16xi32>
      %swap3A_599 = arith.index_cast %mul3A_571 : i32 to index
      %swap3A_600 = tpu.vector_load %arg12[%swap3A_599] {strides = array<i32>} : memref<4096xi32, #tpu.memory_space<vmem>>, vector<16xi32>,
      %swap3A_601 = vector.shape_cast %swap3A_600 : vector<16xi32> to vector<16xi32>
      %swap3A_602 = vector.shape_cast %select_n3A_598 : vector<16xi32> to vector<16xi32>
      tpu.vector_store %arg12[%swap3A_599], %swap3A_602 {strides = array<i32>} : memref<4096xi32, #tpu.memory_space<vmem>>, vector<16xi32>,
    }
    %scan3A_162 = arith.constant 256 : i32
    %barrier3A_163 = arith.constant 0 : index
    tpu.barrier barrier_id(%barrier3A_163)
    "tpu.region"() ({
      %run_scoped3A_569 = tpu.sem_alloc : memref<!tpu.dma_semaphore, #tpu.memory_space<semaphore_mem>>
      %dma_start3A_570 = arith.constant 0 : i32
      %dma_start3A_571 = tpu.memref_slice %arg6[%dma_start3A_570] : memref<1048576xi32, #tpu.memory_space<vmem_shared>> -> memref<1048576xi32, #tpu.memory_space<vmem_shared>>
      tpu.enqueue_indirect_dma source(%arg11 : memref<4096xi32, #tpu.memory_space<vmem>>) target(%dma_start3A_571 : memref<1048576xi32, #tpu.memory_space<vmem_shared>>) offsets(%arg9 : memref<4096xi32, #tpu.memory_space<vmem>>) semaphore(%run_scoped3A_569 : memref<!tpu.dma_semaphore, #tpu.memory_space<semaphore_mem>>) {add = true}
      %dma_wait3A_572 = arith.constant 0 : i32
      %dma_wait3A_573 = tpu.memref_slice %arg6[%dma_wait3A_572] : memref<1048576xi32, #tpu.memory_space<vmem_shared>> -> memref<1048576xi32, #tpu.memory_space<vmem_shared>>
      tpu.wait_indirect_dma semaphore(%run_scoped3A_569 : memref<!tpu.dma_semaphore, #tpu.memory_space<semaphore_mem>>) src(%arg11 : memref<4096xi32, #tpu.memory_space<vmem>>) dst(%dma_wait3A_573 : memref<1048576xi32, #tpu.memory_space<vmem_shared>>)
      tpu.yield
    }) : () -> ()
    %barrier3A_164 = arith.constant 0 : index
    tpu.barrier barrier_id(%barrier3A_164)
    "tpu.region"() ({
      %run_scoped3A_569 = tpu.sem_alloc : memref<!tpu.dma_semaphore, #tpu.memory_space<semaphore_mem>>
      %dma_start3A_570 = arith.constant 0 : i32
      %dma_start3A_571 = tpu.memref_slice %arg6[%dma_start3A_570] : memref<1048576xi32, #tpu.memory_space<vmem_shared>> -> memref<1048576xi32, #tpu.memory_space<vmem_shared>>
      tpu.enqueue_indirect_dma source(%dma_start3A_571 : memref<1048576xi32, #tpu.memory_space<vmem_shared>>) target(%arg10 : memref<4096xi32, #tpu.memory_space<vmem>>) offsets(%arg9 : memref<4096xi32, #tpu.memory_space<vmem>>) semaphore(%run_scoped3A_569 : memref<!tpu.dma_semaphore, #tpu.memory_space<semaphore_mem>>)
      %dma_wait3A_572 = arith.constant 0 : i32
      %dma_wait3A_573 = tpu.memref_slice %arg6[%dma_wait3A_572] : memref<1048576xi32, #tpu.memory_space<vmem_shared>> -> memref<1048576xi32, #tpu.memory_space<vmem_shared>>
      tpu.wait_indirect_dma semaphore(%run_scoped3A_569 : memref<!tpu.dma_semaphore, #tpu.memory_space<semaphore_mem>>) src(%dma_wait3A_573 : memref<1048576xi32, #tpu.memory_space<vmem_shared>>) dst(%arg10 : memref<4096xi32, #tpu.memory_space<vmem>>)
      tpu.yield
    }) : () -> ()
    %scan3A_165 = arith.constant 0 : i32
    %scan3A_166 = arith.constant 0 : i32
    %scan3A_167 = arith.constant 256 : i32
    %scan3A_168 = arith.addi %scan3A_166, %scan3A_167 : i32
    %scan3A_169 = arith.constant 1 : i32
    scf.for %scan3A_569 = %scan3A_166 to %scan3A_168 step %scan3A_169  : i32 {
      %mul3A_570 = arith.constant 16 : i32
      %mul3A_571 = arith.muli %scan3A_569, %mul3A_570 : i32
      %get3A = arith.index_cast %mul3A_571 : i32 to index
      %get3A_572 = tpu.vector_load %arg10[%get3A] {strides = array<i32>} : memref<4096xi32, #tpu.memory_space<vmem>>, vector<16xi32>,
      %get3A_573 = vector.shape_cast %get3A_572 : vector<16xi32> to vector<16xi32>
      %get3A_574 = arith.index_cast %mul3A_571 : i32 to index
      %get3A_575 = tpu.vector_load %arg12[%get3A_574] {strides = array<i32>} : memref<4096xi32, #tpu.memory_space<vmem>>, vector<16xi32>,
      %get3A_576 = vector.shape_cast %get3A_575 : vector<16xi32> to vector<16xi32>
      %shift_right_logical3A = arith.constant 26 : i32
      %shift_right_logical3A_577 = vector.broadcast %shift_right_logical3A : i32 to vector<16xi32>
      %shift_right_logical3A_578 = arith.shrui %get3A_573, %shift_right_logical3A_577 : vector<16xi32>
      %and3A = arith.constant 67108863 : i32
      %and3A_579 = vector.broadcast %and3A : i32 to vector<16xi32>
      %and3A_580 = arith.andi %get3A_573, %and3A_579 : vector<16xi32>
      %mul3A_581 = arith.constant 16 : i32
      %mul3A_582 = arith.muli %scan3A_569, %mul3A_581 : i32
      %add3A_583 = arith.addi %mul3A_0, %mul3A_582 : i32
      %add3A_584 = vector.broadcast %add3A_583 : i32 to vector<16xi32>
      %add3A_585 = arith.addi %add3A_584, %iota3A : vector<16xi32>
      %ne3A = arith.constant 0 : i32
      %ne3A_586 = vector.broadcast %ne3A : i32 to vector<16xi32>
      %ne3A_587 = arith.cmpi ne, %get3A_576, %ne3A_586 : vector<16xi32>
      %mul3A_588 = arith.muli %shift_right_logical3A_578, %add3A_585 : vector<16xi32>
      %lt3A = arith.cmpi slt, %mul3A_588, %and3A_580 : vector<16xi32>
      %and3A_589 = arith.andi %ne3A_587, %lt3A : vector<16xi1>
      %sub3A = arith.constant -67108864 : i32
      %sub3A_590 = vector.broadcast %sub3A : i32 to vector<16xi32>
      %sub3A_591 = arith.subi %sub3A_590, %add3A_585 : vector<16xi32>
      %jit3A = arith.constant 0 : i32
      %broadcast_in_dim3A_592 = vector.broadcast %jit3A : i32 to vector<16xi32>
      %select_n3A = arith.select %and3A_589, %sub3A_591, %broadcast_in_dim3A_592 : vector<16xi1>, vector<16xi32>
      %swap3A = arith.index_cast %mul3A_571 : i32 to index
      %swap3A_593 = tpu.vector_load %arg11[%swap3A] {strides = array<i32>} : memref<4096xi32, #tpu.memory_space<vmem>>, vector<16xi32>,
      %swap3A_594 = vector.shape_cast %swap3A_593 : vector<16xi32> to vector<16xi32>
      %swap3A_595 = vector.shape_cast %select_n3A : vector<16xi32> to vector<16xi32>
      tpu.vector_store %arg11[%swap3A], %swap3A_595 {strides = array<i32>} : memref<4096xi32, #tpu.memory_space<vmem>>, vector<16xi32>,
      %jit3A_596 = arith.constant 0 : i32
      %broadcast_in_dim3A_597 = vector.broadcast %jit3A_596 : i32 to vector<16xi32>
      %select_n3A_598 = arith.select %and3A_589, %broadcast_in_dim3A_597, %get3A_576 : vector<16xi1>, vector<16xi32>
      %swap3A_599 = arith.index_cast %mul3A_571 : i32 to index
      %swap3A_600 = tpu.vector_load %arg12[%swap3A_599] {strides = array<i32>} : memref<4096xi32, #tpu.memory_space<vmem>>, vector<16xi32>,
      %swap3A_601 = vector.shape_cast %swap3A_600 : vector<16xi32> to vector<16xi32>
      %swap3A_602 = vector.shape_cast %select_n3A_598 : vector<16xi32> to vector<16xi32>
      tpu.vector_store %arg12[%swap3A_599], %swap3A_602 {strides = array<i32>} : memref<4096xi32, #tpu.memory_space<vmem>>, vector<16xi32>,
    }
    %scan3A_170 = arith.constant 256 : i32
    %barrier3A_171 = arith.constant 0 : index
    tpu.barrier barrier_id(%barrier3A_171)
    "tpu.region"() ({
      %run_scoped3A_569 = tpu.sem_alloc : memref<!tpu.dma_semaphore, #tpu.memory_space<semaphore_mem>>
      %dma_start3A_570 = arith.constant 0 : i32
      %dma_start3A_571 = tpu.memref_slice %arg6[%dma_start3A_570] : memref<1048576xi32, #tpu.memory_space<vmem_shared>> -> memref<1048576xi32, #tpu.memory_space<vmem_shared>>
      tpu.enqueue_indirect_dma source(%arg11 : memref<4096xi32, #tpu.memory_space<vmem>>) target(%dma_start3A_571 : memref<1048576xi32, #tpu.memory_space<vmem_shared>>) offsets(%arg9 : memref<4096xi32, #tpu.memory_space<vmem>>) semaphore(%run_scoped3A_569 : memref<!tpu.dma_semaphore, #tpu.memory_space<semaphore_mem>>) {add = true}
      %dma_wait3A_572 = arith.constant 0 : i32
      %dma_wait3A_573 = tpu.memref_slice %arg6[%dma_wait3A_572] : memref<1048576xi32, #tpu.memory_space<vmem_shared>> -> memref<1048576xi32, #tpu.memory_space<vmem_shared>>
      tpu.wait_indirect_dma semaphore(%run_scoped3A_569 : memref<!tpu.dma_semaphore, #tpu.memory_space<semaphore_mem>>) src(%arg11 : memref<4096xi32, #tpu.memory_space<vmem>>) dst(%dma_wait3A_573 : memref<1048576xi32, #tpu.memory_space<vmem_shared>>)
      tpu.yield
    }) : () -> ()
    %barrier3A_172 = arith.constant 0 : index
    tpu.barrier barrier_id(%barrier3A_172)
    "tpu.region"() ({
      %run_scoped3A_569 = tpu.sem_alloc : memref<!tpu.dma_semaphore, #tpu.memory_space<semaphore_mem>>
      %dma_start3A_570 = arith.constant 0 : i32
      %dma_start3A_571 = tpu.memref_slice %arg6[%dma_start3A_570] : memref<1048576xi32, #tpu.memory_space<vmem_shared>> -> memref<1048576xi32, #tpu.memory_space<vmem_shared>>
      tpu.enqueue_indirect_dma source(%dma_start3A_571 : memref<1048576xi32, #tpu.memory_space<vmem_shared>>) target(%arg10 : memref<4096xi32, #tpu.memory_space<vmem>>) offsets(%arg9 : memref<4096xi32, #tpu.memory_space<vmem>>) semaphore(%run_scoped3A_569 : memref<!tpu.dma_semaphore, #tpu.memory_space<semaphore_mem>>)
      %dma_wait3A_572 = arith.constant 0 : i32
      %dma_wait3A_573 = tpu.memref_slice %arg6[%dma_wait3A_572] : memref<1048576xi32, #tpu.memory_space<vmem_shared>> -> memref<1048576xi32, #tpu.memory_space<vmem_shared>>
      tpu.wait_indirect_dma semaphore(%run_scoped3A_569 : memref<!tpu.dma_semaphore, #tpu.memory_space<semaphore_mem>>) src(%dma_wait3A_573 : memref<1048576xi32, #tpu.memory_space<vmem_shared>>) dst(%arg10 : memref<4096xi32, #tpu.memory_space<vmem>>)
      tpu.yield
    }) : () -> ()
    %scan3A_173 = arith.constant 0 : i32
    %scan3A_174 = arith.constant 0 : i32
    %scan3A_175 = arith.constant 256 : i32
    %scan3A_176 = arith.addi %scan3A_174, %scan3A_175 : i32
    %scan3A_177 = arith.constant 1 : i32
    scf.for %scan3A_569 = %scan3A_174 to %scan3A_176 step %scan3A_177  : i32 {
      %mul3A_570 = arith.constant 16 : i32
      %mul3A_571 = arith.muli %scan3A_569, %mul3A_570 : i32
      %get3A = arith.index_cast %mul3A_571 : i32 to index
      %get3A_572 = tpu.vector_load %arg10[%get3A] {strides = array<i32>} : memref<4096xi32, #tpu.memory_space<vmem>>, vector<16xi32>,
      %get3A_573 = vector.shape_cast %get3A_572 : vector<16xi32> to vector<16xi32>
      %get3A_574 = arith.index_cast %mul3A_571 : i32 to index
      %get3A_575 = tpu.vector_load %arg12[%get3A_574] {strides = array<i32>} : memref<4096xi32, #tpu.memory_space<vmem>>, vector<16xi32>,
      %get3A_576 = vector.shape_cast %get3A_575 : vector<16xi32> to vector<16xi32>
      %shift_right_logical3A = arith.constant 26 : i32
      %shift_right_logical3A_577 = vector.broadcast %shift_right_logical3A : i32 to vector<16xi32>
      %shift_right_logical3A_578 = arith.shrui %get3A_573, %shift_right_logical3A_577 : vector<16xi32>
      %and3A = arith.constant 67108863 : i32
      %and3A_579 = vector.broadcast %and3A : i32 to vector<16xi32>
      %and3A_580 = arith.andi %get3A_573, %and3A_579 : vector<16xi32>
      %mul3A_581 = arith.constant 16 : i32
      %mul3A_582 = arith.muli %scan3A_569, %mul3A_581 : i32
      %add3A_583 = arith.addi %mul3A_0, %mul3A_582 : i32
      %add3A_584 = vector.broadcast %add3A_583 : i32 to vector<16xi32>
      %add3A_585 = arith.addi %add3A_584, %iota3A : vector<16xi32>
      %ne3A = arith.constant 0 : i32
      %ne3A_586 = vector.broadcast %ne3A : i32 to vector<16xi32>
      %ne3A_587 = arith.cmpi ne, %get3A_576, %ne3A_586 : vector<16xi32>
      %mul3A_588 = arith.muli %shift_right_logical3A_578, %add3A_585 : vector<16xi32>
      %lt3A = arith.cmpi slt, %mul3A_588, %and3A_580 : vector<16xi32>
      %and3A_589 = arith.andi %ne3A_587, %lt3A : vector<16xi1>
      %sub3A = arith.constant -67108864 : i32
      %sub3A_590 = vector.broadcast %sub3A : i32 to vector<16xi32>
      %sub3A_591 = arith.subi %sub3A_590, %add3A_585 : vector<16xi32>
      %jit3A = arith.constant 0 : i32
      %broadcast_in_dim3A_592 = vector.broadcast %jit3A : i32 to vector<16xi32>
      %select_n3A = arith.select %and3A_589, %sub3A_591, %broadcast_in_dim3A_592 : vector<16xi1>, vector<16xi32>
      %swap3A = arith.index_cast %mul3A_571 : i32 to index
      %swap3A_593 = tpu.vector_load %arg11[%swap3A] {strides = array<i32>} : memref<4096xi32, #tpu.memory_space<vmem>>, vector<16xi32>,
      %swap3A_594 = vector.shape_cast %swap3A_593 : vector<16xi32> to vector<16xi32>
      %swap3A_595 = vector.shape_cast %select_n3A : vector<16xi32> to vector<16xi32>
      tpu.vector_store %arg11[%swap3A], %swap3A_595 {strides = array<i32>} : memref<4096xi32, #tpu.memory_space<vmem>>, vector<16xi32>,
      %jit3A_596 = arith.constant 0 : i32
      %broadcast_in_dim3A_597 = vector.broadcast %jit3A_596 : i32 to vector<16xi32>
      %select_n3A_598 = arith.select %and3A_589, %broadcast_in_dim3A_597, %get3A_576 : vector<16xi1>, vector<16xi32>
      %swap3A_599 = arith.index_cast %mul3A_571 : i32 to index
      %swap3A_600 = tpu.vector_load %arg12[%swap3A_599] {strides = array<i32>} : memref<4096xi32, #tpu.memory_space<vmem>>, vector<16xi32>,
      %swap3A_601 = vector.shape_cast %swap3A_600 : vector<16xi32> to vector<16xi32>
      %swap3A_602 = vector.shape_cast %select_n3A_598 : vector<16xi32> to vector<16xi32>
      tpu.vector_store %arg12[%swap3A_599], %swap3A_602 {strides = array<i32>} : memref<4096xi32, #tpu.memory_space<vmem>>, vector<16xi32>,
    }
    %scan3A_178 = arith.constant 256 : i32
    %barrier3A_179 = arith.constant 0 : index
    tpu.barrier barrier_id(%barrier3A_179)
    "tpu.region"() ({
      %run_scoped3A_569 = tpu.sem_alloc : memref<!tpu.dma_semaphore, #tpu.memory_space<semaphore_mem>>
      %dma_start3A_570 = arith.constant 0 : i32
      %dma_start3A_571 = tpu.memref_slice %arg6[%dma_start3A_570] : memref<1048576xi32, #tpu.memory_space<vmem_shared>> -> memref<1048576xi32, #tpu.memory_space<vmem_shared>>
      tpu.enqueue_indirect_dma source(%arg11 : memref<4096xi32, #tpu.memory_space<vmem>>) target(%dma_start3A_571 : memref<1048576xi32, #tpu.memory_space<vmem_shared>>) offsets(%arg9 : memref<4096xi32, #tpu.memory_space<vmem>>) semaphore(%run_scoped3A_569 : memref<!tpu.dma_semaphore, #tpu.memory_space<semaphore_mem>>) {add = true}
      %dma_wait3A_572 = arith.constant 0 : i32
      %dma_wait3A_573 = tpu.memref_slice %arg6[%dma_wait3A_572] : memref<1048576xi32, #tpu.memory_space<vmem_shared>> -> memref<1048576xi32, #tpu.memory_space<vmem_shared>>
      tpu.wait_indirect_dma semaphore(%run_scoped3A_569 : memref<!tpu.dma_semaphore, #tpu.memory_space<semaphore_mem>>) src(%arg11 : memref<4096xi32, #tpu.memory_space<vmem>>) dst(%dma_wait3A_573 : memref<1048576xi32, #tpu.memory_space<vmem_shared>>)
      tpu.yield
    }) : () -> ()
    %barrier3A_180 = arith.constant 0 : index
    tpu.barrier barrier_id(%barrier3A_180)
    "tpu.region"() ({
      %run_scoped3A_569 = tpu.sem_alloc : memref<!tpu.dma_semaphore, #tpu.memory_space<semaphore_mem>>
      %dma_start3A_570 = arith.constant 0 : i32
      %dma_start3A_571 = tpu.memref_slice %arg6[%dma_start3A_570] : memref<1048576xi32, #tpu.memory_space<vmem_shared>> -> memref<1048576xi32, #tpu.memory_space<vmem_shared>>
      tpu.enqueue_indirect_dma source(%dma_start3A_571 : memref<1048576xi32, #tpu.memory_space<vmem_shared>>) target(%arg10 : memref<4096xi32, #tpu.memory_space<vmem>>) offsets(%arg9 : memref<4096xi32, #tpu.memory_space<vmem>>) semaphore(%run_scoped3A_569 : memref<!tpu.dma_semaphore, #tpu.memory_space<semaphore_mem>>)
      %dma_wait3A_572 = arith.constant 0 : i32
      %dma_wait3A_573 = tpu.memref_slice %arg6[%dma_wait3A_572] : memref<1048576xi32, #tpu.memory_space<vmem_shared>> -> memref<1048576xi32, #tpu.memory_space<vmem_shared>>
      tpu.wait_indirect_dma semaphore(%run_scoped3A_569 : memref<!tpu.dma_semaphore, #tpu.memory_space<semaphore_mem>>) src(%dma_wait3A_573 : memref<1048576xi32, #tpu.memory_space<vmem_shared>>) dst(%arg10 : memref<4096xi32, #tpu.memory_space<vmem>>)
      tpu.yield
    }) : () -> ()
    %scan3A_181 = arith.constant 0 : i32
    %scan3A_182 = arith.constant 0 : i32
    %scan3A_183 = arith.constant 256 : i32
    %scan3A_184 = arith.addi %scan3A_182, %scan3A_183 : i32
    %scan3A_185 = arith.constant 1 : i32
    scf.for %scan3A_569 = %scan3A_182 to %scan3A_184 step %scan3A_185  : i32 {
      %mul3A_570 = arith.constant 16 : i32
      %mul3A_571 = arith.muli %scan3A_569, %mul3A_570 : i32
      %get3A = arith.index_cast %mul3A_571 : i32 to index
      %get3A_572 = tpu.vector_load %arg10[%get3A] {strides = array<i32>} : memref<4096xi32, #tpu.memory_space<vmem>>, vector<16xi32>,
      %get3A_573 = vector.shape_cast %get3A_572 : vector<16xi32> to vector<16xi32>
      %get3A_574 = arith.index_cast %mul3A_571 : i32 to index
      %get3A_575 = tpu.vector_load %arg12[%get3A_574] {strides = array<i32>} : memref<4096xi32, #tpu.memory_space<vmem>>, vector<16xi32>,
      %get3A_576 = vector.shape_cast %get3A_575 : vector<16xi32> to vector<16xi32>
      %shift_right_logical3A = arith.constant 26 : i32
      %shift_right_logical3A_577 = vector.broadcast %shift_right_logical3A : i32 to vector<16xi32>
      %shift_right_logical3A_578 = arith.shrui %get3A_573, %shift_right_logical3A_577 : vector<16xi32>
      %and3A = arith.constant 67108863 : i32
      %and3A_579 = vector.broadcast %and3A : i32 to vector<16xi32>
      %and3A_580 = arith.andi %get3A_573, %and3A_579 : vector<16xi32>
      %mul3A_581 = arith.constant 16 : i32
      %mul3A_582 = arith.muli %scan3A_569, %mul3A_581 : i32
      %add3A_583 = arith.addi %mul3A_0, %mul3A_582 : i32
      %add3A_584 = vector.broadcast %add3A_583 : i32 to vector<16xi32>
      %add3A_585 = arith.addi %add3A_584, %iota3A : vector<16xi32>
      %ne3A = arith.constant 0 : i32
      %ne3A_586 = vector.broadcast %ne3A : i32 to vector<16xi32>
      %ne3A_587 = arith.cmpi ne, %get3A_576, %ne3A_586 : vector<16xi32>
      %mul3A_588 = arith.muli %shift_right_logical3A_578, %add3A_585 : vector<16xi32>
      %lt3A = arith.cmpi slt, %mul3A_588, %and3A_580 : vector<16xi32>
      %and3A_589 = arith.andi %ne3A_587, %lt3A : vector<16xi1>
      %sub3A = arith.constant -67108864 : i32
      %sub3A_590 = vector.broadcast %sub3A : i32 to vector<16xi32>
      %sub3A_591 = arith.subi %sub3A_590, %add3A_585 : vector<16xi32>
      %jit3A = arith.constant 0 : i32
      %broadcast_in_dim3A_592 = vector.broadcast %jit3A : i32 to vector<16xi32>
      %select_n3A = arith.select %and3A_589, %sub3A_591, %broadcast_in_dim3A_592 : vector<16xi1>, vector<16xi32>
      %swap3A = arith.index_cast %mul3A_571 : i32 to index
      %swap3A_593 = tpu.vector_load %arg11[%swap3A] {strides = array<i32>} : memref<4096xi32, #tpu.memory_space<vmem>>, vector<16xi32>,
      %swap3A_594 = vector.shape_cast %swap3A_593 : vector<16xi32> to vector<16xi32>
      %swap3A_595 = vector.shape_cast %select_n3A : vector<16xi32> to vector<16xi32>
      tpu.vector_store %arg11[%swap3A], %swap3A_595 {strides = array<i32>} : memref<4096xi32, #tpu.memory_space<vmem>>, vector<16xi32>,
      %jit3A_596 = arith.constant 0 : i32
      %broadcast_in_dim3A_597 = vector.broadcast %jit3A_596 : i32 to vector<16xi32>
      %select_n3A_598 = arith.select %and3A_589, %broadcast_in_dim3A_597, %get3A_576 : vector<16xi1>, vector<16xi32>
      %swap3A_599 = arith.index_cast %mul3A_571 : i32 to index
      %swap3A_600 = tpu.vector_load %arg12[%swap3A_599] {strides = array<i32>} : memref<4096xi32, #tpu.memory_space<vmem>>, vector<16xi32>,
      %swap3A_601 = vector.shape_cast %swap3A_600 : vector<16xi32> to vector<16xi32>
      %swap3A_602 = vector.shape_cast %select_n3A_598 : vector<16xi32> to vector<16xi32>
      tpu.vector_store %arg12[%swap3A_599], %swap3A_602 {strides = array<i32>} : memref<4096xi32, #tpu.memory_space<vmem>>, vector<16xi32>,
    }
    %scan3A_186 = arith.constant 256 : i32
    %barrier3A_187 = arith.constant 0 : index
    tpu.barrier barrier_id(%barrier3A_187)
    "tpu.region"() ({
      %run_scoped3A_569 = tpu.sem_alloc : memref<!tpu.dma_semaphore, #tpu.memory_space<semaphore_mem>>
      %dma_start3A_570 = arith.constant 0 : i32
      %dma_start3A_571 = tpu.memref_slice %arg6[%dma_start3A_570] : memref<1048576xi32, #tpu.memory_space<vmem_shared>> -> memref<1048576xi32, #tpu.memory_space<vmem_shared>>
      tpu.enqueue_indirect_dma source(%arg11 : memref<4096xi32, #tpu.memory_space<vmem>>) target(%dma_start3A_571 : memref<1048576xi32, #tpu.memory_space<vmem_shared>>) offsets(%arg9 : memref<4096xi32, #tpu.memory_space<vmem>>) semaphore(%run_scoped3A_569 : memref<!tpu.dma_semaphore, #tpu.memory_space<semaphore_mem>>) {add = true}
      %dma_wait3A_572 = arith.constant 0 : i32
      %dma_wait3A_573 = tpu.memref_slice %arg6[%dma_wait3A_572] : memref<1048576xi32, #tpu.memory_space<vmem_shared>> -> memref<1048576xi32, #tpu.memory_space<vmem_shared>>
      tpu.wait_indirect_dma semaphore(%run_scoped3A_569 : memref<!tpu.dma_semaphore, #tpu.memory_space<semaphore_mem>>) src(%arg11 : memref<4096xi32, #tpu.memory_space<vmem>>) dst(%dma_wait3A_573 : memref<1048576xi32, #tpu.memory_space<vmem_shared>>)
      tpu.yield
    }) : () -> ()
    %barrier3A_188 = arith.constant 0 : index
    tpu.barrier barrier_id(%barrier3A_188)
    %mul3A_189 = arith.constant 2 : i32
    %mul3A_190 = arith.muli %arg1, %mul3A_189 : i32
    %add3A_191 = arith.addi %mul3A_190, %arg0 : i32
    %mul3A_192 = arith.constant 2048 : i32
    %mul3A_193 = arith.muli %arg0, %mul3A_192 : i32
    "tpu.region"() ({
      %run_scoped3A_569 = tpu.sem_alloc : memref<!tpu.dma_semaphore, #tpu.memory_space<semaphore_mem>>
      %dma_start3A_570 = tpu.memref_slice %arg9[%mul3A_193] : memref<4096xi32, #tpu.memory_space<vmem>> -> memref<2048xi32, #tpu.memory_space<vmem>>
      %dma_start3A_571 = arith.constant 0 : i32
      %dma_start3A_572 = tpu.memref_slice %arg6[%dma_start3A_571] : memref<1048576xi32, #tpu.memory_space<vmem_shared>> -> memref<1048576xi32, #tpu.memory_space<vmem_shared>>
      tpu.enqueue_indirect_dma source(%dma_start3A_572 : memref<1048576xi32, #tpu.memory_space<vmem_shared>>) target(%arg13 : memref<2048xi32, #tpu.memory_space<vmem>>) offsets(%dma_start3A_570 : memref<2048xi32, #tpu.memory_space<vmem>>) semaphore(%run_scoped3A_569 : memref<!tpu.dma_semaphore, #tpu.memory_space<semaphore_mem>>)
      %dma_wait3A_573 = tpu.memref_slice %arg9[%mul3A_193] : memref<4096xi32, #tpu.memory_space<vmem>> -> memref<2048xi32, #tpu.memory_space<vmem>>
      %dma_wait3A_574 = arith.constant 0 : i32
      %dma_wait3A_575 = tpu.memref_slice %arg6[%dma_wait3A_574] : memref<1048576xi32, #tpu.memory_space<vmem_shared>> -> memref<1048576xi32, #tpu.memory_space<vmem_shared>>
      tpu.wait_indirect_dma semaphore(%run_scoped3A_569 : memref<!tpu.dma_semaphore, #tpu.memory_space<semaphore_mem>>) src(%dma_wait3A_575 : memref<1048576xi32, #tpu.memory_space<vmem_shared>>) dst(%arg13 : memref<2048xi32, #tpu.memory_space<vmem>>)
      tpu.yield
    }) : () -> ()
    %scan3A_194 = arith.constant 0 : i32
    %scan3A_195 = arith.constant 0 : i32
    %scan3A_196 = arith.constant 128 : i32
    %scan3A_197 = arith.addi %scan3A_195, %scan3A_196 : i32
    %scan3A_198 = arith.constant 1 : i32
    scf.for %scan3A_569 = %scan3A_195 to %scan3A_197 step %scan3A_198  : i32 {
      %mul3A_570 = arith.constant 16 : i32
      %mul3A_571 = arith.muli %scan3A_569, %mul3A_570 : i32
      %get3A = arith.index_cast %mul3A_571 : i32 to index
      %get3A_572 = tpu.vector_load %arg13[%get3A] {strides = array<i32>} : memref<2048xi32, #tpu.memory_space<vmem>>, vector<16xi32>,
      %get3A_573 = vector.shape_cast %get3A_572 : vector<16xi32> to vector<16xi32>
      %and3A = arith.constant 67108863 : i32
      %and3A_574 = vector.broadcast %and3A : i32 to vector<16xi32>
      %and3A_575 = arith.andi %get3A_573, %and3A_574 : vector<16xi32>
      %swap3A = arith.index_cast %mul3A_571 : i32 to index
      %swap3A_576 = tpu.vector_load %arg13[%swap3A] {strides = array<i32>} : memref<2048xi32, #tpu.memory_space<vmem>>, vector<16xi32>,
      %swap3A_577 = vector.shape_cast %swap3A_576 : vector<16xi32> to vector<16xi32>
      %swap3A_578 = vector.shape_cast %and3A_575 : vector<16xi32> to vector<16xi32>
      tpu.vector_store %arg13[%swap3A], %swap3A_578 {strides = array<i32>} : memref<2048xi32, #tpu.memory_space<vmem>>, vector<16xi32>,
    }
    %scan3A_199 = arith.constant 128 : i32
    %mul3A_200 = arith.constant 2048 : i32
    %mul3A_201 = arith.muli %add3A_191, %mul3A_200 : i32
    %dma_start3A_202 = arith.constant 0 : i32
    %dma_start3A_203 = arith.constant 0 : i32
    %dma_start3A_204 = arith.constant 0 : i32
    %dma_start3A_205 = tpu.memref_slice %arg14[%dma_start3A_202, %dma_start3A_203, %dma_start3A_204] : memref<2x128x128xf32, #tpu.memory_space<vmem>> -> memref<1x128x128xf32, #tpu.memory_space<vmem>>
    %dma_start3A_206 = tpu.memref_squeeze %dma_start3A_205 : memref<1x128x128xf32, #tpu.memory_space<vmem>> -> memref<128x128xf32, #tpu.memory_space<vmem>>
    %dma_start3A_207 = arith.constant 0 : i32
    %dma_start3A_208 = tpu.memref_slice %arg13[%dma_start3A_207] : memref<2048xi32, #tpu.memory_space<vmem>> -> memref<128xi32, #tpu.memory_space<vmem>>
    %dma_start3A_209 = arith.constant 0 : i32
    %dma_start3A_210 = arith.constant 0 : i32
    %dma_start3A_211 = tpu.memref_slice %arg4[%dma_start3A_209, %dma_start3A_210] : memref<65536x128xf32, #tpu.memory_space<hbm>> -> memref<65536x128xf32, #tpu.memory_space<hbm>>
    tpu.enqueue_indirect_dma source(%dma_start3A_211 : memref<65536x128xf32, #tpu.memory_space<hbm>>) target(%dma_start3A_206 : memref<128x128xf32, #tpu.memory_space<vmem>>) offsets(%dma_start3A_208 : memref<128xi32, #tpu.memory_space<vmem>>) semaphore(%arg15 : memref<!tpu.dma_semaphore, #tpu.memory_space<semaphore_mem>>)
    %dma_start3A_212 = arith.constant 1 : i32
    %dma_start3A_213 = arith.constant 0 : i32
    %dma_start3A_214 = arith.constant 0 : i32
    %dma_start3A_215 = tpu.memref_slice %arg14[%dma_start3A_212, %dma_start3A_213, %dma_start3A_214] : memref<2x128x128xf32, #tpu.memory_space<vmem>> -> memref<1x128x128xf32, #tpu.memory_space<vmem>>
    %dma_start3A_216 = tpu.memref_squeeze %dma_start3A_215 : memref<1x128x128xf32, #tpu.memory_space<vmem>> -> memref<128x128xf32, #tpu.memory_space<vmem>>
    %dma_start3A_217 = arith.constant 128 : i32
    %dma_start3A_218 = tpu.memref_slice %arg13[%dma_start3A_217] : memref<2048xi32, #tpu.memory_space<vmem>> -> memref<128xi32, #tpu.memory_space<vmem>>
    %dma_start3A_219 = arith.constant 0 : i32
    %dma_start3A_220 = arith.constant 0 : i32
    %dma_start3A_221 = tpu.memref_slice %arg4[%dma_start3A_219, %dma_start3A_220] : memref<65536x128xf32, #tpu.memory_space<hbm>> -> memref<65536x128xf32, #tpu.memory_space<hbm>>
    tpu.enqueue_indirect_dma source(%dma_start3A_221 : memref<65536x128xf32, #tpu.memory_space<hbm>>) target(%dma_start3A_216 : memref<128x128xf32, #tpu.memory_space<vmem>>) offsets(%dma_start3A_218 : memref<128xi32, #tpu.memory_space<vmem>>) semaphore(%arg16 : memref<!tpu.dma_semaphore, #tpu.memory_space<semaphore_mem>>)
    %dma_wait3A_222 = arith.constant 0 : i32
    %dma_wait3A_223 = arith.constant 0 : i32
    %dma_wait3A_224 = arith.constant 0 : i32
    %dma_wait3A_225 = tpu.memref_slice %arg14[%dma_wait3A_222, %dma_wait3A_223, %dma_wait3A_224] : memref<2x128x128xf32, #tpu.memory_space<vmem>> -> memref<1x128x128xf32, #tpu.memory_space<vmem>>
    %dma_wait3A_226 = tpu.memref_squeeze %dma_wait3A_225 : memref<1x128x128xf32, #tpu.memory_space<vmem>> -> memref<128x128xf32, #tpu.memory_space<vmem>>
    %dma_wait3A_227 = arith.constant 0 : i32
    %dma_wait3A_228 = tpu.memref_slice %arg13[%dma_wait3A_227] : memref<2048xi32, #tpu.memory_space<vmem>> -> memref<128xi32, #tpu.memory_space<vmem>>
    %dma_wait3A_229 = arith.constant 0 : i32
    %dma_wait3A_230 = arith.constant 0 : i32
    %dma_wait3A_231 = tpu.memref_slice %arg4[%dma_wait3A_229, %dma_wait3A_230] : memref<65536x128xf32, #tpu.memory_space<hbm>> -> memref<65536x128xf32, #tpu.memory_space<hbm>>
    tpu.wait_indirect_dma semaphore(%arg15 : memref<!tpu.dma_semaphore, #tpu.memory_space<semaphore_mem>>) src(%dma_wait3A_231 : memref<65536x128xf32, #tpu.memory_space<hbm>>) dst(%dma_wait3A_226 : memref<128x128xf32, #tpu.memory_space<vmem>>)
    %add3A_232 = arith.constant 0 : i32
    %add3A_233 = arith.addi %mul3A_201, %add3A_232 : i32
    %run_scoped3A = arith.constant 0 : i32
    "tpu.region"() ({
      %run_scoped3A_569 = tpu.sem_alloc : memref<!tpu.dma_semaphore, #tpu.memory_space<semaphore_mem>>
      %dma_start3A_570 = arith.constant 0 : i32
      %dma_start3A_571 = arith.constant 0 : i32
      %dma_start3A_572 = tpu.memref_slice %arg14[%run_scoped3A, %dma_start3A_570, %dma_start3A_571] : memref<2x128x128xf32, #tpu.memory_space<vmem>> -> memref<1x128x128xf32, #tpu.memory_space<vmem>>
      %dma_start3A_573 = tpu.memref_squeeze %dma_start3A_572 : memref<1x128x128xf32, #tpu.memory_space<vmem>> -> memref<128x128xf32, #tpu.memory_space<vmem>>
      %dma_start3A_574 = arith.constant 0 : i32
      %dma_start3A_575 = tpu.memref_slice %arg5[%add3A_233, %dma_start3A_574] : memref<65536x128xf32, #tpu.memory_space<hbm>> -> memref<128x128xf32, #tpu.memory_space<hbm>>
      %dma_start3A_576 = arith.constant 0 : i32
      %dma_start3A_577 = tpu.memref_slice %arg5[%add3A_233, %dma_start3A_576] : memref<65536x128xf32, #tpu.memory_space<hbm>> -> memref<128x128xf32, #tpu.memory_space<hbm>>
      %dma_start3A_578 = arith.constant 0 : i32
      %dma_start3A_579 = arith.constant 0 : i32
      %dma_start3A_580 = tpu.memref_slice %arg14[%run_scoped3A, %dma_start3A_578, %dma_start3A_579] : memref<2x128x128xf32, #tpu.memory_space<vmem>> -> memref<1x128x128xf32, #tpu.memory_space<vmem>>
      %dma_start3A_581 = tpu.memref_squeeze %dma_start3A_580 : memref<1x128x128xf32, #tpu.memory_space<vmem>> -> memref<128x128xf32, #tpu.memory_space<vmem>>
      tpu.enqueue_dma source(%dma_start3A_581 : memref<128x128xf32, #tpu.memory_space<vmem>>) target(%dma_start3A_577 : memref<128x128xf32, #tpu.memory_space<hbm>>) target_semaphore(%run_scoped3A_569 : memref<!tpu.dma_semaphore, #tpu.memory_space<semaphore_mem>>)
      %dma_wait3A_582 = arith.constant 0 : i32
      %dma_wait3A_583 = arith.constant 0 : i32
      %dma_wait3A_584 = tpu.memref_slice %arg14[%run_scoped3A, %dma_wait3A_582, %dma_wait3A_583] : memref<2x128x128xf32, #tpu.memory_space<vmem>> -> memref<1x128x128xf32, #tpu.memory_space<vmem>>
      %dma_wait3A_585 = tpu.memref_squeeze %dma_wait3A_584 : memref<1x128x128xf32, #tpu.memory_space<vmem>> -> memref<128x128xf32, #tpu.memory_space<vmem>>
      %dma_wait3A_586 = arith.constant 0 : i32
      %dma_wait3A_587 = tpu.memref_slice %arg5[%add3A_233, %dma_wait3A_586] : memref<65536x128xf32, #tpu.memory_space<hbm>> -> memref<128x128xf32, #tpu.memory_space<hbm>>
      %dma_wait3A_588 = arith.constant 0 : i32
      %dma_wait3A_589 = tpu.memref_slice %arg5[%add3A_233, %dma_wait3A_588] : memref<65536x128xf32, #tpu.memory_space<hbm>> -> memref<128x128xf32, #tpu.memory_space<hbm>>
      %dma_wait3A_590 = arith.constant 0 : i32
      %dma_wait3A_591 = arith.constant 0 : i32
      %dma_wait3A_592 = tpu.memref_slice %arg14[%run_scoped3A, %dma_wait3A_590, %dma_wait3A_591] : memref<2x128x128xf32, #tpu.memory_space<vmem>> -> memref<1x128x128xf32, #tpu.memory_space<vmem>>
      %dma_wait3A_593 = tpu.memref_squeeze %dma_wait3A_592 : memref<1x128x128xf32, #tpu.memory_space<vmem>> -> memref<128x128xf32, #tpu.memory_space<vmem>>
      tpu.wait_dma2 semaphore(%run_scoped3A_569 : memref<!tpu.dma_semaphore, #tpu.memory_space<semaphore_mem>>) src(%dma_wait3A_593 : memref<128x128xf32, #tpu.memory_space<vmem>>) dst(%dma_wait3A_589 : memref<128x128xf32, #tpu.memory_space<hbm>>)
      tpu.yield
    }) : () -> ()
    %dma_start3A_234 = arith.constant 0 : i32
    %dma_start3A_235 = arith.constant 0 : i32
    %dma_start3A_236 = arith.constant 0 : i32
    %dma_start3A_237 = tpu.memref_slice %arg14[%dma_start3A_234, %dma_start3A_235, %dma_start3A_236] : memref<2x128x128xf32, #tpu.memory_space<vmem>> -> memref<1x128x128xf32, #tpu.memory_space<vmem>>
    %dma_start3A_238 = tpu.memref_squeeze %dma_start3A_237 : memref<1x128x128xf32, #tpu.memory_space<vmem>> -> memref<128x128xf32, #tpu.memory_space<vmem>>
    %dma_start3A_239 = arith.constant 256 : i32
    %dma_start3A_240 = tpu.memref_slice %arg13[%dma_start3A_239] : memref<2048xi32, #tpu.memory_space<vmem>> -> memref<128xi32, #tpu.memory_space<vmem>>
    %dma_start3A_241 = arith.constant 0 : i32
    %dma_start3A_242 = arith.constant 0 : i32
    %dma_start3A_243 = tpu.memref_slice %arg4[%dma_start3A_241, %dma_start3A_242] : memref<65536x128xf32, #tpu.memory_space<hbm>> -> memref<65536x128xf32, #tpu.memory_space<hbm>>
    tpu.enqueue_indirect_dma source(%dma_start3A_243 : memref<65536x128xf32, #tpu.memory_space<hbm>>) target(%dma_start3A_238 : memref<128x128xf32, #tpu.memory_space<vmem>>) offsets(%dma_start3A_240 : memref<128xi32, #tpu.memory_space<vmem>>) semaphore(%arg15 : memref<!tpu.dma_semaphore, #tpu.memory_space<semaphore_mem>>)
    %dma_wait3A_244 = arith.constant 1 : i32
    %dma_wait3A_245 = arith.constant 0 : i32
    %dma_wait3A_246 = arith.constant 0 : i32
    %dma_wait3A_247 = tpu.memref_slice %arg14[%dma_wait3A_244, %dma_wait3A_245, %dma_wait3A_246] : memref<2x128x128xf32, #tpu.memory_space<vmem>> -> memref<1x128x128xf32, #tpu.memory_space<vmem>>
    %dma_wait3A_248 = tpu.memref_squeeze %dma_wait3A_247 : memref<1x128x128xf32, #tpu.memory_space<vmem>> -> memref<128x128xf32, #tpu.memory_space<vmem>>
    %dma_wait3A_249 = arith.constant 128 : i32
    %dma_wait3A_250 = tpu.memref_slice %arg13[%dma_wait3A_249] : memref<2048xi32, #tpu.memory_space<vmem>> -> memref<128xi32, #tpu.memory_space<vmem>>
    %dma_wait3A_251 = arith.constant 0 : i32
    %dma_wait3A_252 = arith.constant 0 : i32
    %dma_wait3A_253 = tpu.memref_slice %arg4[%dma_wait3A_251, %dma_wait3A_252] : memref<65536x128xf32, #tpu.memory_space<hbm>> -> memref<65536x128xf32, #tpu.memory_space<hbm>>
    tpu.wait_indirect_dma semaphore(%arg16 : memref<!tpu.dma_semaphore, #tpu.memory_space<semaphore_mem>>) src(%dma_wait3A_253 : memref<65536x128xf32, #tpu.memory_space<hbm>>) dst(%dma_wait3A_248 : memref<128x128xf32, #tpu.memory_space<vmem>>)
    %add3A_254 = arith.constant 128 : i32
    %add3A_255 = arith.addi %mul3A_201, %add3A_254 : i32
    %run_scoped3A_256 = arith.constant 1 : i32
    "tpu.region"() ({
      %run_scoped3A_569 = tpu.sem_alloc : memref<!tpu.dma_semaphore, #tpu.memory_space<semaphore_mem>>
      %dma_start3A_570 = arith.constant 0 : i32
      %dma_start3A_571 = arith.constant 0 : i32
      %dma_start3A_572 = tpu.memref_slice %arg14[%run_scoped3A_256, %dma_start3A_570, %dma_start3A_571] : memref<2x128x128xf32, #tpu.memory_space<vmem>> -> memref<1x128x128xf32, #tpu.memory_space<vmem>>
      %dma_start3A_573 = tpu.memref_squeeze %dma_start3A_572 : memref<1x128x128xf32, #tpu.memory_space<vmem>> -> memref<128x128xf32, #tpu.memory_space<vmem>>
      %dma_start3A_574 = arith.constant 0 : i32
      %dma_start3A_575 = tpu.memref_slice %arg5[%add3A_255, %dma_start3A_574] : memref<65536x128xf32, #tpu.memory_space<hbm>> -> memref<128x128xf32, #tpu.memory_space<hbm>>
      %dma_start3A_576 = arith.constant 0 : i32
      %dma_start3A_577 = tpu.memref_slice %arg5[%add3A_255, %dma_start3A_576] : memref<65536x128xf32, #tpu.memory_space<hbm>> -> memref<128x128xf32, #tpu.memory_space<hbm>>
      %dma_start3A_578 = arith.constant 0 : i32
      %dma_start3A_579 = arith.constant 0 : i32
      %dma_start3A_580 = tpu.memref_slice %arg14[%run_scoped3A_256, %dma_start3A_578, %dma_start3A_579] : memref<2x128x128xf32, #tpu.memory_space<vmem>> -> memref<1x128x128xf32, #tpu.memory_space<vmem>>
      %dma_start3A_581 = tpu.memref_squeeze %dma_start3A_580 : memref<1x128x128xf32, #tpu.memory_space<vmem>> -> memref<128x128xf32, #tpu.memory_space<vmem>>
      tpu.enqueue_dma source(%dma_start3A_581 : memref<128x128xf32, #tpu.memory_space<vmem>>) target(%dma_start3A_577 : memref<128x128xf32, #tpu.memory_space<hbm>>) target_semaphore(%run_scoped3A_569 : memref<!tpu.dma_semaphore, #tpu.memory_space<semaphore_mem>>)
      %dma_wait3A_582 = arith.constant 0 : i32
      %dma_wait3A_583 = arith.constant 0 : i32
      %dma_wait3A_584 = tpu.memref_slice %arg14[%run_scoped3A_256, %dma_wait3A_582, %dma_wait3A_583] : memref<2x128x128xf32, #tpu.memory_space<vmem>> -> memref<1x128x128xf32, #tpu.memory_space<vmem>>
      %dma_wait3A_585 = tpu.memref_squeeze %dma_wait3A_584 : memref<1x128x128xf32, #tpu.memory_space<vmem>> -> memref<128x128xf32, #tpu.memory_space<vmem>>
      %dma_wait3A_586 = arith.constant 0 : i32
      %dma_wait3A_587 = tpu.memref_slice %arg5[%add3A_255, %dma_wait3A_586] : memref<65536x128xf32, #tpu.memory_space<hbm>> -> memref<128x128xf32, #tpu.memory_space<hbm>>
      %dma_wait3A_588 = arith.constant 0 : i32
      %dma_wait3A_589 = tpu.memref_slice %arg5[%add3A_255, %dma_wait3A_588] : memref<65536x128xf32, #tpu.memory_space<hbm>> -> memref<128x128xf32, #tpu.memory_space<hbm>>
      %dma_wait3A_590 = arith.constant 0 : i32
      %dma_wait3A_591 = arith.constant 0 : i32
      %dma_wait3A_592 = tpu.memref_slice %arg14[%run_scoped3A_256, %dma_wait3A_590, %dma_wait3A_591] : memref<2x128x128xf32, #tpu.memory_space<vmem>> -> memref<1x128x128xf32, #tpu.memory_space<vmem>>
      %dma_wait3A_593 = tpu.memref_squeeze %dma_wait3A_592 : memref<1x128x128xf32, #tpu.memory_space<vmem>> -> memref<128x128xf32, #tpu.memory_space<vmem>>
      tpu.wait_dma2 semaphore(%run_scoped3A_569 : memref<!tpu.dma_semaphore, #tpu.memory_space<semaphore_mem>>) src(%dma_wait3A_593 : memref<128x128xf32, #tpu.memory_space<vmem>>) dst(%dma_wait3A_589 : memref<128x128xf32, #tpu.memory_space<hbm>>)
      tpu.yield
    }) : () -> ()
    %dma_start3A_257 = arith.constant 1 : i32
    %dma_start3A_258 = arith.constant 0 : i32
    %dma_start3A_259 = arith.constant 0 : i32
    %dma_start3A_260 = tpu.memref_slice %arg14[%dma_start3A_257, %dma_start3A_258, %dma_start3A_259] : memref<2x128x128xf32, #tpu.memory_space<vmem>> -> memref<1x128x128xf32, #tpu.memory_space<vmem>>
    %dma_start3A_261 = tpu.memref_squeeze %dma_start3A_260 : memref<1x128x128xf32, #tpu.memory_space<vmem>> -> memref<128x128xf32, #tpu.memory_space<vmem>>
    %dma_start3A_262 = arith.constant 384 : i32
    %dma_start3A_263 = tpu.memref_slice %arg13[%dma_start3A_262] : memref<2048xi32, #tpu.memory_space<vmem>> -> memref<128xi32, #tpu.memory_space<vmem>>
    %dma_start3A_264 = arith.constant 0 : i32
    %dma_start3A_265 = arith.constant 0 : i32
    %dma_start3A_266 = tpu.memref_slice %arg4[%dma_start3A_264, %dma_start3A_265] : memref<65536x128xf32, #tpu.memory_space<hbm>> -> memref<65536x128xf32, #tpu.memory_space<hbm>>
    tpu.enqueue_indirect_dma source(%dma_start3A_266 : memref<65536x128xf32, #tpu.memory_space<hbm>>) target(%dma_start3A_261 : memref<128x128xf32, #tpu.memory_space<vmem>>) offsets(%dma_start3A_263 : memref<128xi32, #tpu.memory_space<vmem>>) semaphore(%arg16 : memref<!tpu.dma_semaphore, #tpu.memory_space<semaphore_mem>>)
    %dma_wait3A_267 = arith.constant 0 : i32
    %dma_wait3A_268 = arith.constant 0 : i32
    %dma_wait3A_269 = arith.constant 0 : i32
    %dma_wait3A_270 = tpu.memref_slice %arg14[%dma_wait3A_267, %dma_wait3A_268, %dma_wait3A_269] : memref<2x128x128xf32, #tpu.memory_space<vmem>> -> memref<1x128x128xf32, #tpu.memory_space<vmem>>
    %dma_wait3A_271 = tpu.memref_squeeze %dma_wait3A_270 : memref<1x128x128xf32, #tpu.memory_space<vmem>> -> memref<128x128xf32, #tpu.memory_space<vmem>>
    %dma_wait3A_272 = arith.constant 256 : i32
    %dma_wait3A_273 = tpu.memref_slice %arg13[%dma_wait3A_272] : memref<2048xi32, #tpu.memory_space<vmem>> -> memref<128xi32, #tpu.memory_space<vmem>>
    %dma_wait3A_274 = arith.constant 0 : i32
    %dma_wait3A_275 = arith.constant 0 : i32
    %dma_wait3A_276 = tpu.memref_slice %arg4[%dma_wait3A_274, %dma_wait3A_275] : memref<65536x128xf32, #tpu.memory_space<hbm>> -> memref<65536x128xf32, #tpu.memory_space<hbm>>
    tpu.wait_indirect_dma semaphore(%arg15 : memref<!tpu.dma_semaphore, #tpu.memory_space<semaphore_mem>>) src(%dma_wait3A_276 : memref<65536x128xf32, #tpu.memory_space<hbm>>) dst(%dma_wait3A_271 : memref<128x128xf32, #tpu.memory_space<vmem>>)
    %add3A_277 = arith.constant 256 : i32
    %add3A_278 = arith.addi %mul3A_201, %add3A_277 : i32
    %run_scoped3A_279 = arith.constant 0 : i32
    "tpu.region"() ({
      %run_scoped3A_569 = tpu.sem_alloc : memref<!tpu.dma_semaphore, #tpu.memory_space<semaphore_mem>>
      %dma_start3A_570 = arith.constant 0 : i32
      %dma_start3A_571 = arith.constant 0 : i32
      %dma_start3A_572 = tpu.memref_slice %arg14[%run_scoped3A_279, %dma_start3A_570, %dma_start3A_571] : memref<2x128x128xf32, #tpu.memory_space<vmem>> -> memref<1x128x128xf32, #tpu.memory_space<vmem>>
      %dma_start3A_573 = tpu.memref_squeeze %dma_start3A_572 : memref<1x128x128xf32, #tpu.memory_space<vmem>> -> memref<128x128xf32, #tpu.memory_space<vmem>>
      %dma_start3A_574 = arith.constant 0 : i32
      %dma_start3A_575 = tpu.memref_slice %arg5[%add3A_278, %dma_start3A_574] : memref<65536x128xf32, #tpu.memory_space<hbm>> -> memref<128x128xf32, #tpu.memory_space<hbm>>
      %dma_start3A_576 = arith.constant 0 : i32
      %dma_start3A_577 = tpu.memref_slice %arg5[%add3A_278, %dma_start3A_576] : memref<65536x128xf32, #tpu.memory_space<hbm>> -> memref<128x128xf32, #tpu.memory_space<hbm>>
      %dma_start3A_578 = arith.constant 0 : i32
      %dma_start3A_579 = arith.constant 0 : i32
      %dma_start3A_580 = tpu.memref_slice %arg14[%run_scoped3A_279, %dma_start3A_578, %dma_start3A_579] : memref<2x128x128xf32, #tpu.memory_space<vmem>> -> memref<1x128x128xf32, #tpu.memory_space<vmem>>
      %dma_start3A_581 = tpu.memref_squeeze %dma_start3A_580 : memref<1x128x128xf32, #tpu.memory_space<vmem>> -> memref<128x128xf32, #tpu.memory_space<vmem>>
      tpu.enqueue_dma source(%dma_start3A_581 : memref<128x128xf32, #tpu.memory_space<vmem>>) target(%dma_start3A_577 : memref<128x128xf32, #tpu.memory_space<hbm>>) target_semaphore(%run_scoped3A_569 : memref<!tpu.dma_semaphore, #tpu.memory_space<semaphore_mem>>)
      %dma_wait3A_582 = arith.constant 0 : i32
      %dma_wait3A_583 = arith.constant 0 : i32
      %dma_wait3A_584 = tpu.memref_slice %arg14[%run_scoped3A_279, %dma_wait3A_582, %dma_wait3A_583] : memref<2x128x128xf32, #tpu.memory_space<vmem>> -> memref<1x128x128xf32, #tpu.memory_space<vmem>>
      %dma_wait3A_585 = tpu.memref_squeeze %dma_wait3A_584 : memref<1x128x128xf32, #tpu.memory_space<vmem>> -> memref<128x128xf32, #tpu.memory_space<vmem>>
      %dma_wait3A_586 = arith.constant 0 : i32
      %dma_wait3A_587 = tpu.memref_slice %arg5[%add3A_278, %dma_wait3A_586] : memref<65536x128xf32, #tpu.memory_space<hbm>> -> memref<128x128xf32, #tpu.memory_space<hbm>>
      %dma_wait3A_588 = arith.constant 0 : i32
      %dma_wait3A_589 = tpu.memref_slice %arg5[%add3A_278, %dma_wait3A_588] : memref<65536x128xf32, #tpu.memory_space<hbm>> -> memref<128x128xf32, #tpu.memory_space<hbm>>
      %dma_wait3A_590 = arith.constant 0 : i32
      %dma_wait3A_591 = arith.constant 0 : i32
      %dma_wait3A_592 = tpu.memref_slice %arg14[%run_scoped3A_279, %dma_wait3A_590, %dma_wait3A_591] : memref<2x128x128xf32, #tpu.memory_space<vmem>> -> memref<1x128x128xf32, #tpu.memory_space<vmem>>
      %dma_wait3A_593 = tpu.memref_squeeze %dma_wait3A_592 : memref<1x128x128xf32, #tpu.memory_space<vmem>> -> memref<128x128xf32, #tpu.memory_space<vmem>>
      tpu.wait_dma2 semaphore(%run_scoped3A_569 : memref<!tpu.dma_semaphore, #tpu.memory_space<semaphore_mem>>) src(%dma_wait3A_593 : memref<128x128xf32, #tpu.memory_space<vmem>>) dst(%dma_wait3A_589 : memref<128x128xf32, #tpu.memory_space<hbm>>)
      tpu.yield
    }) : () -> ()
    %dma_start3A_280 = arith.constant 0 : i32
    %dma_start3A_281 = arith.constant 0 : i32
    %dma_start3A_282 = arith.constant 0 : i32
    %dma_start3A_283 = tpu.memref_slice %arg14[%dma_start3A_280, %dma_start3A_281, %dma_start3A_282] : memref<2x128x128xf32, #tpu.memory_space<vmem>> -> memref<1x128x128xf32, #tpu.memory_space<vmem>>
    %dma_start3A_284 = tpu.memref_squeeze %dma_start3A_283 : memref<1x128x128xf32, #tpu.memory_space<vmem>> -> memref<128x128xf32, #tpu.memory_space<vmem>>
    %dma_start3A_285 = arith.constant 512 : i32
    %dma_start3A_286 = tpu.memref_slice %arg13[%dma_start3A_285] : memref<2048xi32, #tpu.memory_space<vmem>> -> memref<128xi32, #tpu.memory_space<vmem>>
    %dma_start3A_287 = arith.constant 0 : i32
    %dma_start3A_288 = arith.constant 0 : i32
    %dma_start3A_289 = tpu.memref_slice %arg4[%dma_start3A_287, %dma_start3A_288] : memref<65536x128xf32, #tpu.memory_space<hbm>> -> memref<65536x128xf32, #tpu.memory_space<hbm>>
    tpu.enqueue_indirect_dma source(%dma_start3A_289 : memref<65536x128xf32, #tpu.memory_space<hbm>>) target(%dma_start3A_284 : memref<128x128xf32, #tpu.memory_space<vmem>>) offsets(%dma_start3A_286 : memref<128xi32, #tpu.memory_space<vmem>>) semaphore(%arg15 : memref<!tpu.dma_semaphore, #tpu.memory_space<semaphore_mem>>)
    %dma_wait3A_290 = arith.constant 1 : i32
    %dma_wait3A_291 = arith.constant 0 : i32
    %dma_wait3A_292 = arith.constant 0 : i32
    %dma_wait3A_293 = tpu.memref_slice %arg14[%dma_wait3A_290, %dma_wait3A_291, %dma_wait3A_292] : memref<2x128x128xf32, #tpu.memory_space<vmem>> -> memref<1x128x128xf32, #tpu.memory_space<vmem>>
    %dma_wait3A_294 = tpu.memref_squeeze %dma_wait3A_293 : memref<1x128x128xf32, #tpu.memory_space<vmem>> -> memref<128x128xf32, #tpu.memory_space<vmem>>
    %dma_wait3A_295 = arith.constant 384 : i32
    %dma_wait3A_296 = tpu.memref_slice %arg13[%dma_wait3A_295] : memref<2048xi32, #tpu.memory_space<vmem>> -> memref<128xi32, #tpu.memory_space<vmem>>
    %dma_wait3A_297 = arith.constant 0 : i32
    %dma_wait3A_298 = arith.constant 0 : i32
    %dma_wait3A_299 = tpu.memref_slice %arg4[%dma_wait3A_297, %dma_wait3A_298] : memref<65536x128xf32, #tpu.memory_space<hbm>> -> memref<65536x128xf32, #tpu.memory_space<hbm>>
    tpu.wait_indirect_dma semaphore(%arg16 : memref<!tpu.dma_semaphore, #tpu.memory_space<semaphore_mem>>) src(%dma_wait3A_299 : memref<65536x128xf32, #tpu.memory_space<hbm>>) dst(%dma_wait3A_294 : memref<128x128xf32, #tpu.memory_space<vmem>>)
    %add3A_300 = arith.constant 384 : i32
    %add3A_301 = arith.addi %mul3A_201, %add3A_300 : i32
    %run_scoped3A_302 = arith.constant 1 : i32
    "tpu.region"() ({
      %run_scoped3A_569 = tpu.sem_alloc : memref<!tpu.dma_semaphore, #tpu.memory_space<semaphore_mem>>
      %dma_start3A_570 = arith.constant 0 : i32
      %dma_start3A_571 = arith.constant 0 : i32
      %dma_start3A_572 = tpu.memref_slice %arg14[%run_scoped3A_302, %dma_start3A_570, %dma_start3A_571] : memref<2x128x128xf32, #tpu.memory_space<vmem>> -> memref<1x128x128xf32, #tpu.memory_space<vmem>>
      %dma_start3A_573 = tpu.memref_squeeze %dma_start3A_572 : memref<1x128x128xf32, #tpu.memory_space<vmem>> -> memref<128x128xf32, #tpu.memory_space<vmem>>
      %dma_start3A_574 = arith.constant 0 : i32
      %dma_start3A_575 = tpu.memref_slice %arg5[%add3A_301, %dma_start3A_574] : memref<65536x128xf32, #tpu.memory_space<hbm>> -> memref<128x128xf32, #tpu.memory_space<hbm>>
      %dma_start3A_576 = arith.constant 0 : i32
      %dma_start3A_577 = tpu.memref_slice %arg5[%add3A_301, %dma_start3A_576] : memref<65536x128xf32, #tpu.memory_space<hbm>> -> memref<128x128xf32, #tpu.memory_space<hbm>>
      %dma_start3A_578 = arith.constant 0 : i32
      %dma_start3A_579 = arith.constant 0 : i32
      %dma_start3A_580 = tpu.memref_slice %arg14[%run_scoped3A_302, %dma_start3A_578, %dma_start3A_579] : memref<2x128x128xf32, #tpu.memory_space<vmem>> -> memref<1x128x128xf32, #tpu.memory_space<vmem>>
      %dma_start3A_581 = tpu.memref_squeeze %dma_start3A_580 : memref<1x128x128xf32, #tpu.memory_space<vmem>> -> memref<128x128xf32, #tpu.memory_space<vmem>>
      tpu.enqueue_dma source(%dma_start3A_581 : memref<128x128xf32, #tpu.memory_space<vmem>>) target(%dma_start3A_577 : memref<128x128xf32, #tpu.memory_space<hbm>>) target_semaphore(%run_scoped3A_569 : memref<!tpu.dma_semaphore, #tpu.memory_space<semaphore_mem>>)
      %dma_wait3A_582 = arith.constant 0 : i32
      %dma_wait3A_583 = arith.constant 0 : i32
      %dma_wait3A_584 = tpu.memref_slice %arg14[%run_scoped3A_302, %dma_wait3A_582, %dma_wait3A_583] : memref<2x128x128xf32, #tpu.memory_space<vmem>> -> memref<1x128x128xf32, #tpu.memory_space<vmem>>
      %dma_wait3A_585 = tpu.memref_squeeze %dma_wait3A_584 : memref<1x128x128xf32, #tpu.memory_space<vmem>> -> memref<128x128xf32, #tpu.memory_space<vmem>>
      %dma_wait3A_586 = arith.constant 0 : i32
      %dma_wait3A_587 = tpu.memref_slice %arg5[%add3A_301, %dma_wait3A_586] : memref<65536x128xf32, #tpu.memory_space<hbm>> -> memref<128x128xf32, #tpu.memory_space<hbm>>
      %dma_wait3A_588 = arith.constant 0 : i32
      %dma_wait3A_589 = tpu.memref_slice %arg5[%add3A_301, %dma_wait3A_588] : memref<65536x128xf32, #tpu.memory_space<hbm>> -> memref<128x128xf32, #tpu.memory_space<hbm>>
      %dma_wait3A_590 = arith.constant 0 : i32
      %dma_wait3A_591 = arith.constant 0 : i32
      %dma_wait3A_592 = tpu.memref_slice %arg14[%run_scoped3A_302, %dma_wait3A_590, %dma_wait3A_591] : memref<2x128x128xf32, #tpu.memory_space<vmem>> -> memref<1x128x128xf32, #tpu.memory_space<vmem>>
      %dma_wait3A_593 = tpu.memref_squeeze %dma_wait3A_592 : memref<1x128x128xf32, #tpu.memory_space<vmem>> -> memref<128x128xf32, #tpu.memory_space<vmem>>
      tpu.wait_dma2 semaphore(%run_scoped3A_569 : memref<!tpu.dma_semaphore, #tpu.memory_space<semaphore_mem>>) src(%dma_wait3A_593 : memref<128x128xf32, #tpu.memory_space<vmem>>) dst(%dma_wait3A_589 : memref<128x128xf32, #tpu.memory_space<hbm>>)
      tpu.yield
    }) : () -> ()
    %dma_start3A_303 = arith.constant 1 : i32
    %dma_start3A_304 = arith.constant 0 : i32
    %dma_start3A_305 = arith.constant 0 : i32
    %dma_start3A_306 = tpu.memref_slice %arg14[%dma_start3A_303, %dma_start3A_304, %dma_start3A_305] : memref<2x128x128xf32, #tpu.memory_space<vmem>> -> memref<1x128x128xf32, #tpu.memory_space<vmem>>
    %dma_start3A_307 = tpu.memref_squeeze %dma_start3A_306 : memref<1x128x128xf32, #tpu.memory_space<vmem>> -> memref<128x128xf32, #tpu.memory_space<vmem>>
    %dma_start3A_308 = arith.constant 640 : i32
    %dma_start3A_309 = tpu.memref_slice %arg13[%dma_start3A_308] : memref<2048xi32, #tpu.memory_space<vmem>> -> memref<128xi32, #tpu.memory_space<vmem>>
    %dma_start3A_310 = arith.constant 0 : i32
    %dma_start3A_311 = arith.constant 0 : i32
    %dma_start3A_312 = tpu.memref_slice %arg4[%dma_start3A_310, %dma_start3A_311] : memref<65536x128xf32, #tpu.memory_space<hbm>> -> memref<65536x128xf32, #tpu.memory_space<hbm>>
    tpu.enqueue_indirect_dma source(%dma_start3A_312 : memref<65536x128xf32, #tpu.memory_space<hbm>>) target(%dma_start3A_307 : memref<128x128xf32, #tpu.memory_space<vmem>>) offsets(%dma_start3A_309 : memref<128xi32, #tpu.memory_space<vmem>>) semaphore(%arg16 : memref<!tpu.dma_semaphore, #tpu.memory_space<semaphore_mem>>)
    %dma_wait3A_313 = arith.constant 0 : i32
    %dma_wait3A_314 = arith.constant 0 : i32
    %dma_wait3A_315 = arith.constant 0 : i32
    %dma_wait3A_316 = tpu.memref_slice %arg14[%dma_wait3A_313, %dma_wait3A_314, %dma_wait3A_315] : memref<2x128x128xf32, #tpu.memory_space<vmem>> -> memref<1x128x128xf32, #tpu.memory_space<vmem>>
    %dma_wait3A_317 = tpu.memref_squeeze %dma_wait3A_316 : memref<1x128x128xf32, #tpu.memory_space<vmem>> -> memref<128x128xf32, #tpu.memory_space<vmem>>
    %dma_wait3A_318 = arith.constant 512 : i32
    %dma_wait3A_319 = tpu.memref_slice %arg13[%dma_wait3A_318] : memref<2048xi32, #tpu.memory_space<vmem>> -> memref<128xi32, #tpu.memory_space<vmem>>
    %dma_wait3A_320 = arith.constant 0 : i32
    %dma_wait3A_321 = arith.constant 0 : i32
    %dma_wait3A_322 = tpu.memref_slice %arg4[%dma_wait3A_320, %dma_wait3A_321] : memref<65536x128xf32, #tpu.memory_space<hbm>> -> memref<65536x128xf32, #tpu.memory_space<hbm>>
    tpu.wait_indirect_dma semaphore(%arg15 : memref<!tpu.dma_semaphore, #tpu.memory_space<semaphore_mem>>) src(%dma_wait3A_322 : memref<65536x128xf32, #tpu.memory_space<hbm>>) dst(%dma_wait3A_317 : memref<128x128xf32, #tpu.memory_space<vmem>>)
    %add3A_323 = arith.constant 512 : i32
    %add3A_324 = arith.addi %mul3A_201, %add3A_323 : i32
    %run_scoped3A_325 = arith.constant 0 : i32
    "tpu.region"() ({
      %run_scoped3A_569 = tpu.sem_alloc : memref<!tpu.dma_semaphore, #tpu.memory_space<semaphore_mem>>
      %dma_start3A_570 = arith.constant 0 : i32
      %dma_start3A_571 = arith.constant 0 : i32
      %dma_start3A_572 = tpu.memref_slice %arg14[%run_scoped3A_325, %dma_start3A_570, %dma_start3A_571] : memref<2x128x128xf32, #tpu.memory_space<vmem>> -> memref<1x128x128xf32, #tpu.memory_space<vmem>>
      %dma_start3A_573 = tpu.memref_squeeze %dma_start3A_572 : memref<1x128x128xf32, #tpu.memory_space<vmem>> -> memref<128x128xf32, #tpu.memory_space<vmem>>
      %dma_start3A_574 = arith.constant 0 : i32
      %dma_start3A_575 = tpu.memref_slice %arg5[%add3A_324, %dma_start3A_574] : memref<65536x128xf32, #tpu.memory_space<hbm>> -> memref<128x128xf32, #tpu.memory_space<hbm>>
      %dma_start3A_576 = arith.constant 0 : i32
      %dma_start3A_577 = tpu.memref_slice %arg5[%add3A_324, %dma_start3A_576] : memref<65536x128xf32, #tpu.memory_space<hbm>> -> memref<128x128xf32, #tpu.memory_space<hbm>>
      %dma_start3A_578 = arith.constant 0 : i32
      %dma_start3A_579 = arith.constant 0 : i32
      %dma_start3A_580 = tpu.memref_slice %arg14[%run_scoped3A_325, %dma_start3A_578, %dma_start3A_579] : memref<2x128x128xf32, #tpu.memory_space<vmem>> -> memref<1x128x128xf32, #tpu.memory_space<vmem>>
      %dma_start3A_581 = tpu.memref_squeeze %dma_start3A_580 : memref<1x128x128xf32, #tpu.memory_space<vmem>> -> memref<128x128xf32, #tpu.memory_space<vmem>>
      tpu.enqueue_dma source(%dma_start3A_581 : memref<128x128xf32, #tpu.memory_space<vmem>>) target(%dma_start3A_577 : memref<128x128xf32, #tpu.memory_space<hbm>>) target_semaphore(%run_scoped3A_569 : memref<!tpu.dma_semaphore, #tpu.memory_space<semaphore_mem>>)
      %dma_wait3A_582 = arith.constant 0 : i32
      %dma_wait3A_583 = arith.constant 0 : i32
      %dma_wait3A_584 = tpu.memref_slice %arg14[%run_scoped3A_325, %dma_wait3A_582, %dma_wait3A_583] : memref<2x128x128xf32, #tpu.memory_space<vmem>> -> memref<1x128x128xf32, #tpu.memory_space<vmem>>
      %dma_wait3A_585 = tpu.memref_squeeze %dma_wait3A_584 : memref<1x128x128xf32, #tpu.memory_space<vmem>> -> memref<128x128xf32, #tpu.memory_space<vmem>>
      %dma_wait3A_586 = arith.constant 0 : i32
      %dma_wait3A_587 = tpu.memref_slice %arg5[%add3A_324, %dma_wait3A_586] : memref<65536x128xf32, #tpu.memory_space<hbm>> -> memref<128x128xf32, #tpu.memory_space<hbm>>
      %dma_wait3A_588 = arith.constant 0 : i32
      %dma_wait3A_589 = tpu.memref_slice %arg5[%add3A_324, %dma_wait3A_588] : memref<65536x128xf32, #tpu.memory_space<hbm>> -> memref<128x128xf32, #tpu.memory_space<hbm>>
      %dma_wait3A_590 = arith.constant 0 : i32
      %dma_wait3A_591 = arith.constant 0 : i32
      %dma_wait3A_592 = tpu.memref_slice %arg14[%run_scoped3A_325, %dma_wait3A_590, %dma_wait3A_591] : memref<2x128x128xf32, #tpu.memory_space<vmem>> -> memref<1x128x128xf32, #tpu.memory_space<vmem>>
      %dma_wait3A_593 = tpu.memref_squeeze %dma_wait3A_592 : memref<1x128x128xf32, #tpu.memory_space<vmem>> -> memref<128x128xf32, #tpu.memory_space<vmem>>
      tpu.wait_dma2 semaphore(%run_scoped3A_569 : memref<!tpu.dma_semaphore, #tpu.memory_space<semaphore_mem>>) src(%dma_wait3A_593 : memref<128x128xf32, #tpu.memory_space<vmem>>) dst(%dma_wait3A_589 : memref<128x128xf32, #tpu.memory_space<hbm>>)
      tpu.yield
    }) : () -> ()
    %dma_start3A_326 = arith.constant 0 : i32
    %dma_start3A_327 = arith.constant 0 : i32
    %dma_start3A_328 = arith.constant 0 : i32
    %dma_start3A_329 = tpu.memref_slice %arg14[%dma_start3A_326, %dma_start3A_327, %dma_start3A_328] : memref<2x128x128xf32, #tpu.memory_space<vmem>> -> memref<1x128x128xf32, #tpu.memory_space<vmem>>
    %dma_start3A_330 = tpu.memref_squeeze %dma_start3A_329 : memref<1x128x128xf32, #tpu.memory_space<vmem>> -> memref<128x128xf32, #tpu.memory_space<vmem>>
    %dma_start3A_331 = arith.constant 768 : i32
    %dma_start3A_332 = tpu.memref_slice %arg13[%dma_start3A_331] : memref<2048xi32, #tpu.memory_space<vmem>> -> memref<128xi32, #tpu.memory_space<vmem>>
    %dma_start3A_333 = arith.constant 0 : i32
    %dma_start3A_334 = arith.constant 0 : i32
    %dma_start3A_335 = tpu.memref_slice %arg4[%dma_start3A_333, %dma_start3A_334] : memref<65536x128xf32, #tpu.memory_space<hbm>> -> memref<65536x128xf32, #tpu.memory_space<hbm>>
    tpu.enqueue_indirect_dma source(%dma_start3A_335 : memref<65536x128xf32, #tpu.memory_space<hbm>>) target(%dma_start3A_330 : memref<128x128xf32, #tpu.memory_space<vmem>>) offsets(%dma_start3A_332 : memref<128xi32, #tpu.memory_space<vmem>>) semaphore(%arg15 : memref<!tpu.dma_semaphore, #tpu.memory_space<semaphore_mem>>)
    %dma_wait3A_336 = arith.constant 1 : i32
    %dma_wait3A_337 = arith.constant 0 : i32
    %dma_wait3A_338 = arith.constant 0 : i32
    %dma_wait3A_339 = tpu.memref_slice %arg14[%dma_wait3A_336, %dma_wait3A_337, %dma_wait3A_338] : memref<2x128x128xf32, #tpu.memory_space<vmem>> -> memref<1x128x128xf32, #tpu.memory_space<vmem>>
    %dma_wait3A_340 = tpu.memref_squeeze %dma_wait3A_339 : memref<1x128x128xf32, #tpu.memory_space<vmem>> -> memref<128x128xf32, #tpu.memory_space<vmem>>
    %dma_wait3A_341 = arith.constant 640 : i32
    %dma_wait3A_342 = tpu.memref_slice %arg13[%dma_wait3A_341] : memref<2048xi32, #tpu.memory_space<vmem>> -> memref<128xi32, #tpu.memory_space<vmem>>
    %dma_wait3A_343 = arith.constant 0 : i32
    %dma_wait3A_344 = arith.constant 0 : i32
    %dma_wait3A_345 = tpu.memref_slice %arg4[%dma_wait3A_343, %dma_wait3A_344] : memref<65536x128xf32, #tpu.memory_space<hbm>> -> memref<65536x128xf32, #tpu.memory_space<hbm>>
    tpu.wait_indirect_dma semaphore(%arg16 : memref<!tpu.dma_semaphore, #tpu.memory_space<semaphore_mem>>) src(%dma_wait3A_345 : memref<65536x128xf32, #tpu.memory_space<hbm>>) dst(%dma_wait3A_340 : memref<128x128xf32, #tpu.memory_space<vmem>>)
    %add3A_346 = arith.constant 640 : i32
    %add3A_347 = arith.addi %mul3A_201, %add3A_346 : i32
    %run_scoped3A_348 = arith.constant 1 : i32
    "tpu.region"() ({
      %run_scoped3A_569 = tpu.sem_alloc : memref<!tpu.dma_semaphore, #tpu.memory_space<semaphore_mem>>
      %dma_start3A_570 = arith.constant 0 : i32
      %dma_start3A_571 = arith.constant 0 : i32
      %dma_start3A_572 = tpu.memref_slice %arg14[%run_scoped3A_348, %dma_start3A_570, %dma_start3A_571] : memref<2x128x128xf32, #tpu.memory_space<vmem>> -> memref<1x128x128xf32, #tpu.memory_space<vmem>>
      %dma_start3A_573 = tpu.memref_squeeze %dma_start3A_572 : memref<1x128x128xf32, #tpu.memory_space<vmem>> -> memref<128x128xf32, #tpu.memory_space<vmem>>
      %dma_start3A_574 = arith.constant 0 : i32
      %dma_start3A_575 = tpu.memref_slice %arg5[%add3A_347, %dma_start3A_574] : memref<65536x128xf32, #tpu.memory_space<hbm>> -> memref<128x128xf32, #tpu.memory_space<hbm>>
      %dma_start3A_576 = arith.constant 0 : i32
      %dma_start3A_577 = tpu.memref_slice %arg5[%add3A_347, %dma_start3A_576] : memref<65536x128xf32, #tpu.memory_space<hbm>> -> memref<128x128xf32, #tpu.memory_space<hbm>>
      %dma_start3A_578 = arith.constant 0 : i32
      %dma_start3A_579 = arith.constant 0 : i32
      %dma_start3A_580 = tpu.memref_slice %arg14[%run_scoped3A_348, %dma_start3A_578, %dma_start3A_579] : memref<2x128x128xf32, #tpu.memory_space<vmem>> -> memref<1x128x128xf32, #tpu.memory_space<vmem>>
      %dma_start3A_581 = tpu.memref_squeeze %dma_start3A_580 : memref<1x128x128xf32, #tpu.memory_space<vmem>> -> memref<128x128xf32, #tpu.memory_space<vmem>>
      tpu.enqueue_dma source(%dma_start3A_581 : memref<128x128xf32, #tpu.memory_space<vmem>>) target(%dma_start3A_577 : memref<128x128xf32, #tpu.memory_space<hbm>>) target_semaphore(%run_scoped3A_569 : memref<!tpu.dma_semaphore, #tpu.memory_space<semaphore_mem>>)
      %dma_wait3A_582 = arith.constant 0 : i32
      %dma_wait3A_583 = arith.constant 0 : i32
      %dma_wait3A_584 = tpu.memref_slice %arg14[%run_scoped3A_348, %dma_wait3A_582, %dma_wait3A_583] : memref<2x128x128xf32, #tpu.memory_space<vmem>> -> memref<1x128x128xf32, #tpu.memory_space<vmem>>
      %dma_wait3A_585 = tpu.memref_squeeze %dma_wait3A_584 : memref<1x128x128xf32, #tpu.memory_space<vmem>> -> memref<128x128xf32, #tpu.memory_space<vmem>>
      %dma_wait3A_586 = arith.constant 0 : i32
      %dma_wait3A_587 = tpu.memref_slice %arg5[%add3A_347, %dma_wait3A_586] : memref<65536x128xf32, #tpu.memory_space<hbm>> -> memref<128x128xf32, #tpu.memory_space<hbm>>
      %dma_wait3A_588 = arith.constant 0 : i32
      %dma_wait3A_589 = tpu.memref_slice %arg5[%add3A_347, %dma_wait3A_588] : memref<65536x128xf32, #tpu.memory_space<hbm>> -> memref<128x128xf32, #tpu.memory_space<hbm>>
      %dma_wait3A_590 = arith.constant 0 : i32
      %dma_wait3A_591 = arith.constant 0 : i32
      %dma_wait3A_592 = tpu.memref_slice %arg14[%run_scoped3A_348, %dma_wait3A_590, %dma_wait3A_591] : memref<2x128x128xf32, #tpu.memory_space<vmem>> -> memref<1x128x128xf32, #tpu.memory_space<vmem>>
      %dma_wait3A_593 = tpu.memref_squeeze %dma_wait3A_592 : memref<1x128x128xf32, #tpu.memory_space<vmem>> -> memref<128x128xf32, #tpu.memory_space<vmem>>
      tpu.wait_dma2 semaphore(%run_scoped3A_569 : memref<!tpu.dma_semaphore, #tpu.memory_space<semaphore_mem>>) src(%dma_wait3A_593 : memref<128x128xf32, #tpu.memory_space<vmem>>) dst(%dma_wait3A_589 : memref<128x128xf32, #tpu.memory_space<hbm>>)
      tpu.yield
    }) : () -> ()
    %dma_start3A_349 = arith.constant 1 : i32
    %dma_start3A_350 = arith.constant 0 : i32
    %dma_start3A_351 = arith.constant 0 : i32
    %dma_start3A_352 = tpu.memref_slice %arg14[%dma_start3A_349, %dma_start3A_350, %dma_start3A_351] : memref<2x128x128xf32, #tpu.memory_space<vmem>> -> memref<1x128x128xf32, #tpu.memory_space<vmem>>
    %dma_start3A_353 = tpu.memref_squeeze %dma_start3A_352 : memref<1x128x128xf32, #tpu.memory_space<vmem>> -> memref<128x128xf32, #tpu.memory_space<vmem>>
    %dma_start3A_354 = arith.constant 896 : i32
    %dma_start3A_355 = tpu.memref_slice %arg13[%dma_start3A_354] : memref<2048xi32, #tpu.memory_space<vmem>> -> memref<128xi32, #tpu.memory_space<vmem>>
    %dma_start3A_356 = arith.constant 0 : i32
    %dma_start3A_357 = arith.constant 0 : i32
    %dma_start3A_358 = tpu.memref_slice %arg4[%dma_start3A_356, %dma_start3A_357] : memref<65536x128xf32, #tpu.memory_space<hbm>> -> memref<65536x128xf32, #tpu.memory_space<hbm>>
    tpu.enqueue_indirect_dma source(%dma_start3A_358 : memref<65536x128xf32, #tpu.memory_space<hbm>>) target(%dma_start3A_353 : memref<128x128xf32, #tpu.memory_space<vmem>>) offsets(%dma_start3A_355 : memref<128xi32, #tpu.memory_space<vmem>>) semaphore(%arg16 : memref<!tpu.dma_semaphore, #tpu.memory_space<semaphore_mem>>)
    %dma_wait3A_359 = arith.constant 0 : i32
    %dma_wait3A_360 = arith.constant 0 : i32
    %dma_wait3A_361 = arith.constant 0 : i32
    %dma_wait3A_362 = tpu.memref_slice %arg14[%dma_wait3A_359, %dma_wait3A_360, %dma_wait3A_361] : memref<2x128x128xf32, #tpu.memory_space<vmem>> -> memref<1x128x128xf32, #tpu.memory_space<vmem>>
    %dma_wait3A_363 = tpu.memref_squeeze %dma_wait3A_362 : memref<1x128x128xf32, #tpu.memory_space<vmem>> -> memref<128x128xf32, #tpu.memory_space<vmem>>
    %dma_wait3A_364 = arith.constant 768 : i32
    %dma_wait3A_365 = tpu.memref_slice %arg13[%dma_wait3A_364] : memref<2048xi32, #tpu.memory_space<vmem>> -> memref<128xi32, #tpu.memory_space<vmem>>
    %dma_wait3A_366 = arith.constant 0 : i32
    %dma_wait3A_367 = arith.constant 0 : i32
    %dma_wait3A_368 = tpu.memref_slice %arg4[%dma_wait3A_366, %dma_wait3A_367] : memref<65536x128xf32, #tpu.memory_space<hbm>> -> memref<65536x128xf32, #tpu.memory_space<hbm>>
    tpu.wait_indirect_dma semaphore(%arg15 : memref<!tpu.dma_semaphore, #tpu.memory_space<semaphore_mem>>) src(%dma_wait3A_368 : memref<65536x128xf32, #tpu.memory_space<hbm>>) dst(%dma_wait3A_363 : memref<128x128xf32, #tpu.memory_space<vmem>>)
    %add3A_369 = arith.constant 768 : i32
    %add3A_370 = arith.addi %mul3A_201, %add3A_369 : i32
    %run_scoped3A_371 = arith.constant 0 : i32
    "tpu.region"() ({
      %run_scoped3A_569 = tpu.sem_alloc : memref<!tpu.dma_semaphore, #tpu.memory_space<semaphore_mem>>
      %dma_start3A_570 = arith.constant 0 : i32
      %dma_start3A_571 = arith.constant 0 : i32
      %dma_start3A_572 = tpu.memref_slice %arg14[%run_scoped3A_371, %dma_start3A_570, %dma_start3A_571] : memref<2x128x128xf32, #tpu.memory_space<vmem>> -> memref<1x128x128xf32, #tpu.memory_space<vmem>>
      %dma_start3A_573 = tpu.memref_squeeze %dma_start3A_572 : memref<1x128x128xf32, #tpu.memory_space<vmem>> -> memref<128x128xf32, #tpu.memory_space<vmem>>
      %dma_start3A_574 = arith.constant 0 : i32
      %dma_start3A_575 = tpu.memref_slice %arg5[%add3A_370, %dma_start3A_574] : memref<65536x128xf32, #tpu.memory_space<hbm>> -> memref<128x128xf32, #tpu.memory_space<hbm>>
      %dma_start3A_576 = arith.constant 0 : i32
      %dma_start3A_577 = tpu.memref_slice %arg5[%add3A_370, %dma_start3A_576] : memref<65536x128xf32, #tpu.memory_space<hbm>> -> memref<128x128xf32, #tpu.memory_space<hbm>>
      %dma_start3A_578 = arith.constant 0 : i32
      %dma_start3A_579 = arith.constant 0 : i32
      %dma_start3A_580 = tpu.memref_slice %arg14[%run_scoped3A_371, %dma_start3A_578, %dma_start3A_579] : memref<2x128x128xf32, #tpu.memory_space<vmem>> -> memref<1x128x128xf32, #tpu.memory_space<vmem>>
      %dma_start3A_581 = tpu.memref_squeeze %dma_start3A_580 : memref<1x128x128xf32, #tpu.memory_space<vmem>> -> memref<128x128xf32, #tpu.memory_space<vmem>>
      tpu.enqueue_dma source(%dma_start3A_581 : memref<128x128xf32, #tpu.memory_space<vmem>>) target(%dma_start3A_577 : memref<128x128xf32, #tpu.memory_space<hbm>>) target_semaphore(%run_scoped3A_569 : memref<!tpu.dma_semaphore, #tpu.memory_space<semaphore_mem>>)
      %dma_wait3A_582 = arith.constant 0 : i32
      %dma_wait3A_583 = arith.constant 0 : i32
      %dma_wait3A_584 = tpu.memref_slice %arg14[%run_scoped3A_371, %dma_wait3A_582, %dma_wait3A_583] : memref<2x128x128xf32, #tpu.memory_space<vmem>> -> memref<1x128x128xf32, #tpu.memory_space<vmem>>
      %dma_wait3A_585 = tpu.memref_squeeze %dma_wait3A_584 : memref<1x128x128xf32, #tpu.memory_space<vmem>> -> memref<128x128xf32, #tpu.memory_space<vmem>>
      %dma_wait3A_586 = arith.constant 0 : i32
      %dma_wait3A_587 = tpu.memref_slice %arg5[%add3A_370, %dma_wait3A_586] : memref<65536x128xf32, #tpu.memory_space<hbm>> -> memref<128x128xf32, #tpu.memory_space<hbm>>
      %dma_wait3A_588 = arith.constant 0 : i32
      %dma_wait3A_589 = tpu.memref_slice %arg5[%add3A_370, %dma_wait3A_588] : memref<65536x128xf32, #tpu.memory_space<hbm>> -> memref<128x128xf32, #tpu.memory_space<hbm>>
      %dma_wait3A_590 = arith.constant 0 : i32
      %dma_wait3A_591 = arith.constant 0 : i32
      %dma_wait3A_592 = tpu.memref_slice %arg14[%run_scoped3A_371, %dma_wait3A_590, %dma_wait3A_591] : memref<2x128x128xf32, #tpu.memory_space<vmem>> -> memref<1x128x128xf32, #tpu.memory_space<vmem>>
      %dma_wait3A_593 = tpu.memref_squeeze %dma_wait3A_592 : memref<1x128x128xf32, #tpu.memory_space<vmem>> -> memref<128x128xf32, #tpu.memory_space<vmem>>
      tpu.wait_dma2 semaphore(%run_scoped3A_569 : memref<!tpu.dma_semaphore, #tpu.memory_space<semaphore_mem>>) src(%dma_wait3A_593 : memref<128x128xf32, #tpu.memory_space<vmem>>) dst(%dma_wait3A_589 : memref<128x128xf32, #tpu.memory_space<hbm>>)
      tpu.yield
    }) : () -> ()
    %dma_start3A_372 = arith.constant 0 : i32
    %dma_start3A_373 = arith.constant 0 : i32
    %dma_start3A_374 = arith.constant 0 : i32
    %dma_start3A_375 = tpu.memref_slice %arg14[%dma_start3A_372, %dma_start3A_373, %dma_start3A_374] : memref<2x128x128xf32, #tpu.memory_space<vmem>> -> memref<1x128x128xf32, #tpu.memory_space<vmem>>
    %dma_start3A_376 = tpu.memref_squeeze %dma_start3A_375 : memref<1x128x128xf32, #tpu.memory_space<vmem>> -> memref<128x128xf32, #tpu.memory_space<vmem>>
    %dma_start3A_377 = arith.constant 1024 : i32
    %dma_start3A_378 = tpu.memref_slice %arg13[%dma_start3A_377] : memref<2048xi32, #tpu.memory_space<vmem>> -> memref<128xi32, #tpu.memory_space<vmem>>
    %dma_start3A_379 = arith.constant 0 : i32
    %dma_start3A_380 = arith.constant 0 : i32
    %dma_start3A_381 = tpu.memref_slice %arg4[%dma_start3A_379, %dma_start3A_380] : memref<65536x128xf32, #tpu.memory_space<hbm>> -> memref<65536x128xf32, #tpu.memory_space<hbm>>
    tpu.enqueue_indirect_dma source(%dma_start3A_381 : memref<65536x128xf32, #tpu.memory_space<hbm>>) target(%dma_start3A_376 : memref<128x128xf32, #tpu.memory_space<vmem>>) offsets(%dma_start3A_378 : memref<128xi32, #tpu.memory_space<vmem>>) semaphore(%arg15 : memref<!tpu.dma_semaphore, #tpu.memory_space<semaphore_mem>>)
    %dma_wait3A_382 = arith.constant 1 : i32
    %dma_wait3A_383 = arith.constant 0 : i32
    %dma_wait3A_384 = arith.constant 0 : i32
    %dma_wait3A_385 = tpu.memref_slice %arg14[%dma_wait3A_382, %dma_wait3A_383, %dma_wait3A_384] : memref<2x128x128xf32, #tpu.memory_space<vmem>> -> memref<1x128x128xf32, #tpu.memory_space<vmem>>
    %dma_wait3A_386 = tpu.memref_squeeze %dma_wait3A_385 : memref<1x128x128xf32, #tpu.memory_space<vmem>> -> memref<128x128xf32, #tpu.memory_space<vmem>>
    %dma_wait3A_387 = arith.constant 896 : i32
    %dma_wait3A_388 = tpu.memref_slice %arg13[%dma_wait3A_387] : memref<2048xi32, #tpu.memory_space<vmem>> -> memref<128xi32, #tpu.memory_space<vmem>>
    %dma_wait3A_389 = arith.constant 0 : i32
    %dma_wait3A_390 = arith.constant 0 : i32
    %dma_wait3A_391 = tpu.memref_slice %arg4[%dma_wait3A_389, %dma_wait3A_390] : memref<65536x128xf32, #tpu.memory_space<hbm>> -> memref<65536x128xf32, #tpu.memory_space<hbm>>
    tpu.wait_indirect_dma semaphore(%arg16 : memref<!tpu.dma_semaphore, #tpu.memory_space<semaphore_mem>>) src(%dma_wait3A_391 : memref<65536x128xf32, #tpu.memory_space<hbm>>) dst(%dma_wait3A_386 : memref<128x128xf32, #tpu.memory_space<vmem>>)
    %add3A_392 = arith.constant 896 : i32
    %add3A_393 = arith.addi %mul3A_201, %add3A_392 : i32
    %run_scoped3A_394 = arith.constant 1 : i32
    "tpu.region"() ({
      %run_scoped3A_569 = tpu.sem_alloc : memref<!tpu.dma_semaphore, #tpu.memory_space<semaphore_mem>>
      %dma_start3A_570 = arith.constant 0 : i32
      %dma_start3A_571 = arith.constant 0 : i32
      %dma_start3A_572 = tpu.memref_slice %arg14[%run_scoped3A_394, %dma_start3A_570, %dma_start3A_571] : memref<2x128x128xf32, #tpu.memory_space<vmem>> -> memref<1x128x128xf32, #tpu.memory_space<vmem>>
      %dma_start3A_573 = tpu.memref_squeeze %dma_start3A_572 : memref<1x128x128xf32, #tpu.memory_space<vmem>> -> memref<128x128xf32, #tpu.memory_space<vmem>>
      %dma_start3A_574 = arith.constant 0 : i32
      %dma_start3A_575 = tpu.memref_slice %arg5[%add3A_393, %dma_start3A_574] : memref<65536x128xf32, #tpu.memory_space<hbm>> -> memref<128x128xf32, #tpu.memory_space<hbm>>
      %dma_start3A_576 = arith.constant 0 : i32
      %dma_start3A_577 = tpu.memref_slice %arg5[%add3A_393, %dma_start3A_576] : memref<65536x128xf32, #tpu.memory_space<hbm>> -> memref<128x128xf32, #tpu.memory_space<hbm>>
      %dma_start3A_578 = arith.constant 0 : i32
      %dma_start3A_579 = arith.constant 0 : i32
      %dma_start3A_580 = tpu.memref_slice %arg14[%run_scoped3A_394, %dma_start3A_578, %dma_start3A_579] : memref<2x128x128xf32, #tpu.memory_space<vmem>> -> memref<1x128x128xf32, #tpu.memory_space<vmem>>
      %dma_start3A_581 = tpu.memref_squeeze %dma_start3A_580 : memref<1x128x128xf32, #tpu.memory_space<vmem>> -> memref<128x128xf32, #tpu.memory_space<vmem>>
      tpu.enqueue_dma source(%dma_start3A_581 : memref<128x128xf32, #tpu.memory_space<vmem>>) target(%dma_start3A_577 : memref<128x128xf32, #tpu.memory_space<hbm>>) target_semaphore(%run_scoped3A_569 : memref<!tpu.dma_semaphore, #tpu.memory_space<semaphore_mem>>)
      %dma_wait3A_582 = arith.constant 0 : i32
      %dma_wait3A_583 = arith.constant 0 : i32
      %dma_wait3A_584 = tpu.memref_slice %arg14[%run_scoped3A_394, %dma_wait3A_582, %dma_wait3A_583] : memref<2x128x128xf32, #tpu.memory_space<vmem>> -> memref<1x128x128xf32, #tpu.memory_space<vmem>>
      %dma_wait3A_585 = tpu.memref_squeeze %dma_wait3A_584 : memref<1x128x128xf32, #tpu.memory_space<vmem>> -> memref<128x128xf32, #tpu.memory_space<vmem>>
      %dma_wait3A_586 = arith.constant 0 : i32
      %dma_wait3A_587 = tpu.memref_slice %arg5[%add3A_393, %dma_wait3A_586] : memref<65536x128xf32, #tpu.memory_space<hbm>> -> memref<128x128xf32, #tpu.memory_space<hbm>>
      %dma_wait3A_588 = arith.constant 0 : i32
      %dma_wait3A_589 = tpu.memref_slice %arg5[%add3A_393, %dma_wait3A_588] : memref<65536x128xf32, #tpu.memory_space<hbm>> -> memref<128x128xf32, #tpu.memory_space<hbm>>
      %dma_wait3A_590 = arith.constant 0 : i32
      %dma_wait3A_591 = arith.constant 0 : i32
      %dma_wait3A_592 = tpu.memref_slice %arg14[%run_scoped3A_394, %dma_wait3A_590, %dma_wait3A_591] : memref<2x128x128xf32, #tpu.memory_space<vmem>> -> memref<1x128x128xf32, #tpu.memory_space<vmem>>
      %dma_wait3A_593 = tpu.memref_squeeze %dma_wait3A_592 : memref<1x128x128xf32, #tpu.memory_space<vmem>> -> memref<128x128xf32, #tpu.memory_space<vmem>>
      tpu.wait_dma2 semaphore(%run_scoped3A_569 : memref<!tpu.dma_semaphore, #tpu.memory_space<semaphore_mem>>) src(%dma_wait3A_593 : memref<128x128xf32, #tpu.memory_space<vmem>>) dst(%dma_wait3A_589 : memref<128x128xf32, #tpu.memory_space<hbm>>)
      tpu.yield
    }) : () -> ()
    %dma_start3A_395 = arith.constant 1 : i32
    %dma_start3A_396 = arith.constant 0 : i32
    %dma_start3A_397 = arith.constant 0 : i32
    %dma_start3A_398 = tpu.memref_slice %arg14[%dma_start3A_395, %dma_start3A_396, %dma_start3A_397] : memref<2x128x128xf32, #tpu.memory_space<vmem>> -> memref<1x128x128xf32, #tpu.memory_space<vmem>>
    %dma_start3A_399 = tpu.memref_squeeze %dma_start3A_398 : memref<1x128x128xf32, #tpu.memory_space<vmem>> -> memref<128x128xf32, #tpu.memory_space<vmem>>
    %dma_start3A_400 = arith.constant 1152 : i32
    %dma_start3A_401 = tpu.memref_slice %arg13[%dma_start3A_400] : memref<2048xi32, #tpu.memory_space<vmem>> -> memref<128xi32, #tpu.memory_space<vmem>>
    %dma_start3A_402 = arith.constant 0 : i32
    %dma_start3A_403 = arith.constant 0 : i32
    %dma_start3A_404 = tpu.memref_slice %arg4[%dma_start3A_402, %dma_start3A_403] : memref<65536x128xf32, #tpu.memory_space<hbm>> -> memref<65536x128xf32, #tpu.memory_space<hbm>>
    tpu.enqueue_indirect_dma source(%dma_start3A_404 : memref<65536x128xf32, #tpu.memory_space<hbm>>) target(%dma_start3A_399 : memref<128x128xf32, #tpu.memory_space<vmem>>) offsets(%dma_start3A_401 : memref<128xi32, #tpu.memory_space<vmem>>) semaphore(%arg16 : memref<!tpu.dma_semaphore, #tpu.memory_space<semaphore_mem>>)
    %dma_wait3A_405 = arith.constant 0 : i32
    %dma_wait3A_406 = arith.constant 0 : i32
    %dma_wait3A_407 = arith.constant 0 : i32
    %dma_wait3A_408 = tpu.memref_slice %arg14[%dma_wait3A_405, %dma_wait3A_406, %dma_wait3A_407] : memref<2x128x128xf32, #tpu.memory_space<vmem>> -> memref<1x128x128xf32, #tpu.memory_space<vmem>>
    %dma_wait3A_409 = tpu.memref_squeeze %dma_wait3A_408 : memref<1x128x128xf32, #tpu.memory_space<vmem>> -> memref<128x128xf32, #tpu.memory_space<vmem>>
    %dma_wait3A_410 = arith.constant 1024 : i32
    %dma_wait3A_411 = tpu.memref_slice %arg13[%dma_wait3A_410] : memref<2048xi32, #tpu.memory_space<vmem>> -> memref<128xi32, #tpu.memory_space<vmem>>
    %dma_wait3A_412 = arith.constant 0 : i32
    %dma_wait3A_413 = arith.constant 0 : i32
    %dma_wait3A_414 = tpu.memref_slice %arg4[%dma_wait3A_412, %dma_wait3A_413] : memref<65536x128xf32, #tpu.memory_space<hbm>> -> memref<65536x128xf32, #tpu.memory_space<hbm>>
    tpu.wait_indirect_dma semaphore(%arg15 : memref<!tpu.dma_semaphore, #tpu.memory_space<semaphore_mem>>) src(%dma_wait3A_414 : memref<65536x128xf32, #tpu.memory_space<hbm>>) dst(%dma_wait3A_409 : memref<128x128xf32, #tpu.memory_space<vmem>>)
    %add3A_415 = arith.constant 1024 : i32
    %add3A_416 = arith.addi %mul3A_201, %add3A_415 : i32
    %run_scoped3A_417 = arith.constant 0 : i32
    "tpu.region"() ({
      %run_scoped3A_569 = tpu.sem_alloc : memref<!tpu.dma_semaphore, #tpu.memory_space<semaphore_mem>>
      %dma_start3A_570 = arith.constant 0 : i32
      %dma_start3A_571 = arith.constant 0 : i32
      %dma_start3A_572 = tpu.memref_slice %arg14[%run_scoped3A_417, %dma_start3A_570, %dma_start3A_571] : memref<2x128x128xf32, #tpu.memory_space<vmem>> -> memref<1x128x128xf32, #tpu.memory_space<vmem>>
      %dma_start3A_573 = tpu.memref_squeeze %dma_start3A_572 : memref<1x128x128xf32, #tpu.memory_space<vmem>> -> memref<128x128xf32, #tpu.memory_space<vmem>>
      %dma_start3A_574 = arith.constant 0 : i32
      %dma_start3A_575 = tpu.memref_slice %arg5[%add3A_416, %dma_start3A_574] : memref<65536x128xf32, #tpu.memory_space<hbm>> -> memref<128x128xf32, #tpu.memory_space<hbm>>
      %dma_start3A_576 = arith.constant 0 : i32
      %dma_start3A_577 = tpu.memref_slice %arg5[%add3A_416, %dma_start3A_576] : memref<65536x128xf32, #tpu.memory_space<hbm>> -> memref<128x128xf32, #tpu.memory_space<hbm>>
      %dma_start3A_578 = arith.constant 0 : i32
      %dma_start3A_579 = arith.constant 0 : i32
      %dma_start3A_580 = tpu.memref_slice %arg14[%run_scoped3A_417, %dma_start3A_578, %dma_start3A_579] : memref<2x128x128xf32, #tpu.memory_space<vmem>> -> memref<1x128x128xf32, #tpu.memory_space<vmem>>
      %dma_start3A_581 = tpu.memref_squeeze %dma_start3A_580 : memref<1x128x128xf32, #tpu.memory_space<vmem>> -> memref<128x128xf32, #tpu.memory_space<vmem>>
      tpu.enqueue_dma source(%dma_start3A_581 : memref<128x128xf32, #tpu.memory_space<vmem>>) target(%dma_start3A_577 : memref<128x128xf32, #tpu.memory_space<hbm>>) target_semaphore(%run_scoped3A_569 : memref<!tpu.dma_semaphore, #tpu.memory_space<semaphore_mem>>)
      %dma_wait3A_582 = arith.constant 0 : i32
      %dma_wait3A_583 = arith.constant 0 : i32
      %dma_wait3A_584 = tpu.memref_slice %arg14[%run_scoped3A_417, %dma_wait3A_582, %dma_wait3A_583] : memref<2x128x128xf32, #tpu.memory_space<vmem>> -> memref<1x128x128xf32, #tpu.memory_space<vmem>>
      %dma_wait3A_585 = tpu.memref_squeeze %dma_wait3A_584 : memref<1x128x128xf32, #tpu.memory_space<vmem>> -> memref<128x128xf32, #tpu.memory_space<vmem>>
      %dma_wait3A_586 = arith.constant 0 : i32
      %dma_wait3A_587 = tpu.memref_slice %arg5[%add3A_416, %dma_wait3A_586] : memref<65536x128xf32, #tpu.memory_space<hbm>> -> memref<128x128xf32, #tpu.memory_space<hbm>>
      %dma_wait3A_588 = arith.constant 0 : i32
      %dma_wait3A_589 = tpu.memref_slice %arg5[%add3A_416, %dma_wait3A_588] : memref<65536x128xf32, #tpu.memory_space<hbm>> -> memref<128x128xf32, #tpu.memory_space<hbm>>
      %dma_wait3A_590 = arith.constant 0 : i32
      %dma_wait3A_591 = arith.constant 0 : i32
      %dma_wait3A_592 = tpu.memref_slice %arg14[%run_scoped3A_417, %dma_wait3A_590, %dma_wait3A_591] : memref<2x128x128xf32, #tpu.memory_space<vmem>> -> memref<1x128x128xf32, #tpu.memory_space<vmem>>
      %dma_wait3A_593 = tpu.memref_squeeze %dma_wait3A_592 : memref<1x128x128xf32, #tpu.memory_space<vmem>> -> memref<128x128xf32, #tpu.memory_space<vmem>>
      tpu.wait_dma2 semaphore(%run_scoped3A_569 : memref<!tpu.dma_semaphore, #tpu.memory_space<semaphore_mem>>) src(%dma_wait3A_593 : memref<128x128xf32, #tpu.memory_space<vmem>>) dst(%dma_wait3A_589 : memref<128x128xf32, #tpu.memory_space<hbm>>)
      tpu.yield
    }) : () -> ()
    %dma_start3A_418 = arith.constant 0 : i32
    %dma_start3A_419 = arith.constant 0 : i32
    %dma_start3A_420 = arith.constant 0 : i32
    %dma_start3A_421 = tpu.memref_slice %arg14[%dma_start3A_418, %dma_start3A_419, %dma_start3A_420] : memref<2x128x128xf32, #tpu.memory_space<vmem>> -> memref<1x128x128xf32, #tpu.memory_space<vmem>>
    %dma_start3A_422 = tpu.memref_squeeze %dma_start3A_421 : memref<1x128x128xf32, #tpu.memory_space<vmem>> -> memref<128x128xf32, #tpu.memory_space<vmem>>
    %dma_start3A_423 = arith.constant 1280 : i32
    %dma_start3A_424 = tpu.memref_slice %arg13[%dma_start3A_423] : memref<2048xi32, #tpu.memory_space<vmem>> -> memref<128xi32, #tpu.memory_space<vmem>>
    %dma_start3A_425 = arith.constant 0 : i32
    %dma_start3A_426 = arith.constant 0 : i32
    %dma_start3A_427 = tpu.memref_slice %arg4[%dma_start3A_425, %dma_start3A_426] : memref<65536x128xf32, #tpu.memory_space<hbm>> -> memref<65536x128xf32, #tpu.memory_space<hbm>>
    tpu.enqueue_indirect_dma source(%dma_start3A_427 : memref<65536x128xf32, #tpu.memory_space<hbm>>) target(%dma_start3A_422 : memref<128x128xf32, #tpu.memory_space<vmem>>) offsets(%dma_start3A_424 : memref<128xi32, #tpu.memory_space<vmem>>) semaphore(%arg15 : memref<!tpu.dma_semaphore, #tpu.memory_space<semaphore_mem>>)
    %dma_wait3A_428 = arith.constant 1 : i32
    %dma_wait3A_429 = arith.constant 0 : i32
    %dma_wait3A_430 = arith.constant 0 : i32
    %dma_wait3A_431 = tpu.memref_slice %arg14[%dma_wait3A_428, %dma_wait3A_429, %dma_wait3A_430] : memref<2x128x128xf32, #tpu.memory_space<vmem>> -> memref<1x128x128xf32, #tpu.memory_space<vmem>>
    %dma_wait3A_432 = tpu.memref_squeeze %dma_wait3A_431 : memref<1x128x128xf32, #tpu.memory_space<vmem>> -> memref<128x128xf32, #tpu.memory_space<vmem>>
    %dma_wait3A_433 = arith.constant 1152 : i32
    %dma_wait3A_434 = tpu.memref_slice %arg13[%dma_wait3A_433] : memref<2048xi32, #tpu.memory_space<vmem>> -> memref<128xi32, #tpu.memory_space<vmem>>
    %dma_wait3A_435 = arith.constant 0 : i32
    %dma_wait3A_436 = arith.constant 0 : i32
    %dma_wait3A_437 = tpu.memref_slice %arg4[%dma_wait3A_435, %dma_wait3A_436] : memref<65536x128xf32, #tpu.memory_space<hbm>> -> memref<65536x128xf32, #tpu.memory_space<hbm>>
    tpu.wait_indirect_dma semaphore(%arg16 : memref<!tpu.dma_semaphore, #tpu.memory_space<semaphore_mem>>) src(%dma_wait3A_437 : memref<65536x128xf32, #tpu.memory_space<hbm>>) dst(%dma_wait3A_432 : memref<128x128xf32, #tpu.memory_space<vmem>>)
    %add3A_438 = arith.constant 1152 : i32
    %add3A_439 = arith.addi %mul3A_201, %add3A_438 : i32
    %run_scoped3A_440 = arith.constant 1 : i32
    "tpu.region"() ({
      %run_scoped3A_569 = tpu.sem_alloc : memref<!tpu.dma_semaphore, #tpu.memory_space<semaphore_mem>>
      %dma_start3A_570 = arith.constant 0 : i32
      %dma_start3A_571 = arith.constant 0 : i32
      %dma_start3A_572 = tpu.memref_slice %arg14[%run_scoped3A_440, %dma_start3A_570, %dma_start3A_571] : memref<2x128x128xf32, #tpu.memory_space<vmem>> -> memref<1x128x128xf32, #tpu.memory_space<vmem>>
      %dma_start3A_573 = tpu.memref_squeeze %dma_start3A_572 : memref<1x128x128xf32, #tpu.memory_space<vmem>> -> memref<128x128xf32, #tpu.memory_space<vmem>>
      %dma_start3A_574 = arith.constant 0 : i32
      %dma_start3A_575 = tpu.memref_slice %arg5[%add3A_439, %dma_start3A_574] : memref<65536x128xf32, #tpu.memory_space<hbm>> -> memref<128x128xf32, #tpu.memory_space<hbm>>
      %dma_start3A_576 = arith.constant 0 : i32
      %dma_start3A_577 = tpu.memref_slice %arg5[%add3A_439, %dma_start3A_576] : memref<65536x128xf32, #tpu.memory_space<hbm>> -> memref<128x128xf32, #tpu.memory_space<hbm>>
      %dma_start3A_578 = arith.constant 0 : i32
      %dma_start3A_579 = arith.constant 0 : i32
      %dma_start3A_580 = tpu.memref_slice %arg14[%run_scoped3A_440, %dma_start3A_578, %dma_start3A_579] : memref<2x128x128xf32, #tpu.memory_space<vmem>> -> memref<1x128x128xf32, #tpu.memory_space<vmem>>
      %dma_start3A_581 = tpu.memref_squeeze %dma_start3A_580 : memref<1x128x128xf32, #tpu.memory_space<vmem>> -> memref<128x128xf32, #tpu.memory_space<vmem>>
      tpu.enqueue_dma source(%dma_start3A_581 : memref<128x128xf32, #tpu.memory_space<vmem>>) target(%dma_start3A_577 : memref<128x128xf32, #tpu.memory_space<hbm>>) target_semaphore(%run_scoped3A_569 : memref<!tpu.dma_semaphore, #tpu.memory_space<semaphore_mem>>)
      %dma_wait3A_582 = arith.constant 0 : i32
      %dma_wait3A_583 = arith.constant 0 : i32
      %dma_wait3A_584 = tpu.memref_slice %arg14[%run_scoped3A_440, %dma_wait3A_582, %dma_wait3A_583] : memref<2x128x128xf32, #tpu.memory_space<vmem>> -> memref<1x128x128xf32, #tpu.memory_space<vmem>>
      %dma_wait3A_585 = tpu.memref_squeeze %dma_wait3A_584 : memref<1x128x128xf32, #tpu.memory_space<vmem>> -> memref<128x128xf32, #tpu.memory_space<vmem>>
      %dma_wait3A_586 = arith.constant 0 : i32
      %dma_wait3A_587 = tpu.memref_slice %arg5[%add3A_439, %dma_wait3A_586] : memref<65536x128xf32, #tpu.memory_space<hbm>> -> memref<128x128xf32, #tpu.memory_space<hbm>>
      %dma_wait3A_588 = arith.constant 0 : i32
      %dma_wait3A_589 = tpu.memref_slice %arg5[%add3A_439, %dma_wait3A_588] : memref<65536x128xf32, #tpu.memory_space<hbm>> -> memref<128x128xf32, #tpu.memory_space<hbm>>
      %dma_wait3A_590 = arith.constant 0 : i32
      %dma_wait3A_591 = arith.constant 0 : i32
      %dma_wait3A_592 = tpu.memref_slice %arg14[%run_scoped3A_440, %dma_wait3A_590, %dma_wait3A_591] : memref<2x128x128xf32, #tpu.memory_space<vmem>> -> memref<1x128x128xf32, #tpu.memory_space<vmem>>
      %dma_wait3A_593 = tpu.memref_squeeze %dma_wait3A_592 : memref<1x128x128xf32, #tpu.memory_space<vmem>> -> memref<128x128xf32, #tpu.memory_space<vmem>>
      tpu.wait_dma2 semaphore(%run_scoped3A_569 : memref<!tpu.dma_semaphore, #tpu.memory_space<semaphore_mem>>) src(%dma_wait3A_593 : memref<128x128xf32, #tpu.memory_space<vmem>>) dst(%dma_wait3A_589 : memref<128x128xf32, #tpu.memory_space<hbm>>)
      tpu.yield
    }) : () -> ()
    %dma_start3A_441 = arith.constant 1 : i32
    %dma_start3A_442 = arith.constant 0 : i32
    %dma_start3A_443 = arith.constant 0 : i32
    %dma_start3A_444 = tpu.memref_slice %arg14[%dma_start3A_441, %dma_start3A_442, %dma_start3A_443] : memref<2x128x128xf32, #tpu.memory_space<vmem>> -> memref<1x128x128xf32, #tpu.memory_space<vmem>>
    %dma_start3A_445 = tpu.memref_squeeze %dma_start3A_444 : memref<1x128x128xf32, #tpu.memory_space<vmem>> -> memref<128x128xf32, #tpu.memory_space<vmem>>
    %dma_start3A_446 = arith.constant 1408 : i32
    %dma_start3A_447 = tpu.memref_slice %arg13[%dma_start3A_446] : memref<2048xi32, #tpu.memory_space<vmem>> -> memref<128xi32, #tpu.memory_space<vmem>>
    %dma_start3A_448 = arith.constant 0 : i32
    %dma_start3A_449 = arith.constant 0 : i32
    %dma_start3A_450 = tpu.memref_slice %arg4[%dma_start3A_448, %dma_start3A_449] : memref<65536x128xf32, #tpu.memory_space<hbm>> -> memref<65536x128xf32, #tpu.memory_space<hbm>>
    tpu.enqueue_indirect_dma source(%dma_start3A_450 : memref<65536x128xf32, #tpu.memory_space<hbm>>) target(%dma_start3A_445 : memref<128x128xf32, #tpu.memory_space<vmem>>) offsets(%dma_start3A_447 : memref<128xi32, #tpu.memory_space<vmem>>) semaphore(%arg16 : memref<!tpu.dma_semaphore, #tpu.memory_space<semaphore_mem>>)
    %dma_wait3A_451 = arith.constant 0 : i32
    %dma_wait3A_452 = arith.constant 0 : i32
    %dma_wait3A_453 = arith.constant 0 : i32
    %dma_wait3A_454 = tpu.memref_slice %arg14[%dma_wait3A_451, %dma_wait3A_452, %dma_wait3A_453] : memref<2x128x128xf32, #tpu.memory_space<vmem>> -> memref<1x128x128xf32, #tpu.memory_space<vmem>>
    %dma_wait3A_455 = tpu.memref_squeeze %dma_wait3A_454 : memref<1x128x128xf32, #tpu.memory_space<vmem>> -> memref<128x128xf32, #tpu.memory_space<vmem>>
    %dma_wait3A_456 = arith.constant 1280 : i32
    %dma_wait3A_457 = tpu.memref_slice %arg13[%dma_wait3A_456] : memref<2048xi32, #tpu.memory_space<vmem>> -> memref<128xi32, #tpu.memory_space<vmem>>
    %dma_wait3A_458 = arith.constant 0 : i32
    %dma_wait3A_459 = arith.constant 0 : i32
    %dma_wait3A_460 = tpu.memref_slice %arg4[%dma_wait3A_458, %dma_wait3A_459] : memref<65536x128xf32, #tpu.memory_space<hbm>> -> memref<65536x128xf32, #tpu.memory_space<hbm>>
    tpu.wait_indirect_dma semaphore(%arg15 : memref<!tpu.dma_semaphore, #tpu.memory_space<semaphore_mem>>) src(%dma_wait3A_460 : memref<65536x128xf32, #tpu.memory_space<hbm>>) dst(%dma_wait3A_455 : memref<128x128xf32, #tpu.memory_space<vmem>>)
    %add3A_461 = arith.constant 1280 : i32
    %add3A_462 = arith.addi %mul3A_201, %add3A_461 : i32
    %run_scoped3A_463 = arith.constant 0 : i32
    "tpu.region"() ({
      %run_scoped3A_569 = tpu.sem_alloc : memref<!tpu.dma_semaphore, #tpu.memory_space<semaphore_mem>>
      %dma_start3A_570 = arith.constant 0 : i32
      %dma_start3A_571 = arith.constant 0 : i32
      %dma_start3A_572 = tpu.memref_slice %arg14[%run_scoped3A_463, %dma_start3A_570, %dma_start3A_571] : memref<2x128x128xf32, #tpu.memory_space<vmem>> -> memref<1x128x128xf32, #tpu.memory_space<vmem>>
      %dma_start3A_573 = tpu.memref_squeeze %dma_start3A_572 : memref<1x128x128xf32, #tpu.memory_space<vmem>> -> memref<128x128xf32, #tpu.memory_space<vmem>>
      %dma_start3A_574 = arith.constant 0 : i32
      %dma_start3A_575 = tpu.memref_slice %arg5[%add3A_462, %dma_start3A_574] : memref<65536x128xf32, #tpu.memory_space<hbm>> -> memref<128x128xf32, #tpu.memory_space<hbm>>
      %dma_start3A_576 = arith.constant 0 : i32
      %dma_start3A_577 = tpu.memref_slice %arg5[%add3A_462, %dma_start3A_576] : memref<65536x128xf32, #tpu.memory_space<hbm>> -> memref<128x128xf32, #tpu.memory_space<hbm>>
      %dma_start3A_578 = arith.constant 0 : i32
      %dma_start3A_579 = arith.constant 0 : i32
      %dma_start3A_580 = tpu.memref_slice %arg14[%run_scoped3A_463, %dma_start3A_578, %dma_start3A_579] : memref<2x128x128xf32, #tpu.memory_space<vmem>> -> memref<1x128x128xf32, #tpu.memory_space<vmem>>
      %dma_start3A_581 = tpu.memref_squeeze %dma_start3A_580 : memref<1x128x128xf32, #tpu.memory_space<vmem>> -> memref<128x128xf32, #tpu.memory_space<vmem>>
      tpu.enqueue_dma source(%dma_start3A_581 : memref<128x128xf32, #tpu.memory_space<vmem>>) target(%dma_start3A_577 : memref<128x128xf32, #tpu.memory_space<hbm>>) target_semaphore(%run_scoped3A_569 : memref<!tpu.dma_semaphore, #tpu.memory_space<semaphore_mem>>)
      %dma_wait3A_582 = arith.constant 0 : i32
      %dma_wait3A_583 = arith.constant 0 : i32
      %dma_wait3A_584 = tpu.memref_slice %arg14[%run_scoped3A_463, %dma_wait3A_582, %dma_wait3A_583] : memref<2x128x128xf32, #tpu.memory_space<vmem>> -> memref<1x128x128xf32, #tpu.memory_space<vmem>>
      %dma_wait3A_585 = tpu.memref_squeeze %dma_wait3A_584 : memref<1x128x128xf32, #tpu.memory_space<vmem>> -> memref<128x128xf32, #tpu.memory_space<vmem>>
      %dma_wait3A_586 = arith.constant 0 : i32
      %dma_wait3A_587 = tpu.memref_slice %arg5[%add3A_462, %dma_wait3A_586] : memref<65536x128xf32, #tpu.memory_space<hbm>> -> memref<128x128xf32, #tpu.memory_space<hbm>>
      %dma_wait3A_588 = arith.constant 0 : i32
      %dma_wait3A_589 = tpu.memref_slice %arg5[%add3A_462, %dma_wait3A_588] : memref<65536x128xf32, #tpu.memory_space<hbm>> -> memref<128x128xf32, #tpu.memory_space<hbm>>
      %dma_wait3A_590 = arith.constant 0 : i32
      %dma_wait3A_591 = arith.constant 0 : i32
      %dma_wait3A_592 = tpu.memref_slice %arg14[%run_scoped3A_463, %dma_wait3A_590, %dma_wait3A_591] : memref<2x128x128xf32, #tpu.memory_space<vmem>> -> memref<1x128x128xf32, #tpu.memory_space<vmem>>
      %dma_wait3A_593 = tpu.memref_squeeze %dma_wait3A_592 : memref<1x128x128xf32, #tpu.memory_space<vmem>> -> memref<128x128xf32, #tpu.memory_space<vmem>>
      tpu.wait_dma2 semaphore(%run_scoped3A_569 : memref<!tpu.dma_semaphore, #tpu.memory_space<semaphore_mem>>) src(%dma_wait3A_593 : memref<128x128xf32, #tpu.memory_space<vmem>>) dst(%dma_wait3A_589 : memref<128x128xf32, #tpu.memory_space<hbm>>)
      tpu.yield
    }) : () -> ()
    %dma_start3A_464 = arith.constant 0 : i32
    %dma_start3A_465 = arith.constant 0 : i32
    %dma_start3A_466 = arith.constant 0 : i32
    %dma_start3A_467 = tpu.memref_slice %arg14[%dma_start3A_464, %dma_start3A_465, %dma_start3A_466] : memref<2x128x128xf32, #tpu.memory_space<vmem>> -> memref<1x128x128xf32, #tpu.memory_space<vmem>>
    %dma_start3A_468 = tpu.memref_squeeze %dma_start3A_467 : memref<1x128x128xf32, #tpu.memory_space<vmem>> -> memref<128x128xf32, #tpu.memory_space<vmem>>
    %dma_start3A_469 = arith.constant 1536 : i32
    %dma_start3A_470 = tpu.memref_slice %arg13[%dma_start3A_469] : memref<2048xi32, #tpu.memory_space<vmem>> -> memref<128xi32, #tpu.memory_space<vmem>>
    %dma_start3A_471 = arith.constant 0 : i32
    %dma_start3A_472 = arith.constant 0 : i32
    %dma_start3A_473 = tpu.memref_slice %arg4[%dma_start3A_471, %dma_start3A_472] : memref<65536x128xf32, #tpu.memory_space<hbm>> -> memref<65536x128xf32, #tpu.memory_space<hbm>>
    tpu.enqueue_indirect_dma source(%dma_start3A_473 : memref<65536x128xf32, #tpu.memory_space<hbm>>) target(%dma_start3A_468 : memref<128x128xf32, #tpu.memory_space<vmem>>) offsets(%dma_start3A_470 : memref<128xi32, #tpu.memory_space<vmem>>) semaphore(%arg15 : memref<!tpu.dma_semaphore, #tpu.memory_space<semaphore_mem>>)
    %dma_wait3A_474 = arith.constant 1 : i32
    %dma_wait3A_475 = arith.constant 0 : i32
    %dma_wait3A_476 = arith.constant 0 : i32
    %dma_wait3A_477 = tpu.memref_slice %arg14[%dma_wait3A_474, %dma_wait3A_475, %dma_wait3A_476] : memref<2x128x128xf32, #tpu.memory_space<vmem>> -> memref<1x128x128xf32, #tpu.memory_space<vmem>>
    %dma_wait3A_478 = tpu.memref_squeeze %dma_wait3A_477 : memref<1x128x128xf32, #tpu.memory_space<vmem>> -> memref<128x128xf32, #tpu.memory_space<vmem>>
    %dma_wait3A_479 = arith.constant 1408 : i32
    %dma_wait3A_480 = tpu.memref_slice %arg13[%dma_wait3A_479] : memref<2048xi32, #tpu.memory_space<vmem>> -> memref<128xi32, #tpu.memory_space<vmem>>
    %dma_wait3A_481 = arith.constant 0 : i32
    %dma_wait3A_482 = arith.constant 0 : i32
    %dma_wait3A_483 = tpu.memref_slice %arg4[%dma_wait3A_481, %dma_wait3A_482] : memref<65536x128xf32, #tpu.memory_space<hbm>> -> memref<65536x128xf32, #tpu.memory_space<hbm>>
    tpu.wait_indirect_dma semaphore(%arg16 : memref<!tpu.dma_semaphore, #tpu.memory_space<semaphore_mem>>) src(%dma_wait3A_483 : memref<65536x128xf32, #tpu.memory_space<hbm>>) dst(%dma_wait3A_478 : memref<128x128xf32, #tpu.memory_space<vmem>>)
    %add3A_484 = arith.constant 1408 : i32
    %add3A_485 = arith.addi %mul3A_201, %add3A_484 : i32
    %run_scoped3A_486 = arith.constant 1 : i32
    "tpu.region"() ({
      %run_scoped3A_569 = tpu.sem_alloc : memref<!tpu.dma_semaphore, #tpu.memory_space<semaphore_mem>>
      %dma_start3A_570 = arith.constant 0 : i32
      %dma_start3A_571 = arith.constant 0 : i32
      %dma_start3A_572 = tpu.memref_slice %arg14[%run_scoped3A_486, %dma_start3A_570, %dma_start3A_571] : memref<2x128x128xf32, #tpu.memory_space<vmem>> -> memref<1x128x128xf32, #tpu.memory_space<vmem>>
      %dma_start3A_573 = tpu.memref_squeeze %dma_start3A_572 : memref<1x128x128xf32, #tpu.memory_space<vmem>> -> memref<128x128xf32, #tpu.memory_space<vmem>>
      %dma_start3A_574 = arith.constant 0 : i32
      %dma_start3A_575 = tpu.memref_slice %arg5[%add3A_485, %dma_start3A_574] : memref<65536x128xf32, #tpu.memory_space<hbm>> -> memref<128x128xf32, #tpu.memory_space<hbm>>
      %dma_start3A_576 = arith.constant 0 : i32
      %dma_start3A_577 = tpu.memref_slice %arg5[%add3A_485, %dma_start3A_576] : memref<65536x128xf32, #tpu.memory_space<hbm>> -> memref<128x128xf32, #tpu.memory_space<hbm>>
      %dma_start3A_578 = arith.constant 0 : i32
      %dma_start3A_579 = arith.constant 0 : i32
      %dma_start3A_580 = tpu.memref_slice %arg14[%run_scoped3A_486, %dma_start3A_578, %dma_start3A_579] : memref<2x128x128xf32, #tpu.memory_space<vmem>> -> memref<1x128x128xf32, #tpu.memory_space<vmem>>
      %dma_start3A_581 = tpu.memref_squeeze %dma_start3A_580 : memref<1x128x128xf32, #tpu.memory_space<vmem>> -> memref<128x128xf32, #tpu.memory_space<vmem>>
      tpu.enqueue_dma source(%dma_start3A_581 : memref<128x128xf32, #tpu.memory_space<vmem>>) target(%dma_start3A_577 : memref<128x128xf32, #tpu.memory_space<hbm>>) target_semaphore(%run_scoped3A_569 : memref<!tpu.dma_semaphore, #tpu.memory_space<semaphore_mem>>)
      %dma_wait3A_582 = arith.constant 0 : i32
      %dma_wait3A_583 = arith.constant 0 : i32
      %dma_wait3A_584 = tpu.memref_slice %arg14[%run_scoped3A_486, %dma_wait3A_582, %dma_wait3A_583] : memref<2x128x128xf32, #tpu.memory_space<vmem>> -> memref<1x128x128xf32, #tpu.memory_space<vmem>>
      %dma_wait3A_585 = tpu.memref_squeeze %dma_wait3A_584 : memref<1x128x128xf32, #tpu.memory_space<vmem>> -> memref<128x128xf32, #tpu.memory_space<vmem>>
      %dma_wait3A_586 = arith.constant 0 : i32
      %dma_wait3A_587 = tpu.memref_slice %arg5[%add3A_485, %dma_wait3A_586] : memref<65536x128xf32, #tpu.memory_space<hbm>> -> memref<128x128xf32, #tpu.memory_space<hbm>>
      %dma_wait3A_588 = arith.constant 0 : i32
      %dma_wait3A_589 = tpu.memref_slice %arg5[%add3A_485, %dma_wait3A_588] : memref<65536x128xf32, #tpu.memory_space<hbm>> -> memref<128x128xf32, #tpu.memory_space<hbm>>
      %dma_wait3A_590 = arith.constant 0 : i32
      %dma_wait3A_591 = arith.constant 0 : i32
      %dma_wait3A_592 = tpu.memref_slice %arg14[%run_scoped3A_486, %dma_wait3A_590, %dma_wait3A_591] : memref<2x128x128xf32, #tpu.memory_space<vmem>> -> memref<1x128x128xf32, #tpu.memory_space<vmem>>
      %dma_wait3A_593 = tpu.memref_squeeze %dma_wait3A_592 : memref<1x128x128xf32, #tpu.memory_space<vmem>> -> memref<128x128xf32, #tpu.memory_space<vmem>>
      tpu.wait_dma2 semaphore(%run_scoped3A_569 : memref<!tpu.dma_semaphore, #tpu.memory_space<semaphore_mem>>) src(%dma_wait3A_593 : memref<128x128xf32, #tpu.memory_space<vmem>>) dst(%dma_wait3A_589 : memref<128x128xf32, #tpu.memory_space<hbm>>)
      tpu.yield
    }) : () -> ()
    %dma_start3A_487 = arith.constant 1 : i32
    %dma_start3A_488 = arith.constant 0 : i32
    %dma_start3A_489 = arith.constant 0 : i32
    %dma_start3A_490 = tpu.memref_slice %arg14[%dma_start3A_487, %dma_start3A_488, %dma_start3A_489] : memref<2x128x128xf32, #tpu.memory_space<vmem>> -> memref<1x128x128xf32, #tpu.memory_space<vmem>>
    %dma_start3A_491 = tpu.memref_squeeze %dma_start3A_490 : memref<1x128x128xf32, #tpu.memory_space<vmem>> -> memref<128x128xf32, #tpu.memory_space<vmem>>
    %dma_start3A_492 = arith.constant 1664 : i32
    %dma_start3A_493 = tpu.memref_slice %arg13[%dma_start3A_492] : memref<2048xi32, #tpu.memory_space<vmem>> -> memref<128xi32, #tpu.memory_space<vmem>>
    %dma_start3A_494 = arith.constant 0 : i32
    %dma_start3A_495 = arith.constant 0 : i32
    %dma_start3A_496 = tpu.memref_slice %arg4[%dma_start3A_494, %dma_start3A_495] : memref<65536x128xf32, #tpu.memory_space<hbm>> -> memref<65536x128xf32, #tpu.memory_space<hbm>>
    tpu.enqueue_indirect_dma source(%dma_start3A_496 : memref<65536x128xf32, #tpu.memory_space<hbm>>) target(%dma_start3A_491 : memref<128x128xf32, #tpu.memory_space<vmem>>) offsets(%dma_start3A_493 : memref<128xi32, #tpu.memory_space<vmem>>) semaphore(%arg16 : memref<!tpu.dma_semaphore, #tpu.memory_space<semaphore_mem>>)
    %dma_wait3A_497 = arith.constant 0 : i32
    %dma_wait3A_498 = arith.constant 0 : i32
    %dma_wait3A_499 = arith.constant 0 : i32
    %dma_wait3A_500 = tpu.memref_slice %arg14[%dma_wait3A_497, %dma_wait3A_498, %dma_wait3A_499] : memref<2x128x128xf32, #tpu.memory_space<vmem>> -> memref<1x128x128xf32, #tpu.memory_space<vmem>>
    %dma_wait3A_501 = tpu.memref_squeeze %dma_wait3A_500 : memref<1x128x128xf32, #tpu.memory_space<vmem>> -> memref<128x128xf32, #tpu.memory_space<vmem>>
    %dma_wait3A_502 = arith.constant 1536 : i32
    %dma_wait3A_503 = tpu.memref_slice %arg13[%dma_wait3A_502] : memref<2048xi32, #tpu.memory_space<vmem>> -> memref<128xi32, #tpu.memory_space<vmem>>
    %dma_wait3A_504 = arith.constant 0 : i32
    %dma_wait3A_505 = arith.constant 0 : i32
    %dma_wait3A_506 = tpu.memref_slice %arg4[%dma_wait3A_504, %dma_wait3A_505] : memref<65536x128xf32, #tpu.memory_space<hbm>> -> memref<65536x128xf32, #tpu.memory_space<hbm>>
    tpu.wait_indirect_dma semaphore(%arg15 : memref<!tpu.dma_semaphore, #tpu.memory_space<semaphore_mem>>) src(%dma_wait3A_506 : memref<65536x128xf32, #tpu.memory_space<hbm>>) dst(%dma_wait3A_501 : memref<128x128xf32, #tpu.memory_space<vmem>>)
    %add3A_507 = arith.constant 1536 : i32
    %add3A_508 = arith.addi %mul3A_201, %add3A_507 : i32
    %run_scoped3A_509 = arith.constant 0 : i32
    "tpu.region"() ({
      %run_scoped3A_569 = tpu.sem_alloc : memref<!tpu.dma_semaphore, #tpu.memory_space<semaphore_mem>>
      %dma_start3A_570 = arith.constant 0 : i32
      %dma_start3A_571 = arith.constant 0 : i32
      %dma_start3A_572 = tpu.memref_slice %arg14[%run_scoped3A_509, %dma_start3A_570, %dma_start3A_571] : memref<2x128x128xf32, #tpu.memory_space<vmem>> -> memref<1x128x128xf32, #tpu.memory_space<vmem>>
      %dma_start3A_573 = tpu.memref_squeeze %dma_start3A_572 : memref<1x128x128xf32, #tpu.memory_space<vmem>> -> memref<128x128xf32, #tpu.memory_space<vmem>>
      %dma_start3A_574 = arith.constant 0 : i32
      %dma_start3A_575 = tpu.memref_slice %arg5[%add3A_508, %dma_start3A_574] : memref<65536x128xf32, #tpu.memory_space<hbm>> -> memref<128x128xf32, #tpu.memory_space<hbm>>
      %dma_start3A_576 = arith.constant 0 : i32
      %dma_start3A_577 = tpu.memref_slice %arg5[%add3A_508, %dma_start3A_576] : memref<65536x128xf32, #tpu.memory_space<hbm>> -> memref<128x128xf32, #tpu.memory_space<hbm>>
      %dma_start3A_578 = arith.constant 0 : i32
      %dma_start3A_579 = arith.constant 0 : i32
      %dma_start3A_580 = tpu.memref_slice %arg14[%run_scoped3A_509, %dma_start3A_578, %dma_start3A_579] : memref<2x128x128xf32, #tpu.memory_space<vmem>> -> memref<1x128x128xf32, #tpu.memory_space<vmem>>
      %dma_start3A_581 = tpu.memref_squeeze %dma_start3A_580 : memref<1x128x128xf32, #tpu.memory_space<vmem>> -> memref<128x128xf32, #tpu.memory_space<vmem>>
      tpu.enqueue_dma source(%dma_start3A_581 : memref<128x128xf32, #tpu.memory_space<vmem>>) target(%dma_start3A_577 : memref<128x128xf32, #tpu.memory_space<hbm>>) target_semaphore(%run_scoped3A_569 : memref<!tpu.dma_semaphore, #tpu.memory_space<semaphore_mem>>)
      %dma_wait3A_582 = arith.constant 0 : i32
      %dma_wait3A_583 = arith.constant 0 : i32
      %dma_wait3A_584 = tpu.memref_slice %arg14[%run_scoped3A_509, %dma_wait3A_582, %dma_wait3A_583] : memref<2x128x128xf32, #tpu.memory_space<vmem>> -> memref<1x128x128xf32, #tpu.memory_space<vmem>>
      %dma_wait3A_585 = tpu.memref_squeeze %dma_wait3A_584 : memref<1x128x128xf32, #tpu.memory_space<vmem>> -> memref<128x128xf32, #tpu.memory_space<vmem>>
      %dma_wait3A_586 = arith.constant 0 : i32
      %dma_wait3A_587 = tpu.memref_slice %arg5[%add3A_508, %dma_wait3A_586] : memref<65536x128xf32, #tpu.memory_space<hbm>> -> memref<128x128xf32, #tpu.memory_space<hbm>>
      %dma_wait3A_588 = arith.constant 0 : i32
      %dma_wait3A_589 = tpu.memref_slice %arg5[%add3A_508, %dma_wait3A_588] : memref<65536x128xf32, #tpu.memory_space<hbm>> -> memref<128x128xf32, #tpu.memory_space<hbm>>
      %dma_wait3A_590 = arith.constant 0 : i32
      %dma_wait3A_591 = arith.constant 0 : i32
      %dma_wait3A_592 = tpu.memref_slice %arg14[%run_scoped3A_509, %dma_wait3A_590, %dma_wait3A_591] : memref<2x128x128xf32, #tpu.memory_space<vmem>> -> memref<1x128x128xf32, #tpu.memory_space<vmem>>
      %dma_wait3A_593 = tpu.memref_squeeze %dma_wait3A_592 : memref<1x128x128xf32, #tpu.memory_space<vmem>> -> memref<128x128xf32, #tpu.memory_space<vmem>>
      tpu.wait_dma2 semaphore(%run_scoped3A_569 : memref<!tpu.dma_semaphore, #tpu.memory_space<semaphore_mem>>) src(%dma_wait3A_593 : memref<128x128xf32, #tpu.memory_space<vmem>>) dst(%dma_wait3A_589 : memref<128x128xf32, #tpu.memory_space<hbm>>)
      tpu.yield
    }) : () -> ()
    %dma_start3A_510 = arith.constant 0 : i32
    %dma_start3A_511 = arith.constant 0 : i32
    %dma_start3A_512 = arith.constant 0 : i32
    %dma_start3A_513 = tpu.memref_slice %arg14[%dma_start3A_510, %dma_start3A_511, %dma_start3A_512] : memref<2x128x128xf32, #tpu.memory_space<vmem>> -> memref<1x128x128xf32, #tpu.memory_space<vmem>>
    %dma_start3A_514 = tpu.memref_squeeze %dma_start3A_513 : memref<1x128x128xf32, #tpu.memory_space<vmem>> -> memref<128x128xf32, #tpu.memory_space<vmem>>
    %dma_start3A_515 = arith.constant 1792 : i32
    %dma_start3A_516 = tpu.memref_slice %arg13[%dma_start3A_515] : memref<2048xi32, #tpu.memory_space<vmem>> -> memref<128xi32, #tpu.memory_space<vmem>>
    %dma_start3A_517 = arith.constant 0 : i32
    %dma_start3A_518 = arith.constant 0 : i32
    %dma_start3A_519 = tpu.memref_slice %arg4[%dma_start3A_517, %dma_start3A_518] : memref<65536x128xf32, #tpu.memory_space<hbm>> -> memref<65536x128xf32, #tpu.memory_space<hbm>>
    tpu.enqueue_indirect_dma source(%dma_start3A_519 : memref<65536x128xf32, #tpu.memory_space<hbm>>) target(%dma_start3A_514 : memref<128x128xf32, #tpu.memory_space<vmem>>) offsets(%dma_start3A_516 : memref<128xi32, #tpu.memory_space<vmem>>) semaphore(%arg15 : memref<!tpu.dma_semaphore, #tpu.memory_space<semaphore_mem>>)
    %dma_wait3A_520 = arith.constant 1 : i32
    %dma_wait3A_521 = arith.constant 0 : i32
    %dma_wait3A_522 = arith.constant 0 : i32
    %dma_wait3A_523 = tpu.memref_slice %arg14[%dma_wait3A_520, %dma_wait3A_521, %dma_wait3A_522] : memref<2x128x128xf32, #tpu.memory_space<vmem>> -> memref<1x128x128xf32, #tpu.memory_space<vmem>>
    %dma_wait3A_524 = tpu.memref_squeeze %dma_wait3A_523 : memref<1x128x128xf32, #tpu.memory_space<vmem>> -> memref<128x128xf32, #tpu.memory_space<vmem>>
    %dma_wait3A_525 = arith.constant 1664 : i32
    %dma_wait3A_526 = tpu.memref_slice %arg13[%dma_wait3A_525] : memref<2048xi32, #tpu.memory_space<vmem>> -> memref<128xi32, #tpu.memory_space<vmem>>
    %dma_wait3A_527 = arith.constant 0 : i32
    %dma_wait3A_528 = arith.constant 0 : i32
    %dma_wait3A_529 = tpu.memref_slice %arg4[%dma_wait3A_527, %dma_wait3A_528] : memref<65536x128xf32, #tpu.memory_space<hbm>> -> memref<65536x128xf32, #tpu.memory_space<hbm>>
    tpu.wait_indirect_dma semaphore(%arg16 : memref<!tpu.dma_semaphore, #tpu.memory_space<semaphore_mem>>) src(%dma_wait3A_529 : memref<65536x128xf32, #tpu.memory_space<hbm>>) dst(%dma_wait3A_524 : memref<128x128xf32, #tpu.memory_space<vmem>>)
    %add3A_530 = arith.constant 1664 : i32
    %add3A_531 = arith.addi %mul3A_201, %add3A_530 : i32
    %run_scoped3A_532 = arith.constant 1 : i32
    "tpu.region"() ({
      %run_scoped3A_569 = tpu.sem_alloc : memref<!tpu.dma_semaphore, #tpu.memory_space<semaphore_mem>>
      %dma_start3A_570 = arith.constant 0 : i32
      %dma_start3A_571 = arith.constant 0 : i32
      %dma_start3A_572 = tpu.memref_slice %arg14[%run_scoped3A_532, %dma_start3A_570, %dma_start3A_571] : memref<2x128x128xf32, #tpu.memory_space<vmem>> -> memref<1x128x128xf32, #tpu.memory_space<vmem>>
      %dma_start3A_573 = tpu.memref_squeeze %dma_start3A_572 : memref<1x128x128xf32, #tpu.memory_space<vmem>> -> memref<128x128xf32, #tpu.memory_space<vmem>>
      %dma_start3A_574 = arith.constant 0 : i32
      %dma_start3A_575 = tpu.memref_slice %arg5[%add3A_531, %dma_start3A_574] : memref<65536x128xf32, #tpu.memory_space<hbm>> -> memref<128x128xf32, #tpu.memory_space<hbm>>
      %dma_start3A_576 = arith.constant 0 : i32
      %dma_start3A_577 = tpu.memref_slice %arg5[%add3A_531, %dma_start3A_576] : memref<65536x128xf32, #tpu.memory_space<hbm>> -> memref<128x128xf32, #tpu.memory_space<hbm>>
      %dma_start3A_578 = arith.constant 0 : i32
      %dma_start3A_579 = arith.constant 0 : i32
      %dma_start3A_580 = tpu.memref_slice %arg14[%run_scoped3A_532, %dma_start3A_578, %dma_start3A_579] : memref<2x128x128xf32, #tpu.memory_space<vmem>> -> memref<1x128x128xf32, #tpu.memory_space<vmem>>
      %dma_start3A_581 = tpu.memref_squeeze %dma_start3A_580 : memref<1x128x128xf32, #tpu.memory_space<vmem>> -> memref<128x128xf32, #tpu.memory_space<vmem>>
      tpu.enqueue_dma source(%dma_start3A_581 : memref<128x128xf32, #tpu.memory_space<vmem>>) target(%dma_start3A_577 : memref<128x128xf32, #tpu.memory_space<hbm>>) target_semaphore(%run_scoped3A_569 : memref<!tpu.dma_semaphore, #tpu.memory_space<semaphore_mem>>)
      %dma_wait3A_582 = arith.constant 0 : i32
      %dma_wait3A_583 = arith.constant 0 : i32
      %dma_wait3A_584 = tpu.memref_slice %arg14[%run_scoped3A_532, %dma_wait3A_582, %dma_wait3A_583] : memref<2x128x128xf32, #tpu.memory_space<vmem>> -> memref<1x128x128xf32, #tpu.memory_space<vmem>>
      %dma_wait3A_585 = tpu.memref_squeeze %dma_wait3A_584 : memref<1x128x128xf32, #tpu.memory_space<vmem>> -> memref<128x128xf32, #tpu.memory_space<vmem>>
      %dma_wait3A_586 = arith.constant 0 : i32
      %dma_wait3A_587 = tpu.memref_slice %arg5[%add3A_531, %dma_wait3A_586] : memref<65536x128xf32, #tpu.memory_space<hbm>> -> memref<128x128xf32, #tpu.memory_space<hbm>>
      %dma_wait3A_588 = arith.constant 0 : i32
      %dma_wait3A_589 = tpu.memref_slice %arg5[%add3A_531, %dma_wait3A_588] : memref<65536x128xf32, #tpu.memory_space<hbm>> -> memref<128x128xf32, #tpu.memory_space<hbm>>
      %dma_wait3A_590 = arith.constant 0 : i32
      %dma_wait3A_591 = arith.constant 0 : i32
      %dma_wait3A_592 = tpu.memref_slice %arg14[%run_scoped3A_532, %dma_wait3A_590, %dma_wait3A_591] : memref<2x128x128xf32, #tpu.memory_space<vmem>> -> memref<1x128x128xf32, #tpu.memory_space<vmem>>
      %dma_wait3A_593 = tpu.memref_squeeze %dma_wait3A_592 : memref<1x128x128xf32, #tpu.memory_space<vmem>> -> memref<128x128xf32, #tpu.memory_space<vmem>>
      tpu.wait_dma2 semaphore(%run_scoped3A_569 : memref<!tpu.dma_semaphore, #tpu.memory_space<semaphore_mem>>) src(%dma_wait3A_593 : memref<128x128xf32, #tpu.memory_space<vmem>>) dst(%dma_wait3A_589 : memref<128x128xf32, #tpu.memory_space<hbm>>)
      tpu.yield
    }) : () -> ()
    %dma_start3A_533 = arith.constant 1 : i32
    %dma_start3A_534 = arith.constant 0 : i32
    %dma_start3A_535 = arith.constant 0 : i32
    %dma_start3A_536 = tpu.memref_slice %arg14[%dma_start3A_533, %dma_start3A_534, %dma_start3A_535] : memref<2x128x128xf32, #tpu.memory_space<vmem>> -> memref<1x128x128xf32, #tpu.memory_space<vmem>>
    %dma_start3A_537 = tpu.memref_squeeze %dma_start3A_536 : memref<1x128x128xf32, #tpu.memory_space<vmem>> -> memref<128x128xf32, #tpu.memory_space<vmem>>
    %dma_start3A_538 = arith.constant 1920 : i32
    %dma_start3A_539 = tpu.memref_slice %arg13[%dma_start3A_538] : memref<2048xi32, #tpu.memory_space<vmem>> -> memref<128xi32, #tpu.memory_space<vmem>>
    %dma_start3A_540 = arith.constant 0 : i32
    %dma_start3A_541 = arith.constant 0 : i32
    %dma_start3A_542 = tpu.memref_slice %arg4[%dma_start3A_540, %dma_start3A_541] : memref<65536x128xf32, #tpu.memory_space<hbm>> -> memref<65536x128xf32, #tpu.memory_space<hbm>>
    tpu.enqueue_indirect_dma source(%dma_start3A_542 : memref<65536x128xf32, #tpu.memory_space<hbm>>) target(%dma_start3A_537 : memref<128x128xf32, #tpu.memory_space<vmem>>) offsets(%dma_start3A_539 : memref<128xi32, #tpu.memory_space<vmem>>) semaphore(%arg16 : memref<!tpu.dma_semaphore, #tpu.memory_space<semaphore_mem>>)
    %dma_wait3A_543 = arith.constant 0 : i32
    %dma_wait3A_544 = arith.constant 0 : i32
    %dma_wait3A_545 = arith.constant 0 : i32
    %dma_wait3A_546 = tpu.memref_slice %arg14[%dma_wait3A_543, %dma_wait3A_544, %dma_wait3A_545] : memref<2x128x128xf32, #tpu.memory_space<vmem>> -> memref<1x128x128xf32, #tpu.memory_space<vmem>>
    %dma_wait3A_547 = tpu.memref_squeeze %dma_wait3A_546 : memref<1x128x128xf32, #tpu.memory_space<vmem>> -> memref<128x128xf32, #tpu.memory_space<vmem>>
    %dma_wait3A_548 = arith.constant 1792 : i32
    %dma_wait3A_549 = tpu.memref_slice %arg13[%dma_wait3A_548] : memref<2048xi32, #tpu.memory_space<vmem>> -> memref<128xi32, #tpu.memory_space<vmem>>
    %dma_wait3A_550 = arith.constant 0 : i32
    %dma_wait3A_551 = arith.constant 0 : i32
    %dma_wait3A_552 = tpu.memref_slice %arg4[%dma_wait3A_550, %dma_wait3A_551] : memref<65536x128xf32, #tpu.memory_space<hbm>> -> memref<65536x128xf32, #tpu.memory_space<hbm>>
    tpu.wait_indirect_dma semaphore(%arg15 : memref<!tpu.dma_semaphore, #tpu.memory_space<semaphore_mem>>) src(%dma_wait3A_552 : memref<65536x128xf32, #tpu.memory_space<hbm>>) dst(%dma_wait3A_547 : memref<128x128xf32, #tpu.memory_space<vmem>>)
    %add3A_553 = arith.constant 1792 : i32
    %add3A_554 = arith.addi %mul3A_201, %add3A_553 : i32
    %run_scoped3A_555 = arith.constant 0 : i32
    "tpu.region"() ({
      %run_scoped3A_569 = tpu.sem_alloc : memref<!tpu.dma_semaphore, #tpu.memory_space<semaphore_mem>>
      %dma_start3A_570 = arith.constant 0 : i32
      %dma_start3A_571 = arith.constant 0 : i32
      %dma_start3A_572 = tpu.memref_slice %arg14[%run_scoped3A_555, %dma_start3A_570, %dma_start3A_571] : memref<2x128x128xf32, #tpu.memory_space<vmem>> -> memref<1x128x128xf32, #tpu.memory_space<vmem>>
      %dma_start3A_573 = tpu.memref_squeeze %dma_start3A_572 : memref<1x128x128xf32, #tpu.memory_space<vmem>> -> memref<128x128xf32, #tpu.memory_space<vmem>>
      %dma_start3A_574 = arith.constant 0 : i32
      %dma_start3A_575 = tpu.memref_slice %arg5[%add3A_554, %dma_start3A_574] : memref<65536x128xf32, #tpu.memory_space<hbm>> -> memref<128x128xf32, #tpu.memory_space<hbm>>
      %dma_start3A_576 = arith.constant 0 : i32
      %dma_start3A_577 = tpu.memref_slice %arg5[%add3A_554, %dma_start3A_576] : memref<65536x128xf32, #tpu.memory_space<hbm>> -> memref<128x128xf32, #tpu.memory_space<hbm>>
      %dma_start3A_578 = arith.constant 0 : i32
      %dma_start3A_579 = arith.constant 0 : i32
      %dma_start3A_580 = tpu.memref_slice %arg14[%run_scoped3A_555, %dma_start3A_578, %dma_start3A_579] : memref<2x128x128xf32, #tpu.memory_space<vmem>> -> memref<1x128x128xf32, #tpu.memory_space<vmem>>
      %dma_start3A_581 = tpu.memref_squeeze %dma_start3A_580 : memref<1x128x128xf32, #tpu.memory_space<vmem>> -> memref<128x128xf32, #tpu.memory_space<vmem>>
      tpu.enqueue_dma source(%dma_start3A_581 : memref<128x128xf32, #tpu.memory_space<vmem>>) target(%dma_start3A_577 : memref<128x128xf32, #tpu.memory_space<hbm>>) target_semaphore(%run_scoped3A_569 : memref<!tpu.dma_semaphore, #tpu.memory_space<semaphore_mem>>)
      %dma_wait3A_582 = arith.constant 0 : i32
      %dma_wait3A_583 = arith.constant 0 : i32
      %dma_wait3A_584 = tpu.memref_slice %arg14[%run_scoped3A_555, %dma_wait3A_582, %dma_wait3A_583] : memref<2x128x128xf32, #tpu.memory_space<vmem>> -> memref<1x128x128xf32, #tpu.memory_space<vmem>>
      %dma_wait3A_585 = tpu.memref_squeeze %dma_wait3A_584 : memref<1x128x128xf32, #tpu.memory_space<vmem>> -> memref<128x128xf32, #tpu.memory_space<vmem>>
      %dma_wait3A_586 = arith.constant 0 : i32
      %dma_wait3A_587 = tpu.memref_slice %arg5[%add3A_554, %dma_wait3A_586] : memref<65536x128xf32, #tpu.memory_space<hbm>> -> memref<128x128xf32, #tpu.memory_space<hbm>>
      %dma_wait3A_588 = arith.constant 0 : i32
      %dma_wait3A_589 = tpu.memref_slice %arg5[%add3A_554, %dma_wait3A_588] : memref<65536x128xf32, #tpu.memory_space<hbm>> -> memref<128x128xf32, #tpu.memory_space<hbm>>
      %dma_wait3A_590 = arith.constant 0 : i32
      %dma_wait3A_591 = arith.constant 0 : i32
      %dma_wait3A_592 = tpu.memref_slice %arg14[%run_scoped3A_555, %dma_wait3A_590, %dma_wait3A_591] : memref<2x128x128xf32, #tpu.memory_space<vmem>> -> memref<1x128x128xf32, #tpu.memory_space<vmem>>
      %dma_wait3A_593 = tpu.memref_squeeze %dma_wait3A_592 : memref<1x128x128xf32, #tpu.memory_space<vmem>> -> memref<128x128xf32, #tpu.memory_space<vmem>>
      tpu.wait_dma2 semaphore(%run_scoped3A_569 : memref<!tpu.dma_semaphore, #tpu.memory_space<semaphore_mem>>) src(%dma_wait3A_593 : memref<128x128xf32, #tpu.memory_space<vmem>>) dst(%dma_wait3A_589 : memref<128x128xf32, #tpu.memory_space<hbm>>)
      tpu.yield
    }) : () -> ()
    %dma_wait3A_556 = arith.constant 1 : i32
    %dma_wait3A_557 = arith.constant 0 : i32
    %dma_wait3A_558 = arith.constant 0 : i32
    %dma_wait3A_559 = tpu.memref_slice %arg14[%dma_wait3A_556, %dma_wait3A_557, %dma_wait3A_558] : memref<2x128x128xf32, #tpu.memory_space<vmem>> -> memref<1x128x128xf32, #tpu.memory_space<vmem>>
    %dma_wait3A_560 = tpu.memref_squeeze %dma_wait3A_559 : memref<1x128x128xf32, #tpu.memory_space<vmem>> -> memref<128x128xf32, #tpu.memory_space<vmem>>
    %dma_wait3A_561 = arith.constant 1920 : i32
    %dma_wait3A_562 = tpu.memref_slice %arg13[%dma_wait3A_561] : memref<2048xi32, #tpu.memory_space<vmem>> -> memref<128xi32, #tpu.memory_space<vmem>>
    %dma_wait3A_563 = arith.constant 0 : i32
    %dma_wait3A_564 = arith.constant 0 : i32
    %dma_wait3A_565 = tpu.memref_slice %arg4[%dma_wait3A_563, %dma_wait3A_564] : memref<65536x128xf32, #tpu.memory_space<hbm>> -> memref<65536x128xf32, #tpu.memory_space<hbm>>
    tpu.wait_indirect_dma semaphore(%arg16 : memref<!tpu.dma_semaphore, #tpu.memory_space<semaphore_mem>>) src(%dma_wait3A_565 : memref<65536x128xf32, #tpu.memory_space<hbm>>) dst(%dma_wait3A_560 : memref<128x128xf32, #tpu.memory_space<vmem>>)
    %add3A_566 = arith.constant 1920 : i32
    %add3A_567 = arith.addi %mul3A_201, %add3A_566 : i32
    %run_scoped3A_568 = arith.constant 1 : i32
    "tpu.region"() ({
      %run_scoped3A_569 = tpu.sem_alloc : memref<!tpu.dma_semaphore, #tpu.memory_space<semaphore_mem>>
      %dma_start3A_570 = arith.constant 0 : i32
      %dma_start3A_571 = arith.constant 0 : i32
      %dma_start3A_572 = tpu.memref_slice %arg14[%run_scoped3A_568, %dma_start3A_570, %dma_start3A_571] : memref<2x128x128xf32, #tpu.memory_space<vmem>> -> memref<1x128x128xf32, #tpu.memory_space<vmem>>
      %dma_start3A_573 = tpu.memref_squeeze %dma_start3A_572 : memref<1x128x128xf32, #tpu.memory_space<vmem>> -> memref<128x128xf32, #tpu.memory_space<vmem>>
      %dma_start3A_574 = arith.constant 0 : i32
      %dma_start3A_575 = tpu.memref_slice %arg5[%add3A_567, %dma_start3A_574] : memref<65536x128xf32, #tpu.memory_space<hbm>> -> memref<128x128xf32, #tpu.memory_space<hbm>>
      %dma_start3A_576 = arith.constant 0 : i32
      %dma_start3A_577 = tpu.memref_slice %arg5[%add3A_567, %dma_start3A_576] : memref<65536x128xf32, #tpu.memory_space<hbm>> -> memref<128x128xf32, #tpu.memory_space<hbm>>
      %dma_start3A_578 = arith.constant 0 : i32
      %dma_start3A_579 = arith.constant 0 : i32
      %dma_start3A_580 = tpu.memref_slice %arg14[%run_scoped3A_568, %dma_start3A_578, %dma_start3A_579] : memref<2x128x128xf32, #tpu.memory_space<vmem>> -> memref<1x128x128xf32, #tpu.memory_space<vmem>>
      %dma_start3A_581 = tpu.memref_squeeze %dma_start3A_580 : memref<1x128x128xf32, #tpu.memory_space<vmem>> -> memref<128x128xf32, #tpu.memory_space<vmem>>
      tpu.enqueue_dma source(%dma_start3A_581 : memref<128x128xf32, #tpu.memory_space<vmem>>) target(%dma_start3A_577 : memref<128x128xf32, #tpu.memory_space<hbm>>) target_semaphore(%run_scoped3A_569 : memref<!tpu.dma_semaphore, #tpu.memory_space<semaphore_mem>>)
      %dma_wait3A_582 = arith.constant 0 : i32
      %dma_wait3A_583 = arith.constant 0 : i32
      %dma_wait3A_584 = tpu.memref_slice %arg14[%run_scoped3A_568, %dma_wait3A_582, %dma_wait3A_583] : memref<2x128x128xf32, #tpu.memory_space<vmem>> -> memref<1x128x128xf32, #tpu.memory_space<vmem>>
      %dma_wait3A_585 = tpu.memref_squeeze %dma_wait3A_584 : memref<1x128x128xf32, #tpu.memory_space<vmem>> -> memref<128x128xf32, #tpu.memory_space<vmem>>
      %dma_wait3A_586 = arith.constant 0 : i32
      %dma_wait3A_587 = tpu.memref_slice %arg5[%add3A_567, %dma_wait3A_586] : memref<65536x128xf32, #tpu.memory_space<hbm>> -> memref<128x128xf32, #tpu.memory_space<hbm>>
      %dma_wait3A_588 = arith.constant 0 : i32
      %dma_wait3A_589 = tpu.memref_slice %arg5[%add3A_567, %dma_wait3A_588] : memref<65536x128xf32, #tpu.memory_space<hbm>> -> memref<128x128xf32, #tpu.memory_space<hbm>>
      %dma_wait3A_590 = arith.constant 0 : i32
      %dma_wait3A_591 = arith.constant 0 : i32
      %dma_wait3A_592 = tpu.memref_slice %arg14[%run_scoped3A_568, %dma_wait3A_590, %dma_wait3A_591] : memref<2x128x128xf32, #tpu.memory_space<vmem>> -> memref<1x128x128xf32, #tpu.memory_space<vmem>>
      %dma_wait3A_593 = tpu.memref_squeeze %dma_wait3A_592 : memref<1x128x128xf32, #tpu.memory_space<vmem>> -> memref<128x128xf32, #tpu.memory_space<vmem>>
      tpu.wait_dma2 semaphore(%run_scoped3A_569 : memref<!tpu.dma_semaphore, #tpu.memory_space<semaphore_mem>>) src(%dma_wait3A_593 : memref<128x128xf32, #tpu.memory_space<vmem>>) dst(%dma_wait3A_589 : memref<128x128xf32, #tpu.memory_space<hbm>>)
      tpu.yield
    }) : () -> ()
    return
  }
}

</mosaic_0001>

<sc_bundles>
// kernel: kernel.3.cloned.1.call-start
scs
__scs_entry_jumppad:
0x0: {  	(pc) =	sbr.rel $0x88, $3  }
0x1: {  	(tag) =	ssettag $0x0;
	lr =	simm.s32 $0x1  }
0x2: {  	[smem:$0x3F9E] =	sst lr;
	_ =	strace $0xD0000000  }
0x3: {  	_ = 	snop  }
0x4: {  	_ = 	snop  }
0x5: {  	_ = 	snop  }
0x6: {  	_ = 	snop  }
0x7: {  	_ = 	snop  }
__scs_overlays_trampoline_lowered:
0x8: {  	[smem:$0x3FAD] =	sst s0  }
0x9: {  	[smem:$0x3FAE] =	sst s1  }
0xa: {  	[smem:$0x3FAF] =	sst s2  }
0xb: {  	[smem:$0x3FB0] =	sst s3  }
0xc: {  	[smem:$0x3FB1] =	sst s4  }
0xd: {  	[smem:$0x3FB2] =	sst s5  }
0xe: {  	[smem:$0x3FB3] =	sst s6  }
0xf: {  	[smem:$0x3FB4] =	sst s7  }
0x10: {  	[smem:$0x3FB5] =	sst s8  }
0x11: {  	[smem:$0x3FB6] =	sst s9;
	s0 =	simm.s32 @!p0 $0x0  }
0x12: {  	s1 =	sld [smem:$0x3F9C];
	s0 =	simm.s32 @p0 $0x1  }
0x13: {  	[smem:$0x3FB7] =	sst s0;
	s0 =	simm.s32 @!p1 $0x0  }
0x14: {  	s2 =	sld [smem:$0x3F9B];
	s0 =	simm.s32 @p1 $0x1  }
0x15: {  	[smem:$0x3FB8] =	sst s0;
	s0 =	simm.s32 @!p2 $0x0  }
0x16: {  	s3 =	sld [smem:$0x3FDB];
	s0 =	simm.s32 @p2 $0x1  }
0x17: {  	s4 =	simm.s32 $0x1BF5;
	[smem:$0x3FBA] =	sst s0  }
0x18: {  	s0 =	sld [smem:$0x3F9D];
	_ =	swait.ge [sflag:s4], $0x0  }
0x19: {  	s7 =	sld [smem:$0x3F9E]  }
0x1a: {  	s8 =	sadd.s32 $0xFFFFE003, lr  }
0x1b: {  	s9 =	sadd.s32 $0xFFFFFEF7, lr;
	s5 =	simm.s32 $0xFFFFFFFF;
	p2 =	slt.u32 s8, $0xFFFFF086  }
0x1c: {  	p1 =	slt.u32 s9, $0xF7A;
	s5 =	simm.s32 @!p2 $0x0  }
0x1d: {  	s5 =	simm.s32 @p1 $0x1;
	p0 =	seq.s32 s7, s2  }
0x1e: {  	s7 =	smul.u32 @!p0 $0xF7A, s2;
	p2 =	seq.s32 @!p0 s5, $0x0  }
0x1f: {  	s9 =	smul.u32 $0xF7A, s1;
	s8 =	simm.s32 @!p0 $0x1BF5;
	p2 =	por !p2, p0  }
0x20: {  	[sflag:s8] =	ssyncset.s32 @!p0 $0xFFFFF086;
	s6 =	sadd.s32 @!p0 s3, s7;
	s7 =	simm.s32 @!p0 $0x108  }
0x21: {  	s3 =	sadd.s32 s3, s9;
	s6 =	sadd.s32 @!p0 $0x88, s6;
	s7 =	simm.s32 @p2 $0x1082  }
0x22: {  	[simem:s7], [sflag:s8] =	dma.local @!p0 [hbm:s6], $0xF7A  }
0x23: {  	s9 =	sor.u32 $0xD0000000, s2;
	s6 =	simm.s32 $0x108;
	_ =	swait.ge @!p0 [sflag:s8], $0x0  }
0x24: {  	s3 =	sadd.s32 $0x88, s3;
	s6 =	simm.s32 @!p1 $0x1082;
	[sflag:s4] =	ssyncset.s32 $0xFFFFF086  }
0x25: {  	[simem:s6], [sflag:s4] =	dma.local [hbm:s3], $0xF7A  }
0x26: {  	[smem:$0x3F9E] =	sst s1;
	(tag) =	ssettag s2;
	_ =	strace s9  }
0x27: {  	s1 =	sld [smem:$0x3FAE]  }
0x28: {  	s2 =	sld [smem:$0x3FAF]  }
0x29: {  	s4 =	sld [smem:$0x3FB1]  }
0x2a: {  	p0 =	seq.s32 s5, $0x0;
	s5 =	sld [smem:$0x3FB2]  }
0x2b: {  	s6 =	sld [smem:$0x3FB3]  }
0x2c: {  	s7 =	sld [smem:$0x3FB4]  }
0x2d: {  	s3 =	simm.s32 $0x108;
	s8 =	sld [smem:$0x3FB5]  }
0x2e: {  	s3 =	simm.s32 @!p0 $0x1082;
	s9 =	sld [smem:$0x3FB6]  }
0x2f: {  	lr =	sadd.s32 s0, s3;
	s0 =	sld [smem:$0x3FAD]  }
0x30: {  	s3 =	sld [smem:$0x3FB0]  }
0x31: {  	[smem:$0x3FB9] =	sst s10  }
0x32: {  	s10 =	sld [smem:$0x3FB7];
	_ =	sdelay $0x3  }
0x33: {  	p0 =	seq.s32 s10, $0x1;
	s10 =	sld [smem:$0x3FB9];
	_ =	sdelay $0x3  }
0x34: {  	[smem:$0x3FB9] =	sst s10  }
0x35: {  	s10 =	sld [smem:$0x3FB8];
	_ =	sdelay $0x3  }
0x36: {  	p1 =	seq.s32 s10, $0x1;
	s10 =	sld [smem:$0x3FB9];
	_ =	sdelay $0x3  }
0x37: {  	[smem:$0x3FB9] =	sst s10  }
0x38: {  	s10 =	sld [smem:$0x3FBA]  }
0x39: {  	_ = 	snop;
	(pc) =	sbr.ind lr, $3  }
0x3a: {  	_ = 	snop  }
0x3b: {  	_ = 	snop  }
0x3c: {  	p2 =	seq.s32 s10, $0x1;
	s10 =	sld [smem:$0x3FB9]  }
0x3d: {  	_ =	shalt  }
0x3e: {  	_ =	shalt  }
0x3f: {  	_ =	shalt  }
0x40: {  	_ =	shalt  }
0x41: {  	_ =	shalt  }
0x42: {  	_ =	shalt  }
0x43: {  	_ =	shalt  }
0x44: {  	_ =	shalt  }
0x45: {  	_ =	shalt  }
0x46: {  	_ =	shalt  }
0x47: {  	_ =	shalt  }
0x48: {  	_ =	shalt  }
0x49: {  	_ =	shalt  }
0x4a: {  	_ =	shalt  }
0x4b: {  	_ =	shalt  }
0x4c: {  	_ =	shalt  }
0x4d: {  	_ =	shalt  }
0x4e: {  	_ =	shalt  }
0x4f: {  	_ =	shalt  }
0x50: {  	_ =	shalt  }
0x51: {  	_ =	shalt  }
0x52: {  	_ =	shalt  }
0x53: {  	_ =	shalt  }
0x54: {  	_ =	shalt  }
0x55: {  	_ =	shalt  }
0x56: {  	_ =	shalt  }
0x57: {  	_ =	shalt  }
0x58: {  	_ =	shalt  }
0x59: {  	_ =	shalt  }
0x5a: {  	_ =	shalt  }
0x5b: {  	_ =	shalt  }
0x5c: {  	_ =	shalt  }
0x5d: {  	_ =	shalt  }
0x5e: {  	_ =	shalt  }
0x5f: {  	_ =	shalt  }
0x60: {  	_ =	shalt  }
0x61: {  	_ =	shalt  }
0x62: {  	_ =	shalt  }
0x63: {  	_ =	shalt  }
0x64: {  	_ =	shalt  }
0x65: {  	_ =	shalt  }
0x66: {  	_ =	shalt  }
0x67: {  	_ =	shalt  }
0x68: {  	_ =	shalt  }
0x69: {  	_ =	shalt  }
0x6a: {  	_ =	shalt  }
0x6b: {  	_ =	shalt  }
0x6c: {  	_ =	shalt  }
0x6d: {  	_ =	shalt  }
0x6e: {  	_ =	shalt  }
0x6f: {  	_ =	shalt  }
0x70: {  	_ =	shalt  }
0x71: {  	_ =	shalt  }
0x72: {  	_ =	shalt  }
0x73: {  	_ =	shalt  }
0x74: {  	_ =	shalt  }
0x75: {  	_ =	shalt  }
0x76: {  	_ =	shalt  }
0x77: {  	_ =	shalt  }
0x78: {  	_ =	shalt  }
0x79: {  	_ =	shalt  }
0x7a: {  	_ =	shalt  }
0x7b: {  	_ =	shalt  }
0x7c: {  	_ =	shalt  }
0x7d: {  	_ =	shalt  }
0x7e: {  	_ =	shalt  }
0x7f: {  	_ =	shalt  }
0x80: {  	_ =	shalt  }
0x81: {  	_ =	shalt  }
0x82: {  	_ =	shalt  }
0x83: {  	_ =	shalt  }
0x84: {  	_ =	shalt  }
0x85: {  	_ =	shalt  }
0x86: {  	_ =	shalt  }
0x87: {  	_ =	shalt  }
.Lfunc_end0:
.L_simem_size_0:
called_computation_lowered:
.L_overlay_start_0:
0x88: {  	s2 =	sld [smem:$0x3FD9]  }
0x89: {  	s3 =	sld [smem:$0x3FFE];
	_ =	sdelay $0x1  }
0x8a: {  	s1 =	srdreg.scid  }
0x8b: {  	s0 =	sand.u32 $0x1, s1  }
0x8c: {  	s17 =	sshll.u32 s0, $0xA;
	s2 =	sadd.s32 s3, s2  }
0x8d: {  	s2 =	sadd.s32 s2, s17  }
0x8e: {  	[smem:$0x3FC5] =	sst s2  }
0x8f: {  	_ = 	snop  }
0x90: {  	s2 =	sld [smem:$0x3FC9]  }
0x91: {  	s18 =	sld [smem:$0x3FC8];
	(tm) =	ssettm $0x1  }
0x92: {  	s4 =	sld [smem:$0x3FFB];
	_ =	sdelay $0x3  }
0x93: {  	_ =	strace s4  }
0x94: {  	s4 =	sld [smem:$0x3FFC];
	_ =	sdelay $0x3  }
0x95: {  	_ =	strace s4  }
0x96: {  	s4 =	sld [smem:$0x3FFD];
	_ =	sdelay $0x3  }
0x97: {  	_ =	strace s4  }
0x98: {  	_ =	strace $0x8FFFFFFF  }
0x99: {  	s19 =	sld [smem:$0x3FDB];
	_ =	sdelay $0x1  }
0x9a: {  	s5 =	simm.s32 $_scs_section_size  }
0x9b: {  	s6 =	simm.s32 $_size__tile_overlayer_lowered;
	s7 =	simm.s32 $_tile_overlayer_lowered  }
0x9c: {  	s22 =	simm.s32 $0x1BFF;
	s21 =	sshll.u32 s7, $0x1;
	s4 =	sadd.s32 s5, s19  }
0x9d: {  	s8 =	simm.s32 $0x0;
	s20 =	sshll.u32 s6, $0x1;
	s6 =	sadd.s32 s21, s4  }
0x9e: {  	[timem:s8], [sflag:s22] =	dma.local [hbm:s6], s20  }
0x9f: {  	_ =	swait.ge [sflag:s22], s20  }
0xa0: {  	s5 =	ssub.s32 $0x0, s20;
	[sflag:s22] =	ssyncset.done $0x0  }
0xa1: {  	[sflag:s22] =	ssyncadd.s32 s5;
	_ =	sdelay $0x1  }
0xa2: {  	s23 =	simm.s32 $0x1B8B  }
0xa3: {  	_ =	swait.ge [sflag:s23], $0x1  }
0xa4: {  	[sflag:s23] =	ssyncset.done $0x0  }
0xa5: {  	s25 =	simm.s32 $0x1B8E;
	s24 =	sld [smem:$0x3FFE];
	[sflag:s23] =	ssyncadd.s32 $0xFFFFFFFF  }
0xa6: {  	s26 =	simm.s32 $execute0_lowered;
	[smem:$0x3FD2] =	sst s25  }
0xa7: {  	s6 =	sshll.u32 s26, $0x1;
	_ =	strace $0x80000046;
	[dreg:$0x1] =	wrdreg $0xFFFFFFFF  }
0xa8: {  	s28 =	simm.s32 $_size_execute0_lowered;
	s4 =	sadd.s32 s4, s6;
	[dreg:$0x0] =	wrdreg $0x0  }
0xa9: {  	s6 =	sshll.u32 s28, $0x1;
	[dreg:$0x2] =	wrdreg s4  }
0xaa: {  	[dreg:$0x3] =	wrdreg s6  }
0xab: {  	[dreg:$0x4] =	wrdreg $0xC0  }
0xac: {  	_ =	task [dreg:s8], $0x5FFFF  }
0xad: {  	[dreg:$0x1] =	wrdreg $0xFFFFFFFF  }
0xae: {  	[dreg:$0x0] =	wrdreg $0x60  }
0xaf: {  	[dreg:$0x2] =	wrdreg s2  }
0xb0: {  	[dreg:$0x3] =	wrdreg s18  }
0xb1: {  	[dreg:$0x4] =	wrdreg s24  }
0xb2: {  	[dreg:$0x5] =	wrdreg $0x0  }
0xb3: {  	[dreg:$0x6] =	wrdreg $0x9  }
0xb4: {  	_ =	task.clear_ibuf [dreg:s8], $0x7FFFF;
	_ =	strace $0x90000046  }
0xb5: {  	s29 =	simm.s32 $0x9;
	_ =	strace $0x80000048  }
0xb6: {  	_ =	swait.ge [sflag:s29], $0x1  }
0xb7: {  	[sflag:s29] =	ssyncadd.s32 $0xFFFFFFFF  }
0xb8: {  	_ =	strace $0x90000048  }
0xb9: {  	_ =	sfence  }
0xba: {  	s30 =	sld [smem:$0x0];
	_ =	sdelay $0x2  }
0xbb: {  	s31 =	sshll.u32 s1, $0xD;
	s1 =	sshrl.u32 s1, $0x2  }
0xbc: {  	s3 =	sand.u32 $0x4000, s31;
	s1 =	sadd.s32 s1, s30  }
0xbd: {  	s0 =	sor.u32 s3, s0;
	s1 =	sshll.u32 s1, $0x11  }
0xbe: {  	s0 =	sor.u32 s1, s0  }
0xbf: {  	s0 =	sadd.s32 $0x8F2B, s0  }
0xc0: {  	[sflag:s0] =	ssyncadd.remote.s32 $0x1  }
0xc1: {  	_ =	sfence.sel $0xFFFF  }
0xc2: {  	[dreg:$0x0] =	wrdreg $0xFFFFFFFF;
	(pc) =	sbr.abs _section_cstart, $3  }
0xc3: {  	[dreg:$0x1] =	wrdreg $0xFFFFFFFF  }
0xc4: {  	_ =	task.clear_ibuf [dreg:s8], $0x2FFFF;
	_ =	strace $0x9FFFFFFF  }
0xc5: {  	(tm) =	ssettm $0x7FFFFFFF  }
tec
execute0_lowered:
.L_overlay_start_1:
0x0: {  	(tag) =	ssettag $0x1  }
0x1: {  	s0 =	rddreg [dreg:$0x0]  }
0x2: {  	s3 =	rddreg [dreg:$0x1]  }
0x3: {  	s5 =	rddreg [dreg:$0x2]  }
0x4: {  	s1 =	rddreg [dreg:$0x3]  }
0x5: {  	s2 =	simm.s32 $0x0;
	s6 =	srdreg.scid;
	s12 =	stileid.u32  }
0x6: {  	[smem:$0x7FF] =	sst s2;
	s4 =	sadd.s32 $0x100400, s5;
	s6 =	sand.u32 $0x1, s6  }
0x7: {  	s8 =	sshll.u32 s12, $0x10;
	s11 =	sshll.u32 s12, $0x9;
	_ =	strace $0x80000047  }
0x8: {  	s7 =	sshll.u32 s6, $0xF;
	s0 =	sadd.s32 s0, s11;
	s21 =	sadd.s32 s3, s11  }
0x9: {  	s22 =	sshll.u32 s6, $0xB;
	s7 =	sor.u32 s8, s7;
	[dreg:$0x5] =	wrdreg s0  }
0xa: {  	[dreg:$0x6] =	wrdreg s21;
	s0 =	sor.u32 $0x12000, s22;
	s5 =	sadd.s32 s7, s5  }
0xb: {  	[dreg:$0x7] =	wrdreg s0;
	s23 =	sadd.s32 $0x400, s5  }
0xc: {  	s24 =	sadd.s32 $0xC00, s5;
	[dreg:$0x8] =	wrdreg s23  }
0xd: {  	s25 =	sadd.s32 $0x1400, s5;
	[dreg:$0x9] =	wrdreg s24  }
0xe: {  	s26 =	sadd.s32 $0x1C00, s5;
	[dreg:$0xa] =	wrdreg s25  }
0xf: {  	s31 =	sadd.s32 $0x2400, s5;
	[dreg:$0xb] =	wrdreg s26  }
0x10: {  	s9 =	ssub.s32 $0x2, s6;
	s3 =	sadd.s32 $0x2C00, s5;
	[dreg:$0xc] =	wrdreg s31  }
0x11: {  	s10 =	sshrl.u32 s9, $0x1;
	s6 =	sadd.s32 $0x3400, s5;
	[dreg:$0xd] =	wrdreg s3  }
0x12: {  	s7 =	sadd.s32 s8, s1;
	s8 =	sadd.s32 $0x3C00, s5;
	[dreg:$0xe] =	wrdreg s6  }
0x13: {  	s9 =	ssub.s32 s9, s10;
	s10 =	sadd.s32 $0x4400, s5;
	[dreg:$0xf] =	wrdreg s8  }
0x14: {  	s11 =	sadd.s32 $0x4C00, s5;
	[dreg:$0x10] =	wrdreg s10  }
0x15: {  	s13 =	sadd.s32 $0x5400, s5;
	[dreg:$0x11] =	wrdreg s11  }
0x16: {  	s14 =	sadd.s32 $0x5C00, s5;
	[dreg:$0x12] =	wrdreg s13  }
0x17: {  	s15 =	sadd.s32 $0x6400, s5;
	[dreg:$0x13] =	wrdreg s14  }
0x18: {  	s16 =	sadd.s32 $0x6C00, s5;
	[dreg:$0x14] =	wrdreg s15  }
0x19: {  	s28 =	simm.s32 $0x16800;
	s17 =	sadd.s32 $0x7400, s5;
	[dreg:$0x15] =	wrdreg s16  }
0x1a: {  	s29 =	simm.s32 $0x1A800;
	s18 =	sadd.s32 $0x7C00, s5;
	[dreg:$0x16] =	wrdreg s17  }
0x1b: {  	s30 =	simm.s32 $0x0;
	s19 =	smax.u32 s9, $0x1;
	[dreg:$0x17] =	wrdreg s18  }
0x1c: {  	s0 =	sshll.u32 s12, $0xC;
	s20 =	sadd.s32 $0x1000, s7;
	[dreg:$0x18] =	wrdreg s19  }
0x1d: {  	s21 =	sadd.s32 $0x2000, s7;
	s22 =	sadd.s32 $0x3000, s7;
	[dreg:$0x19] =	wrdreg s20  }
0x1e: {  	s9 =	sadd.s32 $0xA000, s7;
	s12 =	sadd.s32 $0xD000, s7;
	[dreg:$0x1a] =	wrdreg s21  }
0x1f: {  	[dreg:$0x1b] =	wrdreg s22;
	s23 =	sadd.s32 $0x4000, s7;
	s24 =	sadd.s32 $0x5000, s7  }
0x20: {  	s25 =	sadd.s32 $0x6000, s7;
	s26 =	sadd.s32 $0x7000, s7;
	s31 =	sadd.s32 $0x8000, s7  }
0x21: {  	s8 =	sadd.s32 $0x9000, s7;
	s10 =	sadd.s32 $0xB000, s7;
	s11 =	sadd.s32 $0xC000, s7  }
0x22: {  	s13 =	sadd.s32 $0xE000, s7;
	s14 =	sadd.s32 $0xF000, s7;
	[dreg:$0x1c] =	wrdreg s23  }
0x23: {  	s15 =	sor.u32 $0x4000000, s0;
	s16 =	simm.s32 $0x15000;
	[dreg:$0x1d] =	wrdreg s24  }
0x24: {  	v0 =	vlaneseq.u32;
	s17 =	simm.s32 $0x1;
	s18 =	simm.s32 $0x2;
	[dreg:$0x1e] =	wrdreg s25  }
0x25: {  	v3 =	vmul.u32 $0xFFFFFFFF, v0;
	s19 =	simm.s32 $0x1000;
	s20 =	simm.s32 $0x12000;
	[dreg:$0x1f] =	wrdreg s26  }
0x26: {  	s21 =	simm.s32 $0x14000;
	s22 =	simm.s32 $0x3;
	[smem:$0x7FD] =	sst s31  }
0x27: {  	v1 =	vimm.s32 $0x0;
	v2 =	vimm.s32 $0x1;
	v3 =	vadd.s32 $0xFC000000, v3;
	s23 =	simm.s32 $0x13000;
	s24 =	simm.s32 $0x16000;
	s25 =	simm.s32 $0x80  }
.LBB2_1:
0x28: {  	s3 =	rddreg [dreg:$0x5]  }
0x29: {  	s5 =	simm.s32 $0x10000;
	s26 =	rddreg [dreg:$0x6]  }
0x2a: {  	[tilespmem:s5], [sflag:$0x1] =	stream.linear.gather [hbm4b:s3+s2], $0x1000, $0x38;
	[tilespmem:$0x1E800] =	vst v63  }
0x2b: {  	s31 =	simm.s32 $0x11000;
	s3 =	simm.s32 $0x40;
	s5 =	simm.s32 $0x0  }
0x2c: {  	[tilespmem:s31], [sflag:$0x2] =	stream.linear.gather [hbm4b:s26+s2], $0x1000, $0x38;
	[tilespmem:$0x1E800] =	vst v63  }
.LBB2_2:
0x2d: {  	p0 =	sne.s32 s3, $0x3FC0;
	[tilespmem:s5+$0x15000] =	vst v1;
	s5 =	smov.u32 s3;
	s3 =	sadd.s32 $0x40, s3  }
.Ltmp0:
0x2e: {  	(pc) =	sbr.rel @p0 .LBB2_2-.Ltmp0, $2  }
0x2f: {  	_ =	sdelay $0x2  }
0x30: {  	s5 =	sshra.s32 s5, $0x2  }
0x31: {  	[tilespmem:s5+$0x15000] =	vst v1;
	s3 =	rddreg [dreg:$0x19]  }
0x32: {  	[spmem:s7] =	stream.linear.scatter [tilespmem:s16], [sflag:$0x1], $0x1000, $0x38;
	[tilespmem:$0x1E800] =	vst v63  }
0x33: {  	s6 =	rddreg [dreg:$0x1a]  }
0x34: {  	[spmem:s3] =	stream.linear.scatter [tilespmem:s16], [sflag:$0x1], $0x1000, $0x38;
	[tilespmem:$0x1E800] =	vst v63  }
0x35: {  	s26 =	rddreg [dreg:$0x1b]  }
0x36: {  	[spmem:s6] =	stream.linear.scatter [tilespmem:s16], [sflag:$0x1], $0x1000, $0x38;
	[tilespmem:$0x1E800] =	vst v63  }
0x37: {  	s31 =	rddreg [dreg:$0x1c]  }
0x38: {  	[spmem:s26] =	stream.linear.scatter [tilespmem:s16], [sflag:$0x1], $0x1000, $0x38;
	[tilespmem:$0x1E800] =	vst v63  }
0x39: {  	s5 =	rddreg [dreg:$0x1d]  }
0x3a: {  	[spmem:s31] =	stream.linear.scatter [tilespmem:s16], [sflag:$0x1], $0x1000, $0x38;
	[tilespmem:$0x1E800] =	vst v63  }
0x3b: {  	s6 =	rddreg [dreg:$0x1e]  }
0x3c: {  	[spmem:s5] =	stream.linear.scatter [tilespmem:s16], [sflag:$0x1], $0x1000, $0x38;
	[tilespmem:$0x1E800] =	vst v63  }
0x3d: {  	s26 =	rddreg [dreg:$0x1f]  }
0x3e: {  	[spmem:s6] =	stream.linear.scatter [tilespmem:s16], [sflag:$0x1], $0x1000, $0x38;
	[tilespmem:$0x1E800] =	vst v63  }
0x3f: {  	s31 =	sld [smem:$0x7FD]  }
0x40: {  	[spmem:s26] =	stream.linear.scatter [tilespmem:s16], [sflag:$0x1], $0x1000, $0x38;
	[tilespmem:$0x1E800] =	vst v63  }
0x41: {  	_ = 	snop  }
0x42: {  	[spmem:s31] =	stream.linear.scatter [tilespmem:s16], [sflag:$0x1], $0x1000, $0x38;
	[tilespmem:$0x1E800] =	vst v63  }
0x43: {  	_ = 	snop  }
0x44: {  	[spmem:s8] =	stream.linear.scatter [tilespmem:s16], [sflag:$0x1], $0x1000, $0x38;
	[tilespmem:$0x1E800] =	vst v63  }
0x45: {  	_ = 	snop  }
0x46: {  	[spmem:s9] =	stream.linear.scatter [tilespmem:s16], [sflag:$0x1], $0x1000, $0x38;
	[tilespmem:$0x1E800] =	vst v63  }
0x47: {  	_ = 	snop  }
0x48: {  	[spmem:s10] =	stream.linear.scatter [tilespmem:s16], [sflag:$0x1], $0x1000, $0x38;
	[tilespmem:$0x1E800] =	vst v63  }
0x49: {  	_ = 	snop  }
0x4a: {  	[spmem:s11] =	stream.linear.scatter [tilespmem:s16], [sflag:$0x1], $0x1000, $0x38;
	[tilespmem:$0x1E800] =	vst v63  }
0x4b: {  	_ = 	snop  }
0x4c: {  	[spmem:s12] =	stream.linear.scatter [tilespmem:s16], [sflag:$0x1], $0x1000, $0x38;
	[tilespmem:$0x1E800] =	vst v63  }
0x4d: {  	_ = 	snop  }
0x4e: {  	[spmem:s13] =	stream.linear.scatter [tilespmem:s16], [sflag:$0x1], $0x1000, $0x38;
	[tilespmem:$0x1E800] =	vst v63  }
0x4f: {  	_ = 	snop  }
0x50: {  	[spmem:s14] =	stream.linear.scatter [tilespmem:s16], [sflag:$0x1], $0x1000, $0x38;
	[tilespmem:$0x1E800] =	vst v63  }
0x51: {  	_ =	swait.ge [sflag:s17], $0x1000  }
0x52: {  	[sflag:s17] =	ssyncset.done $0x0  }
0x53: {  	[sflag:s17] =	ssyncadd.s32 $0xFFFFF000  }
0x54: {  	_ =	swait.ge [sflag:s18], $0x1000  }
0x55: {  	[sflag:s18] =	ssyncset.done $0x0  }
0x56: {  	[sflag:s18] =	ssyncadd.s32 $0xFFFFF000  }
0x57: {  	_ =	swait.ge [sflag:s17], $0x1000  }
0x58: {  	[sflag:s17] =	ssyncset.done $0x0  }
0x59: {  	[sflag:s17] =	ssyncadd.s32 $0xFFFFF000  }
0x5a: {  	_ =	swait.ge [sflag:s17], $0x1000  }
0x5b: {  	[sflag:s17] =	ssyncset.done $0x0  }
0x5c: {  	[sflag:s17] =	ssyncadd.s32 $0xFFFFF000  }
0x5d: {  	_ =	swait.ge [sflag:s17], $0x1000  }
0x5e: {  	[sflag:s17] =	ssyncset.done $0x0  }
0x5f: {  	[sflag:s17] =	ssyncadd.s32 $0xFFFFF000  }
0x60: {  	_ =	swait.ge [sflag:s17], $0x1000  }
0x61: {  	[sflag:s17] =	ssyncset.done $0x0  }
0x62: {  	[sflag:s17] =	ssyncadd.s32 $0xFFFFF000  }
0x63: {  	_ =	swait.ge [sflag:s17], $0x1000  }
0x64: {  	[sflag:s17] =	ssyncset.done $0x0  }
0x65: {  	[sflag:s17] =	ssyncadd.s32 $0xFFFFF000  }
0x66: {  	_ =	swait.ge [sflag:s17], $0x1000  }
0x67: {  	[sflag:s17] =	ssyncset.done $0x0  }
0x68: {  	[sflag:s17] =	ssyncadd.s32 $0xFFFFF000  }
0x69: {  	_ =	swait.ge [sflag:s17], $0x1000  }
0x6a: {  	[sflag:s17] =	ssyncset.done $0x0  }
0x6b: {  	[sflag:s17] =	ssyncadd.s32 $0xFFFFF000  }
0x6c: {  	_ =	swait.ge [sflag:s17], $0x1000  }
0x6d: {  	[sflag:s17] =	ssyncset.done $0x0  }
0x6e: {  	[sflag:s17] =	ssyncadd.s32 $0xFFFFF000  }
0x6f: {  	_ =	swait.ge [sflag:s17], $0x1000  }
0x70: {  	[sflag:s17] =	ssyncset.done $0x0  }
0x71: {  	[sflag:s17] =	ssyncadd.s32 $0xFFFFF000  }
0x72: {  	_ =	swait.ge [sflag:s17], $0x1000  }
0x73: {  	[sflag:s17] =	ssyncset.done $0x0  }
0x74: {  	[sflag:s17] =	ssyncadd.s32 $0xFFFFF000  }
0x75: {  	_ =	swait.ge [sflag:s17], $0x1000  }
0x76: {  	[sflag:s17] =	ssyncset.done $0x0  }
0x77: {  	[sflag:s17] =	ssyncadd.s32 $0xFFFFF000  }
0x78: {  	_ =	swait.ge [sflag:s17], $0x1000  }
0x79: {  	[sflag:s17] =	ssyncset.done $0x0  }
0x7a: {  	[sflag:s17] =	ssyncadd.s32 $0xFFFFF000  }
0x7b: {  	_ =	swait.ge [sflag:s17], $0x1000  }
0x7c: {  	[sflag:s17] =	ssyncset.done $0x0  }
0x7d: {  	[sflag:s17] =	ssyncadd.s32 $0xFFFFF000  }
0x7e: {  	_ =	swait.ge [sflag:s17], $0x1000  }
0x7f: {  	[sflag:s17] =	ssyncset.done $0x0  }
0x80: {  	[sflag:s17] =	ssyncadd.s32 $0xFFFFF000  }
0x81: {  	_ =	swait.ge [sflag:s17], $0x1000  }
0x82: {  	[sflag:s17] =	ssyncset.done $0x0  }
0x83: {  	[sflag:s17] =	ssyncadd.s32 $0xFFFFF000  }
0x84: {  	_ =	swait.ge [sflag:s17], $0x1000  }
0x85: {  	[sflag:s17] =	ssyncset.done $0x0  }
0x86: {  	s3 =	simm.s32 $0x0;
	[sflag:s17] =	ssyncadd.s32 $0xFFFFF000  }
0x87: {  	v5 =	vor.u32 s15, v0;
	v4 =	vld [tilespmem:s3+$0x10000]  }
0x88: {  	[tilespmem:s3+$0x14000] =	vst v5;
	v5 =	vld [tilespmem:s3+$0x11000];
	_ =	sdelay $0x2  }
0x89: {  	s5 =	simm.s32 $0x40;
	s26 =	sadd.s32 $0x10, s15;
	[tilespmem:s3+$0x15000] =	vst v2  }
.LBB2_4:
0x8a: {  	s31 =	sshra.s32 s5, $0x2;
	v6 =	vor.u32 s26, v0;
	p0 =	sne.s32 s5, $0x3FC0;
	s5 =	sadd.s32 $0x40, s5;
	v7 =	vshll.u32 v4, $0xA  }
.Ltmp1:
0x8b: {  	v4 =	vld [tilespmem:s31+$0x10000];
	[tilespmem:s31+$0x14000] =	vst v6;
	v6 =	vadd.s32 v5, v7;
	(pc) =	sbr.rel @p0 .LBB2_4-.Ltmp1, $3  }
0x8c: {  	v5 =	vld [tilespmem:s31+$0x11000];
	[tilespmem:s3+$0x12000] =	vst v6;
	s3 =	smov.u32 s31  }
0x8d: {  	[tilespmem:s3+$0x15000] =	vst v2;
	_ =	sdelay $0x1  }
0x8e: {  	s26 =	sadd.s32 $0x10, s26  }
0x8f: {  	v4 =	vshll.u32 v4, $0xA  }
0x90: {  	v4 =	vadd.s32 v5, v4  }
0x91: {  	[tilespmem:s3+$0x12000] =	vst v4  }
0x92: {  	[bflag:$0x0] =	sbarrier.arrive $0xFFFF  }
0x93: {  	[spmem:s1] =	stream.indirect.scatter.add.s32 [tilespmem:s21], [sflag:$0x3], $0x1, s20, s19, $0xb8;
	[tilespmem:$0x1E800] =	vst v63  }
0x94: {  	_ =	swait.ge [sflag:s22], $0x1000  }
0x95: {  	[sflag:s22] =	ssyncset.done $0x0  }
0x96: {  	[sflag:s22] =	ssyncadd.s32 $0xFFFFF000  }
0x97: {  	[bflag:$0x0] =	sbarrier.arrive $0xFFFF  }
0x98: {  	[tilespmem:s23], [sflag:$0x3] =	stream.indirect.gather [spmem:s1], $0x1, s20, s19, $0xb8;
	[tilespmem:$0x1E800] =	vst v63  }
0x99: {  	_ =	swait.ge [sflag:s22], $0x1000  }
0x9a: {  	[sflag:s22] =	ssyncset.done $0x0  }
0x9b: {  	s31 =	simm.s32 $0x0;
	[sflag:s22] =	ssyncadd.s32 $0xFFFFF000  }
0x9c: {  	v5 =	vld [tilespmem:s31+$0x13000];
	_ =	sdelay $0x3  }
0x9d: {  	v4 =	vld [tilespmem:s31+$0x15000]  }
0x9e: {  	s5 =	simm.s32 $0x80;
	v6 =	vmov s0;
	v8 =	vor.u32 s0, v0;
	s26 =	smov.u32 s0;
	s3 =	simm.s32 $0x40;
	v7 =	vshrl.u32 v5, $0x1A  }
.LBB2_6:
0x9f: {  	p0 =	sne.s32 s5, $0x3FC0;
	s6 =	sshra.s32 s3, $0x2;
	v7 =	vmul.u32 v8, v7;
	v6 =	vsub.s32 v3, v6;
	s3 =	smov.u32 s5  }
0xa0: {  	v8 =	vand.u32 $0x3FFFFFF, v5;
	v5 =	vld [tilespmem:s6+$0x13000]  }
.Ltmp2:
0xa1: {  	vm0 =	vlt.u32 v7, v8;
	(pc) =	sbr.rel @p0 .LBB2_6-.Ltmp2, $4  }
0xa2: {  	vm1 =	vne.s32 v4, $0x0;
	v4 =	vsel vm0, $0x0, v4  }
0xa3: {  	vm0 =	vmand vm1, vm0;
	[tilespmem:s31+$0x15000] =	vst v4  }
0xa4: {  	s26 =	sadd.s32 $0x10, s26;
	v4 =	vld [tilespmem:s6+$0x15000];
	v9 =	vnsel vm0, $0x0, v6  }
0xa5: {  	s5 =	sadd.s32 $0x40, s5;
	v8 =	vor.u32 s26, v0;
	v6 =	vmov s26;
	v7 =	vshrl.u32 v5, $0x1A;
	[tilespmem:s31+$0x14000] =	vst v9;
	s31 =	smov.u32 s6  }
0xa6: {  	v7 =	vmul.u32 v8, v7  }
0xa7: {  	s3 =	sshra.s32 s3, $0x2;
	v5 =	vand.u32 $0x3FFFFFF, v5  }
0xa8: {  	v8 =	vld [tilespmem:s3+$0x13000];
	vm0 =	vlt.u32 v7, v5  }
0xa9: {  	v5 =	vsel vm0, $0x0, v4  }
0xaa: {  	[tilespmem:s31+$0x15000] =	vst v5  }
0xab: {  	v5 =	vld [tilespmem:s3+$0x15000]  }
0xac: {  	s5 =	sadd.s32 $0x10, s26  }
0xad: {  	v7 =	vor.u32 s5, v0;
	vm1 =	vne.s32 v4, $0x0;
	v4 =	vshrl.u32 v8, $0x1A  }
0xae: {  	v6 =	vsub.s32 v3, v6;
	vm0 =	vmand vm1, vm0;
	v4 =	vmul.u32 v7, v4  }
0xaf: {  	v6 =	vnsel vm0, $0x0, v6;
	v7 =	vand.u32 $0x3FFFFFF, v8  }
0xb0: {  	v8 =	vmov s5;
	vm14 =	vlt.u32 v4, v7;
	vm15 =	vne.s32 v5, $0x0  }
0xb1: {  	[tilespmem:s31+$0x14000] =	vst v6;
	v4 =	vsub.s32 v3, v8;
	v5 =	vsel vm14, $0x0, v5;
	vm0 =	vmand vm15, vm14  }
0xb2: {  	[tilespmem:s3+$0x15000] =	vst v5;
	v4 =	vnsel vm0, $0x0, v4  }
0xb3: {  	[tilespmem:s3+$0x14000] =	vst v4  }
0xb4: {  	[bflag:$0x0] =	sbarrier.arrive $0xFFFF  }
0xb5: {  	[spmem:s1] =	stream.indirect.scatter.add.s32 [tilespmem:s21], [sflag:$0x3], $0x1, s20, s19, $0xb8;
	[tilespmem:$0x1E800] =	vst v63  }
0xb6: {  	_ =	swait.ge [sflag:s22], $0x1000  }
0xb7: {  	[sflag:s22] =	ssyncset.done $0x0  }
0xb8: {  	[sflag:s22] =	ssyncadd.s32 $0xFFFFF000  }
0xb9: {  	[bflag:$0x0] =	sbarrier.arrive $0xFFFF  }
0xba: {  	[tilespmem:s23], [sflag:$0x3] =	stream.indirect.gather [spmem:s1], $0x1, s20, s19, $0xb8;
	[tilespmem:$0x1E800] =	vst v63  }
0xbb: {  	_ =	swait.ge [sflag:s22], $0x1000  }
0xbc: {  	[sflag:s22] =	ssyncset.done $0x0  }
0xbd: {  	s31 =	simm.s32 $0x0;
	[sflag:s22] =	ssyncadd.s32 $0xFFFFF000  }
0xbe: {  	v5 =	vld [tilespmem:s31+$0x13000];
	_ =	sdelay $0x3  }
0xbf: {  	v4 =	vld [tilespmem:s31+$0x15000]  }
0xc0: {  	s26 =	smov.u32 s0;
	v6 =	vmov s0;
	s5 =	simm.s32 $0x80;
	v8 =	vor.u32 s0, v0;
	s3 =	simm.s32 $0x40;
	v7 =	vshrl.u32 v5, $0x1A  }
.LBB2_8:
0xc1: {  	p0 =	sne.s32 s5, $0x3FC0;
	s6 =	sshra.s32 s3, $0x2;
	v7 =	vmul.u32 v8, v7;
	v6 =	vsub.s32 v3, v6;
	s3 =	smov.u32 s5  }
0xc2: {  	v8 =	vand.u32 $0x3FFFFFF, v5;
	v5 =	vld [tilespmem:s6+$0x13000]  }
.Ltmp3:
0xc3: {  	vm0 =	vlt.u32 v7, v8;
	(pc) =	sbr.rel @p0 .LBB2_8-.Ltmp3, $4  }
0xc4: {  	vm1 =	vne.s32 v4, $0x0;
	v4 =	vsel vm0, $0x0, v4  }
0xc5: {  	vm0 =	vmand vm1, vm0;
	[tilespmem:s31+$0x15000] =	vst v4  }
0xc6: {  	s26 =	sadd.s32 $0x10, s26;
	v4 =	vld [tilespmem:s6+$0x15000];
	v9 =	vnsel vm0, $0x0, v6  }
0xc7: {  	s5 =	sadd.s32 $0x40, s5;
	v8 =	vor.u32 s26, v0;
	v6 =	vmov s26;
	v7 =	vshrl.u32 v5, $0x1A;
	[tilespmem:s31+$0x14000] =	vst v9;
	s31 =	smov.u32 s6  }
0xc8: {  	v7 =	vmul.u32 v8, v7  }
0xc9: {  	s3 =	sshra.s32 s3, $0x2;
	v5 =	vand.u32 $0x3FFFFFF, v5  }
0xca: {  	v8 =	vld [tilespmem:s3+$0x13000];
	vm0 =	vlt.u32 v7, v5  }
0xcb: {  	v5 =	vsel vm0, $0x0, v4  }
0xcc: {  	[tilespmem:s31+$0x15000] =	vst v5  }
0xcd: {  	v5 =	vld [tilespmem:s3+$0x15000]  }
0xce: {  	s5 =	sadd.s32 $0x10, s26  }
0xcf: {  	v7 =	vor.u32 s5, v0;
	vm1 =	vne.s32 v4, $0x0;
	v4 =	vshrl.u32 v8, $0x1A  }
0xd0: {  	v6 =	vsub.s32 v3, v6;
	vm0 =	vmand vm1, vm0;
	v4 =	vmul.u32 v7, v4  }
0xd1: {  	v6 =	vnsel vm0, $0x0, v6;
	v7 =	vand.u32 $0x3FFFFFF, v8  }
0xd2: {  	v8 =	vmov s5;
	vm14 =	vlt.u32 v4, v7;
	vm15 =	vne.s32 v5, $0x0  }
0xd3: {  	[tilespmem:s31+$0x14000] =	vst v6;
	v4 =	vsub.s32 v3, v8;
	v5 =	vsel vm14, $0x0, v5;
	vm0 =	vmand vm15, vm14  }
0xd4: {  	[tilespmem:s3+$0x15000] =	vst v5;
	v4 =	vnsel vm0, $0x0, v4  }
0xd5: {  	[tilespmem:s3+$0x14000] =	vst v4  }
0xd6: {  	[bflag:$0x0] =	sbarrier.arrive $0xFFFF  }
0xd7: {  	[spmem:s1] =	stream.indirect.scatter.add.s32 [tilespmem:s21], [sflag:$0x3], $0x1, s20, s19, $0xb8;
	[tilespmem:$0x1E800] =	vst v63  }
0xd8: {  	_ =	swait.ge [sflag:s22], $0x1000  }
0xd9: {  	[sflag:s22] =	ssyncset.done $0x0  }
0xda: {  	[sflag:s22] =	ssyncadd.s32 $0xFFFFF000  }
0xdb: {  	[bflag:$0x0] =	sbarrier.arrive $0xFFFF  }
0xdc: {  	[tilespmem:s23], [sflag:$0x3] =	stream.indirect.gather [spmem:s1], $0x1, s20, s19, $0xb8;
	[tilespmem:$0x1E800] =	vst v63  }
0xdd: {  	_ =	swait.ge [sflag:s22], $0x1000  }
0xde: {  	[sflag:s22] =	ssyncset.done $0x0  }
0xdf: {  	s31 =	simm.s32 $0x0;
	[sflag:s22] =	ssyncadd.s32 $0xFFFFF000  }
0xe0: {  	v5 =	vld [tilespmem:s31+$0x13000];
	_ =	sdelay $0x3  }
0xe1: {  	v4 =	vld [tilespmem:s31+$0x15000]  }
0xe2: {  	s26 =	smov.u32 s0;
	v6 =	vmov s0;
	s5 =	simm.s32 $0x80;
	v8 =	vor.u32 s0, v0;
	s3 =	simm.s32 $0x40;
	v7 =	vshrl.u32 v5, $0x1A  }
.LBB2_10:
0xe3: {  	p0 =	sne.s32 s5, $0x3FC0;
	s6 =	sshra.s32 s3, $0x2;
	v7 =	vmul.u32 v8, v7;
	v6 =	vsub.s32 v3, v6;
	s3 =	smov.u32 s5  }
0xe4: {  	v8 =	vand.u32 $0x3FFFFFF, v5;
	v5 =	vld [tilespmem:s6+$0x13000]  }
.Ltmp4:
0xe5: {  	vm0 =	vlt.u32 v7, v8;
	(pc) =	sbr.rel @p0 .LBB2_10-.Ltmp4, $4  }
0xe6: {  	vm1 =	vne.s32 v4, $0x0;
	v4 =	vsel vm0, $0x0, v4  }
0xe7: {  	vm0 =	vmand vm1, vm0;
	[tilespmem:s31+$0x15000] =	vst v4  }
0xe8: {  	s26 =	sadd.s32 $0x10, s26;
	v4 =	vld [tilespmem:s6+$0x15000];
	v9 =	vnsel vm0, $0x0, v6  }
0xe9: {  	s5 =	sadd.s32 $0x40, s5;
	v8 =	vor.u32 s26, v0;
	v6 =	vmov s26;
	v7 =	vshrl.u32 v5, $0x1A;
	[tilespmem:s31+$0x14000] =	vst v9;
	s31 =	smov.u32 s6  }
0xea: {  	v7 =	vmul.u32 v8, v7  }
0xeb: {  	s3 =	sshra.s32 s3, $0x2;
	v5 =	vand.u32 $0x3FFFFFF, v5  }
0xec: {  	v8 =	vld [tilespmem:s3+$0x13000];
	vm0 =	vlt.u32 v7, v5  }
0xed: {  	v5 =	vsel vm0, $0x0, v4  }
0xee: {  	[tilespmem:s31+$0x15000] =	vst v5  }
0xef: {  	v5 =	vld [tilespmem:s3+$0x15000]  }
0xf0: {  	s5 =	sadd.s32 $0x10, s26  }
0xf1: {  	v7 =	vor.u32 s5, v0;
	vm1 =	vne.s32 v4, $0x0;
	v4 =	vshrl.u32 v8, $0x1A  }
0xf2: {  	v6 =	vsub.s32 v3, v6;
	vm0 =	vmand vm1, vm0;
	v4 =	vmul.u32 v7, v4  }
0xf3: {  	v6 =	vnsel vm0, $0x0, v6;
	v7 =	vand.u32 $0x3FFFFFF, v8  }
0xf4: {  	v8 =	vmov s5;
	vm14 =	vlt.u32 v4, v7;
	vm15 =	vne.s32 v5, $0x0  }
0xf5: {  	[tilespmem:s31+$0x14000] =	vst v6;
	v4 =	vsub.s32 v3, v8;
	v5 =	vsel vm14, $0x0, v5;
	vm0 =	vmand vm15, vm14  }
0xf6: {  	[tilespmem:s3+$0x15000] =	vst v5;
	v4 =	vnsel vm0, $0x0, v4  }
0xf7: {  	[tilespmem:s3+$0x14000] =	vst v4  }
0xf8: {  	[bflag:$0x0] =	sbarrier.arrive $0xFFFF  }
0xf9: {  	[spmem:s1] =	stream.indirect.scatter.add.s32 [tilespmem:s21], [sflag:$0x3], $0x1, s20, s19, $0xb8;
	[tilespmem:$0x1E800] =	vst v63  }
0xfa: {  	_ =	swait.ge [sflag:s22], $0x1000  }
0xfb: {  	[sflag:s22] =	ssyncset.done $0x0  }
0xfc: {  	[sflag:s22] =	ssyncadd.s32 $0xFFFFF000  }
0xfd: {  	[bflag:$0x0] =	sbarrier.arrive $0xFFFF  }
0xfe: {  	[tilespmem:s23], [sflag:$0x3] =	stream.indirect.gather [spmem:s1], $0x1, s20, s19, $0xb8;
	[tilespmem:$0x1E800] =	vst v63  }
0xff: {  	_ =	swait.ge [sflag:s22], $0x1000  }
0x100: {  	[sflag:s22] =	ssyncset.done $0x0  }
0x101: {  	s31 =	simm.s32 $0x0;
	[sflag:s22] =	ssyncadd.s32 $0xFFFFF000  }
0x102: {  	v5 =	vld [tilespmem:s31+$0x13000];
	_ =	sdelay $0x3  }
0x103: {  	v4 =	vld [tilespmem:s31+$0x15000]  }
0x104: {  	s26 =	smov.u32 s0;
	v6 =	vmov s0;
	s5 =	simm.s32 $0x80;
	v8 =	vor.u32 s0, v0;
	s3 =	simm.s32 $0x40;
	v7 =	vshrl.u32 v5, $0x1A  }
.LBB2_12:
0x105: {  	p0 =	sne.s32 s5, $0x3FC0;
	s6 =	sshra.s32 s3, $0x2;
	v7 =	vmul.u32 v8, v7;
	v6 =	vsub.s32 v3, v6;
	s3 =	smov.u32 s5  }
0x106: {  	v8 =	vand.u32 $0x3FFFFFF, v5;
	v5 =	vld [tilespmem:s6+$0x13000]  }
.Ltmp5:
0x107: {  	vm0 =	vlt.u32 v7, v8;
	(pc) =	sbr.rel @p0 .LBB2_12-.Ltmp5, $4  }
0x108: {  	vm1 =	vne.s32 v4, $0x0;
	v4 =	vsel vm0, $0x0, v4  }
0x109: {  	vm0 =	vmand vm1, vm0;
	[tilespmem:s31+$0x15000] =	vst v4  }
0x10a: {  	s26 =	sadd.s32 $0x10, s26;
	v4 =	vld [tilespmem:s6+$0x15000];
	v9 =	vnsel vm0, $0x0, v6  }
0x10b: {  	s5 =	sadd.s32 $0x40, s5;
	v8 =	vor.u32 s26, v0;
	v6 =	vmov s26;
	v7 =	vshrl.u32 v5, $0x1A;
	[tilespmem:s31+$0x14000] =	vst v9;
	s31 =	smov.u32 s6  }
0x10c: {  	v7 =	vmul.u32 v8, v7  }
0x10d: {  	s3 =	sshra.s32 s3, $0x2;
	v5 =	vand.u32 $0x3FFFFFF, v5  }
0x10e: {  	v8 =	vld [tilespmem:s3+$0x13000];
	vm0 =	vlt.u32 v7, v5  }
0x10f: {  	v5 =	vsel vm0, $0x0, v4  }
0x110: {  	[tilespmem:s31+$0x15000] =	vst v5  }
0x111: {  	v5 =	vld [tilespmem:s3+$0x15000]  }
0x112: {  	s5 =	sadd.s32 $0x10, s26  }
0x113: {  	v7 =	vor.u32 s5, v0;
	vm1 =	vne.s32 v4, $0x0;
	v4 =	vshrl.u32 v8, $0x1A  }
0x114: {  	v6 =	vsub.s32 v3, v6;
	vm0 =	vmand vm1, vm0;
	v4 =	vmul.u32 v7, v4  }
0x115: {  	v6 =	vnsel vm0, $0x0, v6;
	v7 =	vand.u32 $0x3FFFFFF, v8  }
0x116: {  	v8 =	vmov s5;
	vm14 =	vlt.u32 v4, v7;
	vm15 =	vne.s32 v5, $0x0  }
0x117: {  	[tilespmem:s31+$0x14000] =	vst v6;
	v4 =	vsub.s32 v3, v8;
	v5 =	vsel vm14, $0x0, v5;
	vm0 =	vmand vm15, vm14  }
0x118: {  	[tilespmem:s3+$0x15000] =	vst v5;
	v4 =	vnsel vm0, $0x0, v4  }
0x119: {  	[tilespmem:s3+$0x14000] =	vst v4  }
0x11a: {  	[bflag:$0x0] =	sbarrier.arrive $0xFFFF  }
0x11b: {  	[spmem:s1] =	stream.indirect.scatter.add.s32 [tilespmem:s21], [sflag:$0x3], $0x1, s20, s19, $0xb8;
	[tilespmem:$0x1E800] =	vst v63  }
0x11c: {  	_ =	swait.ge [sflag:s22], $0x1000  }
0x11d: {  	[sflag:s22] =	ssyncset.done $0x0  }
0x11e: {  	[sflag:s22] =	ssyncadd.s32 $0xFFFFF000  }
0x11f: {  	[bflag:$0x0] =	sbarrier.arrive $0xFFFF  }
0x120: {  	[tilespmem:s23], [sflag:$0x3] =	stream.indirect.gather [spmem:s1], $0x1, s20, s19, $0xb8;
	[tilespmem:$0x1E800] =	vst v63  }
0x121: {  	_ =	swait.ge [sflag:s22], $0x1000  }
0x122: {  	[sflag:s22] =	ssyncset.done $0x0  }
0x123: {  	s31 =	simm.s32 $0x0;
	[sflag:s22] =	ssyncadd.s32 $0xFFFFF000  }
0x124: {  	v5 =	vld [tilespmem:s31+$0x13000];
	_ =	sdelay $0x3  }
0x125: {  	v4 =	vld [tilespmem:s31+$0x15000]  }
0x126: {  	s26 =	smov.u32 s0;
	v6 =	vmov s0;
	s5 =	simm.s32 $0x80;
	v8 =	vor.u32 s0, v0;
	s3 =	simm.s32 $0x40;
	v7 =	vshrl.u32 v5, $0x1A  }
.LBB2_14:
0x127: {  	p0 =	sne.s32 s5, $0x3FC0;
	s6 =	sshra.s32 s3, $0x2;
	v7 =	vmul.u32 v8, v7;
	v6 =	vsub.s32 v3, v6;
	s3 =	smov.u32 s5  }
0x128: {  	v8 =	vand.u32 $0x3FFFFFF, v5;
	v5 =	vld [tilespmem:s6+$0x13000]  }
.Ltmp6:
0x129: {  	vm0 =	vlt.u32 v7, v8;
	(pc) =	sbr.rel @p0 .LBB2_14-.Ltmp6, $4  }
0x12a: {  	vm1 =	vne.s32 v4, $0x0;
	v4 =	vsel vm0, $0x0, v4  }
0x12b: {  	vm0 =	vmand vm1, vm0;
	[tilespmem:s31+$0x15000] =	vst v4  }
0x12c: {  	s26 =	sadd.s32 $0x10, s26;
	v4 =	vld [tilespmem:s6+$0x15000];
	v9 =	vnsel vm0, $0x0, v6  }
0x12d: {  	s5 =	sadd.s32 $0x40, s5;
	v8 =	vor.u32 s26, v0;
	v6 =	vmov s26;
	v7 =	vshrl.u32 v5, $0x1A;
	[tilespmem:s31+$0x14000] =	vst v9;
	s31 =	smov.u32 s6  }
0x12e: {  	v7 =	vmul.u32 v8, v7  }
0x12f: {  	s3 =	sshra.s32 s3, $0x2;
	v5 =	vand.u32 $0x3FFFFFF, v5  }
0x130: {  	v60 =	vld [tilespmem:s3+$0x13000];
	vm0 =	vlt.u32 v7, v5  }
0x131: {  	v5 =	vsel vm0, $0x0, v4  }
0x132: {  	[tilespmem:s31+$0x15000] =	vst v5  }
0x133: {  	v5 =	vld [tilespmem:s3+$0x15000]  }
0x134: {  	s5 =	sadd.s32 $0x10, s26  }
0x135: {  	v61 =	vor.u32 s5, v0;
	vm1 =	vne.s32 v4, $0x0;
	v4 =	vshrl.u32 v60, $0x1A  }
0x136: {  	v6 =	vsub.s32 v3, v6;
	v4 =	vmul.u32 v61, v4  }
0x137: {  	v63 =	vmov s5;
	vm0 =	vmand vm1, vm0;
	v62 =	vand.u32 $0x3FFFFFF, v60  }
0x138: {  	v6 =	vnsel vm0, $0x0, v6;
	vm14 =	vlt.u32 v4, v62;
	vm15 =	vne.s32 v5, $0x0  }
0x139: {  	[tilespmem:s31+$0x14000] =	vst v6;
	v4 =	vsub.s32 v3, v63;
	v5 =	vsel vm14, $0x0, v5;
	vm0 =	vmand vm15, vm14  }
0x13a: {  	[tilespmem:s3+$0x15000] =	vst v5;
	v4 =	vnsel vm0, $0x0, v4  }
0x13b: {  	[tilespmem:s3+$0x14000] =	vst v4  }
0x13c: {  	[bflag:$0x0] =	sbarrier.arrive $0xFFFF  }
0x13d: {  	[spmem:s1] =	stream.indirect.scatter.add.s32 [tilespmem:s21], [sflag:$0x3], $0x1, s20, s19, $0xb8;
	[tilespmem:$0x1E800] =	vst v63  }
0x13e: {  	_ =	swait.ge [sflag:s22], $0x1000  }
0x13f: {  	[sflag:s22] =	ssyncset.done $0x0  }
0x140: {  	[sflag:s22] =	ssyncadd.s32 $0xFFFFF000  }
0x141: {  	[bflag:$0x0] =	sbarrier.arrive $0xFFFF  }
0x142: {  	s31 =	simm.s32 $0x800;
	s26 =	rddreg [dreg:$0x7]  }
0x143: {  	[tilespmem:s24], [sflag:$0x3] =	stream.indirect.gather [spmem:s1], $0x1, s26, s31, $0xb8;
	[tilespmem:$0x1E800] =	vst v63  }
0x144: {  	_ =	swait.ge [sflag:s22], $0x800  }
0x145: {  	[sflag:s22] =	ssyncset.done $0x0  }
0x146: {  	s5 =	simm.s32 $0x40;
	s3 =	simm.s32 $0x0;
	[sflag:s22] =	ssyncadd.s32 $0xFFFFF800  }
.LBB2_16:
0x147: {  	p0 =	sne.s32 s5, $0x1FC0;
	v4 =	vld [tilespmem:s3+$0x16000];
	_ =	sdelay $0x1  }
.Ltmp7:
0x148: {  	(pc) =	sbr.rel @p0 .LBB2_16-.Ltmp7, $3  }
0x149: {  	_ =	sdelay $0x1  }
0x14a: {  	v4 =	vand.u32 $0x3FFFFFF, v4  }
0x14b: {  	[tilespmem:s3+$0x16000] =	vst v4;
	s3 =	sshra.s32 s5, $0x2;
	s5 =	sadd.s32 $0x40, s5  }
0x14c: {  	v4 =	vld [tilespmem:s3+$0x16000];
	_ =	sdelay $0x4  }
0x14d: {  	v4 =	vand.u32 $0x3FFFFFF, v4  }
0x14e: {  	[tilespmem:s3+$0x16000] =	vst v4  }
0x14f: {  	[tilespmem:s28], [sflag:$0x1] =	stream.indirect.gather [hbm4b:s4+s25], $0x80, s24, s25, $0xb8;
	[tilespmem:$0x1E800] =	vst v63  }
0x150: {  	s5 =	simm.s32 $0x16080  }
0x151: {  	[tilespmem:s29], [sflag:$0x2] =	stream.indirect.gather [hbm4b:s4+s25], $0x80, s5, s25, $0xb8;
	[tilespmem:$0x1E800] =	vst v63  }
0x152: {  	_ =	swait.ge [sflag:s17], $0x4000  }
0x153: {  	[sflag:s17] =	ssyncset.done $0x0  }
0x154: {  	s6 =	rddreg [dreg:$0x8];
	[sflag:s17] =	ssyncadd.s32 $0xFFFFC000  }
0x155: {  	[hbm4b:s6+s2] =	stream.linear.scatter [tilespmem:s28], [sflag:$0x3], $0x4000, $0x38;
	[tilespmem:$0x1E800] =	vst v63  }
0x156: {  	_ =	swait.ge [sflag:s22], $0x4000  }
0x157: {  	[sflag:s22] =	ssyncset.done $0x0  }
0x158: {  	s26 =	simm.s32 $0x16100;
	[sflag:s22] =	ssyncadd.s32 $0xFFFFC000  }
0x159: {  	[tilespmem:s28], [sflag:$0x1] =	stream.indirect.gather [hbm4b:s4+s25], $0x80, s26, s25, $0xb8;
	[tilespmem:$0x1E800] =	vst v63  }
0x15a: {  	_ =	swait.ge [sflag:s18], $0x4000  }
0x15b: {  	[sflag:s18] =	ssyncset.done $0x0  }
0x15c: {  	s31 =	rddreg [dreg:$0x9];
	[sflag:s18] =	ssyncadd.s32 $0xFFFFC000  }
0x15d: {  	[hbm4b:s31+s2] =	stream.linear.scatter [tilespmem:s29], [sflag:$0x3], $0x4000, $0x38;
	[tilespmem:$0x1E800] =	vst v63  }
0x15e: {  	_ =	swait.ge [sflag:s22], $0x4000  }
0x15f: {  	[sflag:s22] =	ssyncset.done $0x0  }
0x160: {  	s5 =	simm.s32 $0x16180;
	[sflag:s22] =	ssyncadd.s32 $0xFFFFC000  }
0x161: {  	[tilespmem:s29], [sflag:$0x2] =	stream.indirect.gather [hbm4b:s4+s25], $0x80, s5, s25, $0xb8;
	[tilespmem:$0x1E800] =	vst v63  }
0x162: {  	_ =	swait.ge [sflag:s17], $0x4000  }
0x163: {  	[sflag:s17] =	ssyncset.done $0x0  }
0x164: {  	s6 =	rddreg [dreg:$0xa];
	[sflag:s17] =	ssyncadd.s32 $0xFFFFC000  }
0x165: {  	[hbm4b:s6+s2] =	stream.linear.scatter [tilespmem:s28], [sflag:$0x3], $0x4000, $0x38;
	[tilespmem:$0x1E800] =	vst v63  }
0x166: {  	_ =	swait.ge [sflag:s22], $0x4000  }
0x167: {  	[sflag:s22] =	ssyncset.done $0x0  }
0x168: {  	s26 =	simm.s32 $0x16200;
	[sflag:s22] =	ssyncadd.s32 $0xFFFFC000  }
0x169: {  	[tilespmem:s28], [sflag:$0x1] =	stream.indirect.gather [hbm4b:s4+s25], $0x80, s26, s25, $0xb8;
	[tilespmem:$0x1E800] =	vst v63  }
0x16a: {  	_ =	swait.ge [sflag:s18], $0x4000  }
0x16b: {  	[sflag:s18] =	ssyncset.done $0x0  }
0x16c: {  	s31 =	rddreg [dreg:$0xb];
	[sflag:s18] =	ssyncadd.s32 $0xFFFFC000  }
0x16d: {  	[hbm4b:s31+s2] =	stream.linear.scatter [tilespmem:s29], [sflag:$0x3], $0x4000, $0x38;
	[tilespmem:$0x1E800] =	vst v63  }
0x16e: {  	_ =	swait.ge [sflag:s22], $0x4000  }
0x16f: {  	[sflag:s22] =	ssyncset.done $0x0  }
0x170: {  	s5 =	simm.s32 $0x16280;
	[sflag:s22] =	ssyncadd.s32 $0xFFFFC000  }
0x171: {  	[tilespmem:s29], [sflag:$0x2] =	stream.indirect.gather [hbm4b:s4+s25], $0x80, s5, s25, $0xb8;
	[tilespmem:$0x1E800] =	vst v63  }
0x172: {  	_ =	swait.ge [sflag:s17], $0x4000  }
0x173: {  	[sflag:s17] =	ssyncset.done $0x0  }
0x174: {  	s6 =	rddreg [dreg:$0xc];
	[sflag:s17] =	ssyncadd.s32 $0xFFFFC000  }
0x175: {  	[hbm4b:s6+s2] =	stream.linear.scatter [tilespmem:s28], [sflag:$0x3], $0x4000, $0x38;
	[tilespmem:$0x1E800] =	vst v63  }
0x176: {  	_ =	swait.ge [sflag:s22], $0x4000  }
0x177: {  	[sflag:s22] =	ssyncset.done $0x0  }
0x178: {  	s26 =	simm.s32 $0x16300;
	[sflag:s22] =	ssyncadd.s32 $0xFFFFC000  }
0x179: {  	[tilespmem:s28], [sflag:$0x1] =	stream.indirect.gather [hbm4b:s4+s25], $0x80, s26, s25, $0xb8;
	[tilespmem:$0x1E800] =	vst v63  }
0x17a: {  	_ =	swait.ge [sflag:s18], $0x4000  }
0x17b: {  	[sflag:s18] =	ssyncset.done $0x0  }
0x17c: {  	s31 =	rddreg [dreg:$0xd];
	[sflag:s18] =	ssyncadd.s32 $0xFFFFC000  }
0x17d: {  	[hbm4b:s31+s2] =	stream.linear.scatter [tilespmem:s29], [sflag:$0x3], $0x4000, $0x38;
	[tilespmem:$0x1E800] =	vst v63  }
0x17e: {  	_ =	swait.ge [sflag:s22], $0x4000  }
0x17f: {  	[sflag:s22] =	ssyncset.done $0x0  }
0x180: {  	s5 =	simm.s32 $0x16380;
	[sflag:s22] =	ssyncadd.s32 $0xFFFFC000  }
0x181: {  	[tilespmem:s29], [sflag:$0x2] =	stream.indirect.gather [hbm4b:s4+s25], $0x80, s5, s25, $0xb8;
	[tilespmem:$0x1E800] =	vst v63  }
0x182: {  	_ =	swait.ge [sflag:s17], $0x4000  }
0x183: {  	[sflag:s17] =	ssyncset.done $0x0  }
0x184: {  	s6 =	rddreg [dreg:$0xe];
	[sflag:s17] =	ssyncadd.s32 $0xFFFFC000  }
0x185: {  	[hbm4b:s6+s2] =	stream.linear.scatter [tilespmem:s28], [sflag:$0x3], $0x4000, $0x38;
	[tilespmem:$0x1E800] =	vst v63  }
0x186: {  	_ =	swait.ge [sflag:s22], $0x4000  }
0x187: {  	[sflag:s22] =	ssyncset.done $0x0  }
0x188: {  	s26 =	simm.s32 $0x16400;
	[sflag:s22] =	ssyncadd.s32 $0xFFFFC000  }
0x189: {  	[tilespmem:s28], [sflag:$0x1] =	stream.indirect.gather [hbm4b:s4+s25], $0x80, s26, s25, $0xb8;
	[tilespmem:$0x1E800] =	vst v63  }
0x18a: {  	_ =	swait.ge [sflag:s18], $0x4000  }
0x18b: {  	[sflag:s18] =	ssyncset.done $0x0  }
0x18c: {  	s31 =	rddreg [dreg:$0xf];
	[sflag:s18] =	ssyncadd.s32 $0xFFFFC000  }
0x18d: {  	[hbm4b:s31+s2] =	stream.linear.scatter [tilespmem:s29], [sflag:$0x3], $0x4000, $0x38;
	[tilespmem:$0x1E800] =	vst v63  }
0x18e: {  	_ =	swait.ge [sflag:s22], $0x4000  }
0x18f: {  	[sflag:s22] =	ssyncset.done $0x0  }
0x190: {  	s5 =	simm.s32 $0x16480;
	[sflag:s22] =	ssyncadd.s32 $0xFFFFC000  }
0x191: {  	[tilespmem:s29], [sflag:$0x2] =	stream.indirect.gather [hbm4b:s4+s25], $0x80, s5, s25, $0xb8;
	[tilespmem:$0x1E800] =	vst v63  }
0x192: {  	_ =	swait.ge [sflag:s17], $0x4000  }
0x193: {  	[sflag:s17] =	ssyncset.done $0x0  }
0x194: {  	s6 =	rddreg [dreg:$0x10];
	[sflag:s17] =	ssyncadd.s32 $0xFFFFC000  }
0x195: {  	[hbm4b:s6+s2] =	stream.linear.scatter [tilespmem:s28], [sflag:$0x3], $0x4000, $0x38;
	[tilespmem:$0x1E800] =	vst v63  }
0x196: {  	_ =	swait.ge [sflag:s22], $0x4000  }
0x197: {  	[sflag:s22] =	ssyncset.done $0x0  }
0x198: {  	s26 =	simm.s32 $0x16500;
	[sflag:s22] =	ssyncadd.s32 $0xFFFFC000  }
0x199: {  	[tilespmem:s28], [sflag:$0x1] =	stream.indirect.gather [hbm4b:s4+s25], $0x80, s26, s25, $0xb8;
	[tilespmem:$0x1E800] =	vst v63  }
0x19a: {  	_ =	swait.ge [sflag:s18], $0x4000  }
0x19b: {  	[sflag:s18] =	ssyncset.done $0x0  }
0x19c: {  	s31 =	rddreg [dreg:$0x11];
	[sflag:s18] =	ssyncadd.s32 $0xFFFFC000  }
0x19d: {  	[hbm4b:s31+s2] =	stream.linear.scatter [tilespmem:s29], [sflag:$0x3], $0x4000, $0x38;
	[tilespmem:$0x1E800] =	vst v63  }
0x19e: {  	_ =	swait.ge [sflag:s22], $0x4000  }
0x19f: {  	[sflag:s22] =	ssyncset.done $0x0  }
0x1a0: {  	s5 =	simm.s32 $0x16580;
	[sflag:s22] =	ssyncadd.s32 $0xFFFFC000  }
0x1a1: {  	[tilespmem:s29], [sflag:$0x2] =	stream.indirect.gather [hbm4b:s4+s25], $0x80, s5, s25, $0xb8;
	[tilespmem:$0x1E800] =	vst v63  }
0x1a2: {  	_ =	swait.ge [sflag:s17], $0x4000  }
0x1a3: {  	[sflag:s17] =	ssyncset.done $0x0  }
0x1a4: {  	s6 =	rddreg [dreg:$0x12];
	[sflag:s17] =	ssyncadd.s32 $0xFFFFC000  }
0x1a5: {  	[hbm4b:s6+s2] =	stream.linear.scatter [tilespmem:s28], [sflag:$0x3], $0x4000, $0x38;
	[tilespmem:$0x1E800] =	vst v63  }
0x1a6: {  	_ =	swait.ge [sflag:s22], $0x4000  }
0x1a7: {  	[sflag:s22] =	ssyncset.done $0x0  }
0x1a8: {  	s26 =	simm.s32 $0x16600;
	[sflag:s22] =	ssyncadd.s32 $0xFFFFC000  }
0x1a9: {  	[tilespmem:s28], [sflag:$0x1] =	stream.indirect.gather [hbm4b:s4+s25], $0x80, s26, s25, $0xb8;
	[tilespmem:$0x1E800] =	vst v63  }
0x1aa: {  	_ =	swait.ge [sflag:s18], $0x4000  }
0x1ab: {  	[sflag:s18] =	ssyncset.done $0x0  }
0x1ac: {  	s31 =	rddreg [dreg:$0x13];
	[sflag:s18] =	ssyncadd.s32 $0xFFFFC000  }
0x1ad: {  	[hbm4b:s31+s2] =	stream.linear.scatter [tilespmem:s29], [sflag:$0x3], $0x4000, $0x38;
	[tilespmem:$0x1E800] =	vst v63  }
0x1ae: {  	_ =	swait.ge [sflag:s22], $0x4000  }
0x1af: {  	[sflag:s22] =	ssyncset.done $0x0  }
0x1b0: {  	s5 =	simm.s32 $0x16680;
	[sflag:s22] =	ssyncadd.s32 $0xFFFFC000  }
0x1b1: {  	[tilespmem:s29], [sflag:$0x2] =	stream.indirect.gather [hbm4b:s4+s25], $0x80, s5, s25, $0xb8;
	[tilespmem:$0x1E800] =	vst v63  }
0x1b2: {  	_ =	swait.ge [sflag:s17], $0x4000  }
0x1b3: {  	[sflag:s17] =	ssyncset.done $0x0  }
0x1b4: {  	s6 =	rddreg [dreg:$0x14];
	[sflag:s17] =	ssyncadd.s32 $0xFFFFC000  }
0x1b5: {  	[hbm4b:s6+s2] =	stream.linear.scatter [tilespmem:s28], [sflag:$0x3], $0x4000, $0x38;
	[tilespmem:$0x1E800] =	vst v63  }
0x1b6: {  	_ =	swait.ge [sflag:s22], $0x4000  }
0x1b7: {  	[sflag:s22] =	ssyncset.done $0x0  }
0x1b8: {  	s26 =	simm.s32 $0x16700;
	[sflag:s22] =	ssyncadd.s32 $0xFFFFC000  }
0x1b9: {  	[tilespmem:s28], [sflag:$0x1] =	stream.indirect.gather [hbm4b:s4+s25], $0x80, s26, s25, $0xb8;
	[tilespmem:$0x1E800] =	vst v63  }
0x1ba: {  	_ =	swait.ge [sflag:s18], $0x4000  }
0x1bb: {  	[sflag:s18] =	ssyncset.done $0x0  }
0x1bc: {  	s31 =	rddreg [dreg:$0x15];
	[sflag:s18] =	ssyncadd.s32 $0xFFFFC000  }
0x1bd: {  	[hbm4b:s31+s2] =	stream.linear.scatter [tilespmem:s29], [sflag:$0x3], $0x4000, $0x38;
	[tilespmem:$0x1E800] =	vst v63  }
0x1be: {  	_ =	swait.ge [sflag:s22], $0x4000  }
0x1bf: {  	[sflag:s22] =	ssyncset.done $0x0  }
0x1c0: {  	s5 =	simm.s32 $0x16780;
	[sflag:s22] =	ssyncadd.s32 $0xFFFFC000  }
0x1c1: {  	[tilespmem:s29], [sflag:$0x2] =	stream.indirect.gather [hbm4b:s4+s25], $0x80, s5, s25, $0xb8;
	[tilespmem:$0x1E800] =	vst v63  }
0x1c2: {  	_ =	swait.ge [sflag:s17], $0x4000  }
0x1c3: {  	[sflag:s17] =	ssyncset.done $0x0  }
0x1c4: {  	s6 =	rddreg [dreg:$0x16];
	[sflag:s17] =	ssyncadd.s32 $0xFFFFC000  }
0x1c5: {  	[hbm4b:s6+s2] =	stream.linear.scatter [tilespmem:s28], [sflag:$0x3], $0x4000, $0x38;
	[tilespmem:$0x1E800] =	vst v63  }
0x1c6: {  	_ =	swait.ge [sflag:s22], $0x4000  }
0x1c7: {  	[sflag:s22] =	ssyncset.done $0x0  }
0x1c8: {  	[sflag:s22] =	ssyncadd.s32 $0xFFFFC000  }
0x1c9: {  	_ =	swait.ge [sflag:s18], $0x4000  }
0x1ca: {  	[sflag:s18] =	ssyncset.done $0x0  }
0x1cb: {  	s26 =	rddreg [dreg:$0x17];
	[sflag:s18] =	ssyncadd.s32 $0xFFFFC000  }
0x1cc: {  	[hbm4b:s26+s2] =	stream.linear.scatter [tilespmem:s29], [sflag:$0x3], $0x4000, $0x38;
	[tilespmem:$0x1E800] =	vst v63  }
0x1cd: {  	_ =	swait.ge [sflag:s22], $0x4000  }
0x1ce: {  	s30 =	sadd.s32 $0x1, s30;
	s31 =	rddreg [dreg:$0x18]  }
0x1cf: {  	p0 =	sne.s32 s30, s31  }
.Ltmp8:
0x1d0: {  	_ = 	snop;
	(pc) =	sbr.rel @p0 .LBB2_1-.Ltmp8, $3  }
0x1d1: {  	_ =	sdelay $0x1  }
0x1d2: {  	[sflag:s22] =	ssyncset.done $0x0  }
0x1d3: {  	[sflag:s22] =	ssyncadd.s32 $0xFFFFC000  }
0x1d4: {  	_ =	sfence.sel $0x180000  }
0x1d5: {  	[bflag:$0x0] =	sbarrier.arrive $0xFFFF  }
0x1d6: {  	_ =	strace $0x90000047  }
0x1d7: {  	s0 =	stileid.u32;
	[bflag:$0x2] =	sbarrier.arrive $0xFFFF  }
0x1d8: {  	p0 =	sne.s32 s0, $0x0;
	s0 =	rddreg [dreg:$0x4]  }
0x1d9: {  	s0 =	sadd.s32 @!p0 $0x100000, s0  }
0x1da: {  	[sflag:s0] =	ssyncadd.tile.s32 @!p0 $0x1;
	_ =	shalt  }
.Lfunc_end2:
_tile_overlayer_lowered:
.L_overlay_start_2:
0x1db: {  	(tag) =	ssettag $0x2  }
0x1dc: {  	s0 =	rddreg [dreg:$0x0];
	s2 =	stileid.u32  }
0x1dd: {  	s1 =	rddreg [dreg:$0x1];
	p0 =	sne.s32 s2, $0x0  }
0x1de: {  	s3 =	rddreg [dreg:$0x2];
	[bflag:$0x3] =	sbarrier.arrive $0xFFFF;
	s2 =	simm.s32 @!p0 $0x1C03  }
0x1df: {  	[timem:s3], [sflag:s2] =	dma.local @!p0 [hbm:s0], s1  }
0x1e0: {  	s0 =	simm.s32 @!p0 $0x3  }
0x1e1: {  	_ =	swait.ge @!p0 [sflag:s0], s1  }
0x1e2: {  	s1 =	ssub.s32 @!p0 $0x0, s1;
	[sflag:s0] =	ssyncset.done @!p0 $0x0  }
0x1e3: {  	[sflag:s0] =	ssyncadd.s32 @!p0 s1  }
0x1e4: {  	[bflag:$0x3] =	sbarrier.arrive $0xFFFF  }
0x1e5: {  	_ =	shalt  }

</sc_bundles>
